<compile_context>
chip_gen: v7x
topology: tpu7x:2x2x1
jax: 0.10.2.dev20260603
libtpu: 0.0.44.dev20260713+nightly
codegen_flags: <defaults>
</compile_context>

<pallas_src>
import functools

import jax
import jax.numpy as jnp
from jax import lax
from jax.experimental import pallas as pl
from jax.experimental.pallas import tpu as pltpu
from jax.experimental.pallas import tpu_sc as plsc

N = 10000
E = 320000
D = 128
DE = 16
TD = 32
MD = 128
ED = 128

NW = 32
EPW = E // NW
B = 80
K = EPW // B
BB = 40
KB = EPW // BB
KC = 50
N_PAD = 10240
RPT = N_PAD // 16

f32 = jnp.float32

_S = (0.9999997069578552, -0.16666577198040858, 0.008332557998290352,
      -0.00019812572236973137, 2.7040473311964398e-06,
      -2.053408005585339e-08)
_TWO_PI_HI = 6.28125
_TWO_PI_LO = 0.0019353071795864769


def _fast_sin(x):
    k = jnp.round(x * (1.0 / 6.283185307179586))
    r = (x - k * _TWO_PI_HI) - k * _TWO_PI_LO
    r2 = r * r
    s = _S[5]
    for c in (_S[4], _S[3], _S[2], _S[1], _S[0]):
        s = s * r2 + c
    return s * r



def _edge_pre_body(et_ref, ea_ref, wef_ref, bmsg_ref, tw_ref, tb_ref,
                   c2_ref, lat_ref, mx_ref):
    i = pl.program_id(0)
    et = et_ref[0, 0, :]
    te = _fast_sin(et[:, None] * tw_ref[0, :][None, :] + tb_ref[0, :][None, :])
    eafeat = jnp.concatenate([ea_ref[...], te], axis=1)
    c2_ref[...] = (jnp.dot(eafeat, wef_ref[...], preferred_element_type=f32)
                   + bmsg_ref[0, :][None, :])

    @pl.when(i == 0)
    def _():
        mx_ref[0] = -jnp.inf

    mx_ref[0] = jnp.maximum(mx_ref[0], jnp.max(et))

    @pl.when(i == pl.num_programs(0) - 1)
    def _():
        lat_ref[0, 0] = mx_ref[0]


def _node_pre_body(x_ref, w1x_ref, b1_ref, p1_ref):
    p1_ref[...] = (jnp.dot(x_ref[...], w1x_ref[...], preferred_element_type=f32)
                   + b1_ref[0, :][None, :])


def _msg_body(g1_ref, ea_ref, src_ref, w1e_ref, w2_ref, b2_ref, out_ref,
              cnt_ref):
    i = pl.program_id(0)
    h = jnp.maximum(
        g1_ref[...] + jnp.dot(ea_ref[...], w1e_ref[...],
                              preferred_element_type=f32), 0.0)
    out_ref[...] = jnp.maximum(
        jnp.dot(h, w2_ref[...], preferred_element_type=f32)
        + b2_ref[0, :][None, :], 0.0)
    srcv = src_ref[0, 0, :]
    g = (srcv[:, None] // 128
         == lax.broadcasted_iota(jnp.int32, (1, N_PAD // 128), 1)).astype(f32)
    o = (srcv[:, None] % 128
         == lax.broadcasted_iota(jnp.int32, (1, 128), 1)).astype(f32)
    contrib = lax.dot_general(g, o, (((0,), (0,)), ((), ())),
                              preferred_element_type=f32)

    @pl.when(i == 0)
    def _():
        cnt_ref[...] = jnp.zeros_like(cnt_ref)

    cnt_ref[...] += contrib


def _gru_body(pa_ref, cnt_ref, x_ref, lat_ref, tw_ref, tb_ref, wi_ref, bi_ref,
              bh_ref, wma_ref, woa_ref, bout_ref, paug_ref, aout_ref):
    cnt = cnt_ref[0, 0, :]
    agg = (pa_ref[0] + pa_ref[1]) / jnp.maximum(cnt, 1.0)[:, None]
    gi = jnp.dot(agg, wi_ref[...], preferred_element_type=f32) + bi_ref[0][None, :]
    bh = bh_ref[0]
    r = jax.nn.sigmoid(gi[:, :MD] + bh[None, :MD])
    z = jax.nn.sigmoid(gi[:, MD:2 * MD] + bh[None, MD:2 * MD])
    nt = jnp.tanh(gi[:, 2 * MD:] + r * bh[None, 2 * MD:])
    mem = (1.0 - z) * nt
    gte = jnp.sin(lat_ref[0, 0] * tw_ref[0] + tb_ref[0])
    aug = jnp.concatenate(
        [x_ref[...], mem,
         jnp.broadcast_to(gte[None, :], (mem.shape[0], TD))], axis=1)
    paug_ref[...] = jnp.dot(aug, wma_ref[...], preferred_element_type=f32)
    aout_ref[...] = (jnp.dot(aug, woa_ref[...], preferred_element_type=f32)
                     + bout_ref[0][None, :])


def _final_body(pa_ref, aout_ref, wog_ref, wc1_ref, bc1_ref, wc2_ref, bc2_ref,
                out_ref):
    agg2 = pa_ref[0] + pa_ref[1]
    x = jnp.maximum(
        aout_ref[...] + jnp.dot(agg2, wog_ref[...], preferred_element_type=f32),
        0.0)
    h2 = jnp.maximum(
        jnp.dot(x, wc1_ref[...], preferred_element_type=f32)
        + bc1_ref[0][None, :], 0.0)
    out_ref[...] = (jnp.dot(h2, wc2_ref[...], preferred_element_type=f32)
                    + bc2_ref[0][None, :])



_MESH = plsc.VectorSubcoreMesh(core_axis_name="c", subcore_axis_name="s")


def _zero_accum(buf, accum, rs):

    nb = buf.shape[0]

    def zb(r, carry):
        for cc8 in range(8):
            buf[r, pl.ds(cc8 * 16, 16)] = jnp.zeros((16,), f32)
        return carry

    lax.fori_loop(0, nb, zb, 0)

    def cp(k, carry):
        off = pl.multiple_of(rs + k * nb, 8)
        pltpu.sync_copy(buf, accum.at[pl.ds(off, nb)])
        return carry

    lax.fori_loop(0, RPT // nb, cp, 0)


@functools.partial(
    pl.kernel, mesh=_MESH,
    out_type=jax.ShapeDtypeStruct((E, D), f32),
    scratch_types=[
        pltpu.VMEM((K, B), jnp.int32),
        pltpu.VMEM((B, D), f32),
        pltpu.VMEM((B, D), f32),
        pltpu.SemaphoreType.DMA,
        pltpu.SemaphoreType.DMA,
    ])
def _sc_gather(table_hbm, idx_hbm, out_hbm, idx_v, rows, rows1, sem, sem1):
    c = lax.axis_index("c")
    s = lax.axis_index("s")
    wid = s * 2 + c
    pltpu.sync_copy(idx_hbm.at[wid], idx_v)
    base = wid * EPW

    def body(t, carry):
        j0 = t * 2
        g0 = pltpu.make_async_copy(table_hbm.at[idx_v.at[j0]], rows, sem)
        g0.start()
        g1 = pltpu.make_async_copy(table_hbm.at[idx_v.at[j0 + 1]], rows1, sem1)
        g1.start()
        g0.wait()
        pltpu.sync_copy(rows, out_hbm.at[pl.ds(pl.multiple_of(base + j0 * B, 16), B)])
        g1.wait()
        pltpu.sync_copy(rows1, out_hbm.at[pl.ds(pl.multiple_of(base + (j0 + 1) * B, 16), B)])
        return carry

    lax.fori_loop(0, K // 2, body, 0)
    jt = K - 1
    pltpu.async_copy(table_hbm.at[idx_v.at[jt]], rows, sem).wait()
    pltpu.sync_copy(rows, out_hbm.at[pl.ds(pl.multiple_of(base + jt * B, 16), B)])


@functools.partial(
    pl.kernel, mesh=_MESH,
    out_type=jax.ShapeDtypeStruct((2, N_PAD, MD), f32),
    scratch_types=[
        pltpu.VMEM((K, B), jnp.int32),
        pltpu.VMEM((B, MD), f32),
        pltpu.VMEM((B, MD), f32),
        pltpu.VMEM_SHARED((N_PAD, MD), f32),
        pltpu.SemaphoreType.DMA,
        pltpu.SemaphoreType.DMA,
    ])
def _sc_scatter(msg_hbm, idx_hbm, out_hbm, idx_v, rows, rows1, accum, sem,
                sem1):
    c = lax.axis_index("c")
    s = lax.axis_index("s")
    wid = s * 2 + c
    rs = s * RPT
    _zero_accum(rows, accum, rs)
    plsc.subcore_barrier()
    pltpu.sync_copy(idx_hbm.at[wid], idx_v)
    base = wid * EPW

    def body(t, carry):
        j0 = t * 2
        off0 = pl.multiple_of(base + j0 * B, 16)
        off1 = pl.multiple_of(base + (j0 + 1) * B, 16)
        g0 = pltpu.make_async_copy(msg_hbm.at[pl.ds(off0, B)], rows, sem)
        g0.start()
        g1 = pltpu.make_async_copy(msg_hbm.at[pl.ds(off1, B)], rows1, sem1)
        g1.start()
        g0.wait()
        pltpu.sync_copy(rows, accum.at[idx_v.at[j0]], add=True)
        g1.wait()
        pltpu.sync_copy(rows1, accum.at[idx_v.at[j0 + 1]], add=True)
        return carry

    lax.fori_loop(0, K // 2, body, 0)
    jt = K - 1
    offt = pl.multiple_of(base + jt * B, 16)
    pltpu.async_copy(msg_hbm.at[pl.ds(offt, B)], rows, sem).wait()
    pltpu.sync_copy(rows, accum.at[idx_v.at[jt]], add=True)
    plsc.subcore_barrier()
    pltpu.sync_copy(accum.at[pl.ds(rs, RPT)], out_hbm.at[c, pl.ds(rs, RPT)])


@functools.partial(
    pl.kernel, mesh=_MESH,
    out_type=jax.ShapeDtypeStruct((2, N_PAD, ED), f32),
    scratch_types=[
        pltpu.VMEM((KC, BB), jnp.int32),
        pltpu.VMEM((KC, BB), jnp.int32),
        pltpu.VMEM((BB, ED), f32),
        pltpu.VMEM((BB, ED), f32),
        pltpu.VMEM((BB, ED), f32),
        pltpu.VMEM((BB, ED), f32),
        pltpu.VMEM_SHARED((N_PAD, ED), f32),
        pltpu.SemaphoreType.DMA,
        pltpu.SemaphoreType.DMA,
        pltpu.SemaphoreType.DMA,
        pltpu.SemaphoreType.DMA,
        pltpu.SemaphoreType.DMA,
        pltpu.SemaphoreType.DMA,
    ])
def _sc_edgeb(paug_hbm, c2_hbm, sidx_hbm, didx_hbm, out_hbm,
              sidx_v, didx_v, gbuf0, gbuf1, cbuf0, cbuf1, accum,
              gsem0, gsem1, csem0, csem1, ssem0, ssem1):
    c = lax.axis_index("c")
    s = lax.axis_index("s")
    wid = s * 2 + c
    rs = s * RPT
    _zero_accum(gbuf0, accum, rs)
    plsc.subcore_barrier()
    base = wid * EPW

    def _relu_add(gbuf, cbuf):
        def ew_row(r, carry):
            for cc8 in range(8):
                col = cc8 * 16
                v = gbuf[r, pl.ds(col, 16)] + cbuf[r, pl.ds(col, 16)]
                gbuf[r, pl.ds(col, 16)] = jnp.maximum(v, 0.0)
            return carry

        lax.fori_loop(0, BB, ew_row, 0)

    def _run(c2_hbm, cbase):
        def outer(jj, carry):
            pltpu.sync_copy(sidx_hbm.at[wid, jj], sidx_v)
            pltpu.sync_copy(didx_hbm.at[wid, jj], didx_v)

            def body(t, carry2):
                j0 = t * 2
                off0 = pl.multiple_of(cbase + (jj * KC + j0) * BB, 8)
                off1 = pl.multiple_of(cbase + (jj * KC + j0 + 1) * BB, 8)
                s0 = pltpu.make_async_copy(gbuf0, accum.at[didx_v.at[j0]],
                                           ssem0)
                s1 = pltpu.make_async_copy(gbuf1, accum.at[didx_v.at[j0 + 1]],
                                           ssem1)

                @pl.when(jj * (KC // 2) + t > 0)
                def _():
                    s0.wait()
                    s1.wait()

                c0 = pltpu.make_async_copy(c2_hbm.at[pl.ds(off0, BB)], cbuf0,
                                           csem0)
                c0.start()
                g0 = pltpu.make_async_copy(paug_hbm.at[sidx_v.at[j0]], gbuf0,
                                           gsem0)
                g0.start()
                c1 = pltpu.make_async_copy(c2_hbm.at[pl.ds(off1, BB)], cbuf1,
                                           csem1)
                c1.start()
                g1 = pltpu.make_async_copy(paug_hbm.at[sidx_v.at[j0 + 1]],
                                           gbuf1, gsem1)
                g1.start()
                g0.wait()
                c0.wait()
                _relu_add(gbuf0, cbuf0)
                pltpu.async_copy(gbuf0, accum.at[didx_v.at[j0]], ssem0,
                                 add=True)
                g1.wait()
                c1.wait()
                _relu_add(gbuf1, cbuf1)
                pltpu.async_copy(gbuf1, accum.at[didx_v.at[j0 + 1]], ssem1,
                                 add=True)
                return carry2

            lax.fori_loop(0, KC // 2, body, 0)
            return carry

        lax.fori_loop(0, KB // KC, outer, 0)
        pltpu.make_async_copy(gbuf0, accum.at[didx_v.at[KC - 2]], ssem0).wait()
        pltpu.make_async_copy(gbuf1, accum.at[didx_v.at[KC - 1]], ssem1).wait()

    _run(c2_hbm, base)
    plsc.subcore_barrier()
    pltpu.sync_copy(accum.at[pl.ds(rs, RPT)], out_hbm.at[c, pl.ds(rs, RPT)])



def kernel(node_features, edge_index, edge_attr, edge_times, time_w, time_b,
           W1, b1, W2, b2, Wi, bi, Wh, bh, Wmsg, bmsg, Wout, bout,
           Wc1, bc1, Wc2, bc2):
    del Wh
    BE = 2000
    BN = 2000
    nbe = E // BE
    nbn = N // BN
    AUG = D + MD + TD

    src = edge_index[0].astype(jnp.int32)
    dst = edge_index[1].astype(jnp.int32)
    src3 = src.reshape(NW, K, B)
    dst3 = dst.reshape(NW, K, B)
    src_tc = src.reshape(nbe, 1, BE)
    et3 = edge_times.reshape(nbe, 1, BE)
    tw2 = time_w.reshape(1, TD)
    tb2 = time_b.reshape(1, TD)

    W1x = W1[:D]
    W1e = W1[D + MD:]
    Wm_aug = Wmsg[:AUG]
    Wm_ef = Wmsg[AUG:]
    Wo_aug = Wout[:AUG]
    Wo_agg = Wout[AUG:]

    c2, latest = pl.pallas_call(
        _edge_pre_body,
        grid=(nbe,),
        in_specs=[
            pl.BlockSpec((1, 1, BE), lambda i: (i, 0, 0)),
            pl.BlockSpec((BE, DE), lambda i: (i, 0)),
            pl.BlockSpec((DE + TD, ED), lambda i: (0, 0)),
            pl.BlockSpec((1, ED), lambda i: (0, 0)),
            pl.BlockSpec((1, TD), lambda i: (0, 0)),
            pl.BlockSpec((1, TD), lambda i: (0, 0)),
        ],
        out_specs=[
            pl.BlockSpec((BE, ED), lambda i: (i, 0)),
            pl.BlockSpec(memory_space=pltpu.SMEM),
        ],
        out_shape=[
            jax.ShapeDtypeStruct((E, ED), f32),
            jax.ShapeDtypeStruct((1, 1), f32),
        ],
        scratch_shapes=[pltpu.SMEM((1,), f32)],
    )(et3, edge_attr, Wm_ef, bmsg.reshape(1, ED), tw2, tb2)

    p1 = pl.pallas_call(
        _node_pre_body,
        grid=(nbn,),
        in_specs=[
            pl.BlockSpec((BN, D), lambda i: (i, 0)),
            pl.BlockSpec((D, ED), lambda i: (0, 0)),
            pl.BlockSpec((1, ED), lambda i: (0, 0)),
        ],
        out_specs=pl.BlockSpec((BN, ED), lambda i: (i, 0)),
        out_shape=jax.ShapeDtypeStruct((N, ED), f32),
    )(node_features, W1x, b1.reshape(1, ED))

    g1 = _sc_gather(p1, src3)

    msg, cnt_hist = pl.pallas_call(
        _msg_body,
        grid=(nbe,),
        in_specs=[
            pl.BlockSpec((BE, ED), lambda i: (i, 0)),
            pl.BlockSpec((BE, DE), lambda i: (i, 0)),
            pl.BlockSpec((1, 1, BE), lambda i: (i, 0, 0)),
            pl.BlockSpec((DE, ED), lambda i: (0, 0)),
            pl.BlockSpec((ED, MD), lambda i: (0, 0)),
            pl.BlockSpec((1, MD), lambda i: (0, 0)),
        ],
        out_specs=[
            pl.BlockSpec((BE, MD), lambda i: (i, 0)),
            pl.BlockSpec((N_PAD // 128, 128), lambda i: (0, 0)),
        ],
        out_shape=[
            jax.ShapeDtypeStruct((E, MD), f32),
            jax.ShapeDtypeStruct((N_PAD // 128, 128), f32),
        ],
    )(g1, edge_attr, src_tc, W1e, W2, b2.reshape(1, MD))
    cnt_tc = cnt_hist.reshape(N_PAD)[:N].reshape(nbn, 1, BN)

    agg_p = _sc_scatter(msg, src3)

    paug, aout = pl.pallas_call(
        _gru_body,
        grid=(nbn,),
        in_specs=[
            pl.BlockSpec((2, BN, MD), lambda i: (0, i, 0)),
            pl.BlockSpec((1, 1, BN), lambda i: (i, 0, 0)),
            pl.BlockSpec((BN, D), lambda i: (i, 0)),
            pl.BlockSpec(memory_space=pltpu.SMEM),
            pl.BlockSpec((1, TD), lambda i: (0, 0)),
            pl.BlockSpec((1, TD), lambda i: (0, 0)),
            pl.BlockSpec((MD, 3 * MD), lambda i: (0, 0)),
            pl.BlockSpec((1, 3 * MD), lambda i: (0, 0)),
            pl.BlockSpec((1, 3 * MD), lambda i: (0, 0)),
            pl.BlockSpec((AUG, ED), lambda i: (0, 0)),
            pl.BlockSpec((AUG, ED), lambda i: (0, 0)),
            pl.BlockSpec((1, ED), lambda i: (0, 0)),
        ],
        out_specs=[
            pl.BlockSpec((BN, ED), lambda i: (i, 0)),
            pl.BlockSpec((BN, ED), lambda i: (i, 0)),
        ],
        out_shape=[
            jax.ShapeDtypeStruct((N, ED), f32),
            jax.ShapeDtypeStruct((N, ED), f32),
        ],
    )(agg_p, cnt_tc, node_features, latest, tw2, tb2, Wi, bi.reshape(1, 3 * MD),
      bh.reshape(1, 3 * MD), Wm_aug, Wo_aug, bout.reshape(1, ED))

    src4 = src.reshape(NW, KB // KC, KC, BB)
    dst4 = dst.reshape(NW, KB // KC, KC, BB)
    agg2_p = _sc_edgeb(paug, c2, src4, dst4)

    logits = pl.pallas_call(
        _final_body,
        grid=(nbn,),
        in_specs=[
            pl.BlockSpec((2, BN, ED), lambda i: (0, i, 0)),
            pl.BlockSpec((BN, ED), lambda i: (i, 0)),
            pl.BlockSpec((ED, ED), lambda i: (0, 0)),
            pl.BlockSpec((ED, ED // 2), lambda i: (0, 0)),
            pl.BlockSpec((1, ED // 2), lambda i: (0, 0)),
            pl.BlockSpec((ED // 2, 2), lambda i: (0, 0)),
            pl.BlockSpec((1, 2), lambda i: (0, 0)),
        ],
        out_specs=pl.BlockSpec((BN, 2), lambda i: (i, 0)),
        out_shape=jax.ShapeDtypeStruct((N, 2), f32),
    )(agg2_p, aout, Wo_agg, Wc1, bc1.reshape(1, ED // 2), Wc2,
      bc2.reshape(1, 2))

    return logits

# --- scband reference (transcript-rebuilt; emitter-appended) ---
"""Pipeline reference for scband-temporal-graph-network-17540646437557 (READ-ONLY COPY).

The authoritative reference and input builder live on the scoring server;
editing this copy changes nothing except your own understanding.
"""

import jax, jax.numpy as jnp
import numpy as np

N = 10000
E = 320000
D = 128       # node_dim
DE = 16       # edge_dim
TD = 32       # time_dim
MD = 128      # memory_dim
ED = 128      # embedding_dim
NC = 2        # num_classes


def setup_inputs(seed: int = 0) -> dict:
    key = jax.random.key(seed)
    ks = jax.random.split(key, 24)
    def gl(k, shape):
        fan_in = shape[0]
        return jax.random.normal(k, shape, dtype=jnp.float32) * (1.0 / np.sqrt(fan_in))
    inp = {}
    inp['node_features'] = jax.random.normal(ks[0], (N, D), dtype=jnp.float32)
    inp['edge_index'] = jax.random.randint(ks[1], (2, E), 0, N, dtype=jnp.int64)
    inp['edge_attr'] = jax.random.normal(ks[2], (E, DE), dtype=jnp.float32)
    inp['edge_times'] = jax.random.uniform(ks[3], (E,), dtype=jnp.float32)
    # TimeEncoder ('sin'): w, b
    inp['time_w'] = jnp.ones((TD,), dtype=jnp.float32)
    inp['time_b'] = jnp.zeros((TD,), dtype=jnp.float32)
    # message_fn: Linear(node_dim+memory_dim+edge_dim -> embedding_dim), ReLU, Linear(embedding_dim -> memory_dim), ReLU
    inp['W1'] = gl(ks[4], (D + MD + DE, ED)); inp['b1'] = jnp.zeros((ED,), jnp.float32)
    inp['W2'] = gl(ks[5], (ED, MD)); inp['b2'] = jnp.zeros((MD,), jnp.float32)
    # GRUCell memory updater
    inp['Wi'] = gl(ks[6], (MD, 3 * MD)); inp['bi'] = jnp.zeros((3 * MD,), jnp.float32)
    inp['Wh'] = gl(ks[7], (MD, 3 * MD)); inp['bh'] = jnp.zeros((3 * MD,), jnp.float32)
    # GraphSumEmbedding: msg linear over [aug_src || edge_attr || time_enc], out linear over [aug || agg]
    AUG = D + MD + TD
    inp['Wmsg'] = gl(ks[8], (AUG + DE + TD, ED)); inp['bmsg'] = jnp.zeros((ED,), jnp.float32)
    inp['Wout'] = gl(ks[9], (AUG + ED, ED)); inp['bout'] = jnp.zeros((ED,), jnp.float32)
    # classifier MLP
    inp['Wc1'] = gl(ks[10], (ED, ED // 2)); inp['bc1'] = jnp.zeros((ED // 2,), jnp.float32)
    inp['Wc2'] = gl(ks[11], (ED // 2, NC)); inp['bc2'] = jnp.zeros((NC,), jnp.float32)
    return inp


def reference(node_features, edge_index, edge_attr, edge_times, time_w, time_b,
              W1, b1, W2, b2, Wi, bi, Wh, bh, Wmsg, bmsg, Wout, bout,
              Wc1, bc1, Wc2, bc2):
    n = node_features.shape[0]
    # sort events by time (compute_temporal_embeddings)
    order = jnp.argsort(edge_times)
    ei = edge_index[:, order]
    ea = edge_attr[order]
    et = edge_times[order]
    src = ei[0]
    dst = ei[1]
    # TimeEncoder (sin): sin(w * t + b)
    te = jnp.sin(et[:, None] * time_w[None, :] + time_b[None, :])  # [E, TD]
    # messages: message_fn(concat(x[src], memory[src], edge_attr)); memory starts at zero (reset_state)
    memory0 = jnp.zeros((n, MD), dtype=node_features.dtype)
    m_in = jnp.concatenate([jnp.take(node_features, src, axis=0),
                            jnp.take(memory0, src, axis=0), ea], axis=1)
    h = jax.nn.relu(m_in @ W1 + b1)
    msg = jax.nn.relu(h @ W2 + b2)  # [E, MD]
    # aggregate messages per source node (mean of events touching the node)
    agg = jax.ops.segment_sum(msg, src, num_segments=n)
    cnt = jax.ops.segment_sum(jnp.ones((msg.shape[0],), msg.dtype), src, num_segments=n)
    agg = agg / jnp.maximum(cnt, 1.0)[:, None]
    # GRUCell memory update
    gi = agg @ Wi + bi
    gh = memory0 @ Wh + bh
    ir, iz, inn = jnp.split(gi, 3, axis=1)
    hr, hz, hn = jnp.split(gh, 3, axis=1)
    r = jax.nn.sigmoid(ir + hr)
    z = jax.nn.sigmoid(iz + hz)
    nt = jnp.tanh(inn + r * hn)
    memory = (1.0 - z) * nt + z * memory0  # [N, MD]
    # global time encoding at latest timestamp
    latest = jnp.max(edge_times)
    gte = jnp.sin(latest * time_w + time_b)
    gte = jnp.broadcast_to(gte[None, :], (n, TD))
    aug = jnp.concatenate([node_features, memory, gte], axis=1)  # [N, D+MD+TD]
    # GraphSumEmbedding: message over edges w/ edge features = [edge_attr || time_enc]
    e_feat = jnp.concatenate([ea, te], axis=1)
    m2 = jax.nn.relu(jnp.concatenate([jnp.take(aug, src, axis=0), e_feat], axis=1) @ Wmsg + bmsg)
    agg2 = jax.ops.segment_sum(m2, dst, num_segments=n)
    x = jax.nn.relu(jnp.concatenate([aug, agg2], axis=1) @ Wout + bout)  # [N, ED]
    # classifier MLP (dropout inactive at inference)
    h2 = jax.nn.relu(x @ Wc1 + bc1)
    logits = h2 @ Wc2 + bc2  # [N, NC]
    return logits

if __name__ == "__main__":
    import jax
    _d = setup_inputs()
    print(jax.jit(kernel)(*tuple(_d.values())))

</pallas_src>

<mosaic_0001>
#map = affine_map<(d0, d1) -> (0, 0)>
#map1 = affine_map<(d0, d1) -> (0, 0, 0)>
module attributes {stable_mosaic.version = 14 : i64} {
  func.func @_sc_gather(%arg0: i32, %arg1: i32, %arg2: memref<10000x128xf32, #tpu.memory_space<hbm>>, %arg3: memref<32x125x80xi32, #tpu.memory_space<hbm>>, %arg4: memref<320000x128xf32, #tpu.memory_space<hbm>>, %arg5: memref<125x80xi32, #tpu.memory_space<vmem>>, %arg6: memref<80x128xf32, #tpu.memory_space<vmem>>, %arg7: memref<80x128xf32, #tpu.memory_space<vmem>>, %arg8: memref<!tpu.dma_semaphore, #tpu.memory_space<semaphore_mem>>, %arg9: memref<!tpu.dma_semaphore, #tpu.memory_space<semaphore_mem>>) attributes {dimension_semantics = [#tpu.dimension_semantics<core_parallel>, #tpu.dimension_semantics<subcore_parallel>], iteration_bounds = array<i64: 2, 16>, scalar_prefetch = 0 : i64, scratch_operands = 5 : i64, tpu.core_type = #tpu.core_type<sc_vector_subcore>, window_params = [{transform_indices = #map}, {transform_indices = #map1}, {transform_indices = #map}]} {
    %mul3A = arith.constant 2 : i32
    %mul3A_0 = arith.muli %arg1, %mul3A : i32
    %add3A = arith.addi %mul3A_0, %arg0 : i32
    "tpu.region"() ({
      %run_scoped3A = tpu.sem_alloc : memref<!tpu.dma_semaphore, #tpu.memory_space<semaphore_mem>>
      %dma_start3A_22 = arith.constant 0 : i32
      %dma_start3A_23 = arith.constant 0 : i32
      %dma_start3A_24 = tpu.memref_slice %arg3[%add3A, %dma_start3A_22, %dma_start3A_23] : memref<32x125x80xi32, #tpu.memory_space<hbm>> -> memref<1x125x80xi32, #tpu.memory_space<hbm>>
      %dma_start3A_25 = tpu.memref_squeeze %dma_start3A_24 : memref<1x125x80xi32, #tpu.memory_space<hbm>> -> memref<125x80xi32, #tpu.memory_space<hbm>>
      %dma_start3A_26 = arith.constant 0 : i32
      %dma_start3A_27 = arith.constant 0 : i32
      %dma_start3A_28 = tpu.memref_slice %arg3[%add3A, %dma_start3A_26, %dma_start3A_27] : memref<32x125x80xi32, #tpu.memory_space<hbm>> -> memref<1x125x80xi32, #tpu.memory_space<hbm>>
      %dma_start3A_29 = tpu.memref_squeeze %dma_start3A_28 : memref<1x125x80xi32, #tpu.memory_space<hbm>> -> memref<125x80xi32, #tpu.memory_space<hbm>>
      tpu.enqueue_dma source(%dma_start3A_29 : memref<125x80xi32, #tpu.memory_space<hbm>>) target(%arg5 : memref<125x80xi32, #tpu.memory_space<vmem>>) target_semaphore(%run_scoped3A : memref<!tpu.dma_semaphore, #tpu.memory_space<semaphore_mem>>)
      %dma_wait3A_30 = arith.constant 0 : i32
      %dma_wait3A_31 = arith.constant 0 : i32
      %dma_wait3A_32 = tpu.memref_slice %arg3[%add3A, %dma_wait3A_30, %dma_wait3A_31] : memref<32x125x80xi32, #tpu.memory_space<hbm>> -> memref<1x125x80xi32, #tpu.memory_space<hbm>>
      %dma_wait3A_33 = tpu.memref_squeeze %dma_wait3A_32 : memref<1x125x80xi32, #tpu.memory_space<hbm>> -> memref<125x80xi32, #tpu.memory_space<hbm>>
      %dma_wait3A_34 = arith.constant 0 : i32
      %dma_wait3A_35 = arith.constant 0 : i32
      %dma_wait3A_36 = tpu.memref_slice %arg3[%add3A, %dma_wait3A_34, %dma_wait3A_35] : memref<32x125x80xi32, #tpu.memory_space<hbm>> -> memref<1x125x80xi32, #tpu.memory_space<hbm>>
      %dma_wait3A_37 = tpu.memref_squeeze %dma_wait3A_36 : memref<1x125x80xi32, #tpu.memory_space<hbm>> -> memref<125x80xi32, #tpu.memory_space<hbm>>
      tpu.wait_dma2 semaphore(%run_scoped3A : memref<!tpu.dma_semaphore, #tpu.memory_space<semaphore_mem>>) src(%dma_wait3A_37 : memref<125x80xi32, #tpu.memory_space<hbm>>) dst(%arg5 : memref<125x80xi32, #tpu.memory_space<vmem>>)
      tpu.yield
    }) : () -> ()
    %mul3A_1 = arith.constant 10000 : i32
    %mul3A_2 = arith.muli %add3A, %mul3A_1 : i32
    %scan3A = arith.constant 0 : i32
    %scan3A_3 = arith.constant 0 : i32
    %scan3A_4 = arith.constant 62 : i32
    %scan3A_5 = arith.addi %scan3A_3, %scan3A_4 : i32
    %scan3A_6 = arith.constant 1 : i32
    scf.for %scan3A_22 = %scan3A_3 to %scan3A_5 step %scan3A_6  : i32 {
      %mul3A_23 = arith.constant 2 : i32
      %mul3A_24 = arith.muli %scan3A_22, %mul3A_23 : i32
      %dma_start3A_25 = arith.constant 0 : i32
      %dma_start3A_26 = tpu.memref_slice %arg5[%mul3A_24, %dma_start3A_25] : memref<125x80xi32, #tpu.memory_space<vmem>> -> memref<1x80xi32, #tpu.memory_space<vmem>>
      %dma_start3A_27 = tpu.memref_squeeze %dma_start3A_26 : memref<1x80xi32, #tpu.memory_space<vmem>> -> memref<80xi32, #tpu.memory_space<vmem>>
      %dma_start3A_28 = arith.constant 0 : i32
      %dma_start3A_29 = arith.constant 0 : i32
      %dma_start3A_30 = tpu.memref_slice %arg2[%dma_start3A_28, %dma_start3A_29] : memref<10000x128xf32, #tpu.memory_space<hbm>> -> memref<10000x128xf32, #tpu.memory_space<hbm>>
      tpu.enqueue_indirect_dma source(%dma_start3A_30 : memref<10000x128xf32, #tpu.memory_space<hbm>>) target(%arg6 : memref<80x128xf32, #tpu.memory_space<vmem>>) offsets(%dma_start3A_27 : memref<80xi32, #tpu.memory_space<vmem>>) semaphore(%arg8 : memref<!tpu.dma_semaphore, #tpu.memory_space<semaphore_mem>>)
      %add3A_31 = arith.constant 1 : i32
      %add3A_32 = arith.addi %mul3A_24, %add3A_31 : i32
      %dma_start3A_33 = arith.constant 0 : i32
      %dma_start3A_34 = tpu.memref_slice %arg5[%add3A_32, %dma_start3A_33] : memref<125x80xi32, #tpu.memory_space<vmem>> -> memref<1x80xi32, #tpu.memory_space<vmem>>
      %dma_start3A_35 = tpu.memref_squeeze %dma_start3A_34 : memref<1x80xi32, #tpu.memory_space<vmem>> -> memref<80xi32, #tpu.memory_space<vmem>>
      %dma_start3A_36 = arith.constant 0 : i32
      %dma_start3A_37 = arith.constant 0 : i32
      %dma_start3A_38 = tpu.memref_slice %arg2[%dma_start3A_36, %dma_start3A_37] : memref<10000x128xf32, #tpu.memory_space<hbm>> -> memref<10000x128xf32, #tpu.memory_space<hbm>>
      tpu.enqueue_indirect_dma source(%dma_start3A_38 : memref<10000x128xf32, #tpu.memory_space<hbm>>) target(%arg7 : memref<80x128xf32, #tpu.memory_space<vmem>>) offsets(%dma_start3A_35 : memref<80xi32, #tpu.memory_space<vmem>>) semaphore(%arg9 : memref<!tpu.dma_semaphore, #tpu.memory_space<semaphore_mem>>)
      %dma_wait3A_39 = arith.constant 0 : i32
      %dma_wait3A_40 = tpu.memref_slice %arg5[%mul3A_24, %dma_wait3A_39] : memref<125x80xi32, #tpu.memory_space<vmem>> -> memref<1x80xi32, #tpu.memory_space<vmem>>
      %dma_wait3A_41 = tpu.memref_squeeze %dma_wait3A_40 : memref<1x80xi32, #tpu.memory_space<vmem>> -> memref<80xi32, #tpu.memory_space<vmem>>
      %dma_wait3A_42 = arith.constant 0 : i32
      %dma_wait3A_43 = arith.constant 0 : i32
      %dma_wait3A_44 = tpu.memref_slice %arg2[%dma_wait3A_42, %dma_wait3A_43] : memref<10000x128xf32, #tpu.memory_space<hbm>> -> memref<10000x128xf32, #tpu.memory_space<hbm>>
      tpu.wait_indirect_dma semaphore(%arg8 : memref<!tpu.dma_semaphore, #tpu.memory_space<semaphore_mem>>) src(%dma_wait3A_44 : memref<10000x128xf32, #tpu.memory_space<hbm>>) dst(%arg6 : memref<80x128xf32, #tpu.memory_space<vmem>>)
      %mul3A_45 = arith.constant 80 : i32
      %mul3A_46 = arith.muli %mul3A_24, %mul3A_45 : i32
      %add3A_47 = arith.addi %mul3A_2, %mul3A_46 : i32
      %multiple_of3A_48 = tpu.assume_multiple %add3A_47, 16 : i32
      "tpu.region"() ({
        %run_scoped3A = tpu.sem_alloc : memref<!tpu.dma_semaphore, #tpu.memory_space<semaphore_mem>>
        %dma_start3A_61 = arith.constant 0 : i32
        %dma_start3A_62 = tpu.memref_slice %arg4[%multiple_of3A_48, %dma_start3A_61] : memref<320000x128xf32, #tpu.memory_space<hbm>> -> memref<80x128xf32, #tpu.memory_space<hbm>>
        %dma_start3A_63 = arith.constant 0 : i32
        %dma_start3A_64 = tpu.memref_slice %arg4[%multiple_of3A_48, %dma_start3A_63] : memref<320000x128xf32, #tpu.memory_space<hbm>> -> memref<80x128xf32, #tpu.memory_space<hbm>>
        tpu.enqueue_dma source(%arg6 : memref<80x128xf32, #tpu.memory_space<vmem>>) target(%dma_start3A_64 : memref<80x128xf32, #tpu.memory_space<hbm>>) target_semaphore(%run_scoped3A : memref<!tpu.dma_semaphore, #tpu.memory_space<semaphore_mem>>)
        %dma_wait3A_65 = arith.constant 0 : i32
        %dma_wait3A_66 = tpu.memref_slice %arg4[%multiple_of3A_48, %dma_wait3A_65] : memref<320000x128xf32, #tpu.memory_space<hbm>> -> memref<80x128xf32, #tpu.memory_space<hbm>>
        %dma_wait3A_67 = arith.constant 0 : i32
        %dma_wait3A_68 = tpu.memref_slice %arg4[%multiple_of3A_48, %dma_wait3A_67] : memref<320000x128xf32, #tpu.memory_space<hbm>> -> memref<80x128xf32, #tpu.memory_space<hbm>>
        tpu.wait_dma2 semaphore(%run_scoped3A : memref<!tpu.dma_semaphore, #tpu.memory_space<semaphore_mem>>) src(%arg6 : memref<80x128xf32, #tpu.memory_space<vmem>>) dst(%dma_wait3A_68 : memref<80x128xf32, #tpu.memory_space<hbm>>)
        tpu.yield
      }) : () -> ()
      %dma_wait3A_49 = arith.constant 0 : i32
      %dma_wait3A_50 = tpu.memref_slice %arg5[%add3A_32, %dma_wait3A_49] : memref<125x80xi32, #tpu.memory_space<vmem>> -> memref<1x80xi32, #tpu.memory_space<vmem>>
      %dma_wait3A_51 = tpu.memref_squeeze %dma_wait3A_50 : memref<1x80xi32, #tpu.memory_space<vmem>> -> memref<80xi32, #tpu.memory_space<vmem>>
      %dma_wait3A_52 = arith.constant 0 : i32
      %dma_wait3A_53 = arith.constant 0 : i32
      %dma_wait3A_54 = tpu.memref_slice %arg2[%dma_wait3A_52, %dma_wait3A_53] : memref<10000x128xf32, #tpu.memory_space<hbm>> -> memref<10000x128xf32, #tpu.memory_space<hbm>>
      tpu.wait_indirect_dma semaphore(%arg9 : memref<!tpu.dma_semaphore, #tpu.memory_space<semaphore_mem>>) src(%dma_wait3A_54 : memref<10000x128xf32, #tpu.memory_space<hbm>>) dst(%arg7 : memref<80x128xf32, #tpu.memory_space<vmem>>)
      %add3A_55 = arith.constant 1 : i32
      %add3A_56 = arith.addi %mul3A_24, %add3A_55 : i32
      %mul3A_57 = arith.constant 80 : i32
      %mul3A_58 = arith.muli %add3A_56, %mul3A_57 : i32
      %add3A_59 = arith.addi %mul3A_2, %mul3A_58 : i32
      %multiple_of3A_60 = tpu.assume_multiple %add3A_59, 16 : i32
      "tpu.region"() ({
        %run_scoped3A = tpu.sem_alloc : memref<!tpu.dma_semaphore, #tpu.memory_space<semaphore_mem>>
        %dma_start3A_61 = arith.constant 0 : i32
        %dma_start3A_62 = tpu.memref_slice %arg4[%multiple_of3A_60, %dma_start3A_61] : memref<320000x128xf32, #tpu.memory_space<hbm>> -> memref<80x128xf32, #tpu.memory_space<hbm>>
        %dma_start3A_63 = arith.constant 0 : i32
        %dma_start3A_64 = tpu.memref_slice %arg4[%multiple_of3A_60, %dma_start3A_63] : memref<320000x128xf32, #tpu.memory_space<hbm>> -> memref<80x128xf32, #tpu.memory_space<hbm>>
        tpu.enqueue_dma source(%arg7 : memref<80x128xf32, #tpu.memory_space<vmem>>) target(%dma_start3A_64 : memref<80x128xf32, #tpu.memory_space<hbm>>) target_semaphore(%run_scoped3A : memref<!tpu.dma_semaphore, #tpu.memory_space<semaphore_mem>>)
        %dma_wait3A_65 = arith.constant 0 : i32
        %dma_wait3A_66 = tpu.memref_slice %arg4[%multiple_of3A_60, %dma_wait3A_65] : memref<320000x128xf32, #tpu.memory_space<hbm>> -> memref<80x128xf32, #tpu.memory_space<hbm>>
        %dma_wait3A_67 = arith.constant 0 : i32
        %dma_wait3A_68 = tpu.memref_slice %arg4[%multiple_of3A_60, %dma_wait3A_67] : memref<320000x128xf32, #tpu.memory_space<hbm>> -> memref<80x128xf32, #tpu.memory_space<hbm>>
        tpu.wait_dma2 semaphore(%run_scoped3A : memref<!tpu.dma_semaphore, #tpu.memory_space<semaphore_mem>>) src(%arg7 : memref<80x128xf32, #tpu.memory_space<vmem>>) dst(%dma_wait3A_68 : memref<80x128xf32, #tpu.memory_space<hbm>>)
        tpu.yield
      }) : () -> ()
    }
    %scan3A_7 = arith.constant 62 : i32
    %dma_start3A = arith.constant 124 : i32
    %dma_start3A_8 = arith.constant 0 : i32
    %dma_start3A_9 = tpu.memref_slice %arg5[%dma_start3A, %dma_start3A_8] : memref<125x80xi32, #tpu.memory_space<vmem>> -> memref<1x80xi32, #tpu.memory_space<vmem>>
    %dma_start3A_10 = tpu.memref_squeeze %dma_start3A_9 : memref<1x80xi32, #tpu.memory_space<vmem>> -> memref<80xi32, #tpu.memory_space<vmem>>
    %dma_start3A_11 = arith.constant 0 : i32
    %dma_start3A_12 = arith.constant 0 : i32
    %dma_start3A_13 = tpu.memref_slice %arg2[%dma_start3A_11, %dma_start3A_12] : memref<10000x128xf32, #tpu.memory_space<hbm>> -> memref<10000x128xf32, #tpu.memory_space<hbm>>
    tpu.enqueue_indirect_dma source(%dma_start3A_13 : memref<10000x128xf32, #tpu.memory_space<hbm>>) target(%arg6 : memref<80x128xf32, #tpu.memory_space<vmem>>) offsets(%dma_start3A_10 : memref<80xi32, #tpu.memory_space<vmem>>) semaphore(%arg8 : memref<!tpu.dma_semaphore, #tpu.memory_space<semaphore_mem>>)
    %dma_wait3A = arith.constant 124 : i32
    %dma_wait3A_14 = arith.constant 0 : i32
    %dma_wait3A_15 = tpu.memref_slice %arg5[%dma_wait3A, %dma_wait3A_14] : memref<125x80xi32, #tpu.memory_space<vmem>> -> memref<1x80xi32, #tpu.memory_space<vmem>>
    %dma_wait3A_16 = tpu.memref_squeeze %dma_wait3A_15 : memref<1x80xi32, #tpu.memory_space<vmem>> -> memref<80xi32, #tpu.memory_space<vmem>>
    %dma_wait3A_17 = arith.constant 0 : i32
    %dma_wait3A_18 = arith.constant 0 : i32
    %dma_wait3A_19 = tpu.memref_slice %arg2[%dma_wait3A_17, %dma_wait3A_18] : memref<10000x128xf32, #tpu.memory_space<hbm>> -> memref<10000x128xf32, #tpu.memory_space<hbm>>
    tpu.wait_indirect_dma semaphore(%arg8 : memref<!tpu.dma_semaphore, #tpu.memory_space<semaphore_mem>>) src(%dma_wait3A_19 : memref<10000x128xf32, #tpu.memory_space<hbm>>) dst(%arg6 : memref<80x128xf32, #tpu.memory_space<vmem>>)
    %add3A_20 = arith.constant 9920 : i32
    %add3A_21 = arith.addi %mul3A_2, %add3A_20 : i32
    %multiple_of3A = tpu.assume_multiple %add3A_21, 16 : i32
    "tpu.region"() ({
      %run_scoped3A = tpu.sem_alloc : memref<!tpu.dma_semaphore, #tpu.memory_space<semaphore_mem>>
      %dma_start3A_22 = arith.constant 0 : i32
      %dma_start3A_23 = tpu.memref_slice %arg4[%multiple_of3A, %dma_start3A_22] : memref<320000x128xf32, #tpu.memory_space<hbm>> -> memref<80x128xf32, #tpu.memory_space<hbm>>
      %dma_start3A_24 = arith.constant 0 : i32
      %dma_start3A_25 = tpu.memref_slice %arg4[%multiple_of3A, %dma_start3A_24] : memref<320000x128xf32, #tpu.memory_space<hbm>> -> memref<80x128xf32, #tpu.memory_space<hbm>>
      tpu.enqueue_dma source(%arg6 : memref<80x128xf32, #tpu.memory_space<vmem>>) target(%dma_start3A_25 : memref<80x128xf32, #tpu.memory_space<hbm>>) target_semaphore(%run_scoped3A : memref<!tpu.dma_semaphore, #tpu.memory_space<semaphore_mem>>)
      %dma_wait3A_26 = arith.constant 0 : i32
      %dma_wait3A_27 = tpu.memref_slice %arg4[%multiple_of3A, %dma_wait3A_26] : memref<320000x128xf32, #tpu.memory_space<hbm>> -> memref<80x128xf32, #tpu.memory_space<hbm>>
      %dma_wait3A_28 = arith.constant 0 : i32
      %dma_wait3A_29 = tpu.memref_slice %arg4[%multiple_of3A, %dma_wait3A_28] : memref<320000x128xf32, #tpu.memory_space<hbm>> -> memref<80x128xf32, #tpu.memory_space<hbm>>
      tpu.wait_dma2 semaphore(%run_scoped3A : memref<!tpu.dma_semaphore, #tpu.memory_space<semaphore_mem>>) src(%arg6 : memref<80x128xf32, #tpu.memory_space<vmem>>) dst(%dma_wait3A_29 : memref<80x128xf32, #tpu.memory_space<hbm>>)
      tpu.yield
    }) : () -> ()
    return
  }
}

#map = affine_map<(d0, d1) -> (0, 0)>
#map1 = affine_map<(d0, d1) -> (0, 0, 0, 0)>
#map2 = affine_map<(d0, d1) -> (0, 0, 0)>
module attributes {stable_mosaic.version = 14 : i64} {
  func.func @_sc_edgeb(%arg0: i32, %arg1: i32, %arg2: memref<10000x128xf32, #tpu.memory_space<hbm>>, %arg3: memref<320000x128xf32, #tpu.memory_space<hbm>>, %arg4: memref<32x5x50x40xi32, #tpu.memory_space<hbm>>, %arg5: memref<32x5x50x40xi32, #tpu.memory_space<hbm>>, %arg6: memref<2x10240x128xf32, #tpu.memory_space<hbm>>, %arg7: memref<50x40xi32, #tpu.memory_space<vmem>>, %arg8: memref<50x40xi32, #tpu.memory_space<vmem>>, %arg9: memref<40x128xf32, #tpu.memory_space<vmem>>, %arg10: memref<40x128xf32, #tpu.memory_space<vmem>>, %arg11: memref<40x128xf32, #tpu.memory_space<vmem>>, %arg12: memref<40x128xf32, #tpu.memory_space<vmem>>, %arg13: memref<10240x128xf32, #tpu.memory_space<vmem_shared>>, %arg14: memref<!tpu.dma_semaphore, #tpu.memory_space<semaphore_mem>>, %arg15: memref<!tpu.dma_semaphore, #tpu.memory_space<semaphore_mem>>, %arg16: memref<!tpu.dma_semaphore, #tpu.memory_space<semaphore_mem>>, %arg17: memref<!tpu.dma_semaphore, #tpu.memory_space<semaphore_mem>>, %arg18: memref<!tpu.dma_semaphore, #tpu.memory_space<semaphore_mem>>, %arg19: memref<!tpu.dma_semaphore, #tpu.memory_space<semaphore_mem>>) attributes {dimension_semantics = [#tpu.dimension_semantics<core_parallel>, #tpu.dimension_semantics<subcore_parallel>], iteration_bounds = array<i64: 2, 16>, scalar_prefetch = 0 : i64, scratch_operands = 13 : i64, tpu.core_type = #tpu.core_type<sc_vector_subcore>, window_params = [{transform_indices = #map}, {transform_indices = #map}, {transform_indices = #map1}, {transform_indices = #map1}, {transform_indices = #map2}]} {
    %mul3A = arith.constant 2 : i32
    %mul3A_0 = arith.muli %arg1, %mul3A : i32
    %add3A = arith.addi %mul3A_0, %arg0 : i32
    %mul3A_1 = arith.constant 640 : i32
    %mul3A_2 = arith.muli %arg1, %mul3A_1 : i32
    %scan3A = arith.constant 0 : i32
    %scan3A_3 = arith.constant 0 : i32
    %scan3A_4 = arith.constant 40 : i32
    %scan3A_5 = arith.addi %scan3A_3, %scan3A_4 : i32
    %scan3A_6 = arith.constant 1 : i32
    scf.for %scan3A_36 = %scan3A_3 to %scan3A_5 step %scan3A_6  : i32 {
      %broadcast_in_dim3A = arith.constant 0.000000e+00 : f32
      %broadcast_in_dim3A_37 = vector.broadcast %broadcast_in_dim3A : f32 to vector<16xf32>
      %swap3A = arith.index_cast %scan3A_36 : i32 to index
      %swap3A_38 = arith.constant 0 : index
      %swap3A_39 = tpu.vector_load %arg9[%swap3A, %swap3A_38] {strides = array<i32>} : memref<40x128xf32, #tpu.memory_space<vmem>>, vector<1x16xf32>,
      %swap3A_40 = vector.shape_cast %swap3A_39 : vector<1x16xf32> to vector<16xf32>
      %swap3A_41 = vector.shape_cast %broadcast_in_dim3A_37 : vector<16xf32> to vector<1x16xf32>
      tpu.vector_store %arg9[%swap3A, %swap3A_38], %swap3A_41 {strides = array<i32>} : memref<40x128xf32, #tpu.memory_space<vmem>>, vector<1x16xf32>,
      %broadcast_in_dim3A_42 = arith.constant 0.000000e+00 : f32
      %broadcast_in_dim3A_43 = vector.broadcast %broadcast_in_dim3A_42 : f32 to vector<16xf32>
      %swap3A_44 = arith.index_cast %scan3A_36 : i32 to index
      %swap3A_45 = arith.constant 16 : index
      %swap3A_46 = tpu.vector_load %arg9[%swap3A_44, %swap3A_45] {strides = array<i32>} : memref<40x128xf32, #tpu.memory_space<vmem>>, vector<1x16xf32>,
      %swap3A_47 = vector.shape_cast %swap3A_46 : vector<1x16xf32> to vector<16xf32>
      %swap3A_48 = vector.shape_cast %broadcast_in_dim3A_43 : vector<16xf32> to vector<1x16xf32>
      tpu.vector_store %arg9[%swap3A_44, %swap3A_45], %swap3A_48 {strides = array<i32>} : memref<40x128xf32, #tpu.memory_space<vmem>>, vector<1x16xf32>,
      %broadcast_in_dim3A_49 = arith.constant 0.000000e+00 : f32
      %broadcast_in_dim3A_50 = vector.broadcast %broadcast_in_dim3A_49 : f32 to vector<16xf32>
      %swap3A_51 = arith.index_cast %scan3A_36 : i32 to index
      %swap3A_52 = arith.constant 32 : index
      %swap3A_53 = tpu.vector_load %arg9[%swap3A_51, %swap3A_52] {strides = array<i32>} : memref<40x128xf32, #tpu.memory_space<vmem>>, vector<1x16xf32>,
      %swap3A_54 = vector.shape_cast %swap3A_53 : vector<1x16xf32> to vector<16xf32>
      %swap3A_55 = vector.shape_cast %broadcast_in_dim3A_50 : vector<16xf32> to vector<1x16xf32>
      tpu.vector_store %arg9[%swap3A_51, %swap3A_52], %swap3A_55 {strides = array<i32>} : memref<40x128xf32, #tpu.memory_space<vmem>>, vector<1x16xf32>,
      %broadcast_in_dim3A_56 = arith.constant 0.000000e+00 : f32
      %broadcast_in_dim3A_57 = vector.broadcast %broadcast_in_dim3A_56 : f32 to vector<16xf32>
      %swap3A_58 = arith.index_cast %scan3A_36 : i32 to index
      %swap3A_59 = arith.constant 48 : index
      %swap3A_60 = tpu.vector_load %arg9[%swap3A_58, %swap3A_59] {strides = array<i32>} : memref<40x128xf32, #tpu.memory_space<vmem>>, vector<1x16xf32>,
      %swap3A_61 = vector.shape_cast %swap3A_60 : vector<1x16xf32> to vector<16xf32>
      %swap3A_62 = vector.shape_cast %broadcast_in_dim3A_57 : vector<16xf32> to vector<1x16xf32>
      tpu.vector_store %arg9[%swap3A_58, %swap3A_59], %swap3A_62 {strides = array<i32>} : memref<40x128xf32, #tpu.memory_space<vmem>>, vector<1x16xf32>,
      %broadcast_in_dim3A_63 = arith.constant 0.000000e+00 : f32
      %broadcast_in_dim3A_64 = vector.broadcast %broadcast_in_dim3A_63 : f32 to vector<16xf32>
      %swap3A_65 = arith.index_cast %scan3A_36 : i32 to index
      %swap3A_66 = arith.constant 64 : index
      %swap3A_67 = tpu.vector_load %arg9[%swap3A_65, %swap3A_66] {strides = array<i32>} : memref<40x128xf32, #tpu.memory_space<vmem>>, vector<1x16xf32>,
      %swap3A_68 = vector.shape_cast %swap3A_67 : vector<1x16xf32> to vector<16xf32>
      %swap3A_69 = vector.shape_cast %broadcast_in_dim3A_64 : vector<16xf32> to vector<1x16xf32>
      tpu.vector_store %arg9[%swap3A_65, %swap3A_66], %swap3A_69 {strides = array<i32>} : memref<40x128xf32, #tpu.memory_space<vmem>>, vector<1x16xf32>,
      %broadcast_in_dim3A_70 = arith.constant 0.000000e+00 : f32
      %broadcast_in_dim3A_71 = vector.broadcast %broadcast_in_dim3A_70 : f32 to vector<16xf32>
      %swap3A_72 = arith.index_cast %scan3A_36 : i32 to index
      %swap3A_73 = arith.constant 80 : index
      %swap3A_74 = tpu.vector_load %arg9[%swap3A_72, %swap3A_73] {strides = array<i32>} : memref<40x128xf32, #tpu.memory_space<vmem>>, vector<1x16xf32>,
      %swap3A_75 = vector.shape_cast %swap3A_74 : vector<1x16xf32> to vector<16xf32>
      %swap3A_76 = vector.shape_cast %broadcast_in_dim3A_71 : vector<16xf32> to vector<1x16xf32>
      tpu.vector_store %arg9[%swap3A_72, %swap3A_73], %swap3A_76 {strides = array<i32>} : memref<40x128xf32, #tpu.memory_space<vmem>>, vector<1x16xf32>,
      %broadcast_in_dim3A_77 = arith.constant 0.000000e+00 : f32
      %broadcast_in_dim3A_78 = vector.broadcast %broadcast_in_dim3A_77 : f32 to vector<16xf32>
      %swap3A_79 = arith.index_cast %scan3A_36 : i32 to index
      %swap3A_80 = arith.constant 96 : index
      %swap3A_81 = tpu.vector_load %arg9[%swap3A_79, %swap3A_80] {strides = array<i32>} : memref<40x128xf32, #tpu.memory_space<vmem>>, vector<1x16xf32>,
      %swap3A_82 = vector.shape_cast %swap3A_81 : vector<1x16xf32> to vector<16xf32>
      %swap3A_83 = vector.shape_cast %broadcast_in_dim3A_78 : vector<16xf32> to vector<1x16xf32>
      tpu.vector_store %arg9[%swap3A_79, %swap3A_80], %swap3A_83 {strides = array<i32>} : memref<40x128xf32, #tpu.memory_space<vmem>>, vector<1x16xf32>,
      %broadcast_in_dim3A_84 = arith.constant 0.000000e+00 : f32
      %broadcast_in_dim3A_85 = vector.broadcast %broadcast_in_dim3A_84 : f32 to vector<16xf32>
      %swap3A_86 = arith.index_cast %scan3A_36 : i32 to index
      %swap3A_87 = arith.constant 112 : index
      %swap3A_88 = tpu.vector_load %arg9[%swap3A_86, %swap3A_87] {strides = array<i32>} : memref<40x128xf32, #tpu.memory_space<vmem>>, vector<1x16xf32>,
      %swap3A_89 = vector.shape_cast %swap3A_88 : vector<1x16xf32> to vector<16xf32>
      %swap3A_90 = vector.shape_cast %broadcast_in_dim3A_85 : vector<16xf32> to vector<1x16xf32>
      tpu.vector_store %arg9[%swap3A_86, %swap3A_87], %swap3A_90 {strides = array<i32>} : memref<40x128xf32, #tpu.memory_space<vmem>>, vector<1x16xf32>,
    }
    %scan3A_7 = arith.constant 40 : i32
    %scan3A_8 = arith.constant 0 : i32
    %scan3A_9 = arith.constant 0 : i32
    %scan3A_10 = arith.constant 16 : i32
    %scan3A_11 = arith.addi %scan3A_9, %scan3A_10 : i32
    %scan3A_12 = arith.constant 1 : i32
    scf.for %scan3A_36 = %scan3A_9 to %scan3A_11 step %scan3A_12  : i32 {
      %mul3A_37 = arith.constant 40 : i32
      %mul3A_38 = arith.muli %scan3A_36, %mul3A_37 : i32
      %add3A_39 = arith.addi %mul3A_2, %mul3A_38 : i32
      %multiple_of3A = tpu.assume_multiple %add3A_39, 8 : i32
      "tpu.region"() ({
        %run_scoped3A = tpu.sem_alloc : memref<!tpu.dma_semaphore, #tpu.memory_space<semaphore_mem>>
        %dma_start3A = arith.constant 0 : i32
        %dma_start3A_40 = tpu.memref_slice %arg13[%multiple_of3A, %dma_start3A] : memref<10240x128xf32, #tpu.memory_space<vmem_shared>> -> memref<40x128xf32, #tpu.memory_space<vmem_shared>>
        %dma_start3A_41 = arith.constant 0 : i32
        %dma_start3A_42 = tpu.memref_slice %arg13[%multiple_of3A, %dma_start3A_41] : memref<10240x128xf32, #tpu.memory_space<vmem_shared>> -> memref<40x128xf32, #tpu.memory_space<vmem_shared>>
        tpu.enqueue_dma source(%arg9 : memref<40x128xf32, #tpu.memory_space<vmem>>) target(%dma_start3A_42 : memref<40x128xf32, #tpu.memory_space<vmem_shared>>) target_semaphore(%run_scoped3A : memref<!tpu.dma_semaphore, #tpu.memory_space<semaphore_mem>>)
        %dma_wait3A_43 = arith.constant 0 : i32
        %dma_wait3A_44 = tpu.memref_slice %arg13[%multiple_of3A, %dma_wait3A_43] : memref<10240x128xf32, #tpu.memory_space<vmem_shared>> -> memref<40x128xf32, #tpu.memory_space<vmem_shared>>
        %dma_wait3A_45 = arith.constant 0 : i32
        %dma_wait3A_46 = tpu.memref_slice %arg13[%multiple_of3A, %dma_wait3A_45] : memref<10240x128xf32, #tpu.memory_space<vmem_shared>> -> memref<40x128xf32, #tpu.memory_space<vmem_shared>>
        tpu.wait_dma2 semaphore(%run_scoped3A : memref<!tpu.dma_semaphore, #tpu.memory_space<semaphore_mem>>) src(%arg9 : memref<40x128xf32, #tpu.memory_space<vmem>>) dst(%dma_wait3A_46 : memref<40x128xf32, #tpu.memory_space<vmem_shared>>)
        tpu.yield
      }) : () -> ()
    }
    %scan3A_13 = arith.constant 16 : i32
    %barrier3A = arith.constant 0 : index
    tpu.barrier barrier_id(%barrier3A)
    %mul3A_14 = arith.constant 10000 : i32
    %mul3A_15 = arith.muli %add3A, %mul3A_14 : i32
    %scan3A_16 = arith.constant 0 : i32
    %scan3A_17 = arith.constant 0 : i32
    %scan3A_18 = arith.constant 5 : i32
    %scan3A_19 = arith.addi %scan3A_17, %scan3A_18 : i32
    %scan3A_20 = arith.constant 1 : i32
    scf.for %scan3A_36 = %scan3A_17 to %scan3A_19 step %scan3A_20  : i32 {
      "tpu.region"() ({
        %run_scoped3A = tpu.sem_alloc : memref<!tpu.dma_semaphore, #tpu.memory_space<semaphore_mem>>
        %dma_start3A = arith.constant 0 : i32
        %dma_start3A_43 = arith.constant 0 : i32
        %dma_start3A_44 = tpu.memref_slice %arg4[%add3A, %scan3A_36, %dma_start3A, %dma_start3A_43] : memref<32x5x50x40xi32, #tpu.memory_space<hbm>> -> memref<1x1x50x40xi32, #tpu.memory_space<hbm>>
        %dma_start3A_45 = tpu.memref_squeeze %dma_start3A_44 : memref<1x1x50x40xi32, #tpu.memory_space<hbm>> -> memref<50x40xi32, #tpu.memory_space<hbm>>
        %dma_start3A_46 = arith.constant 0 : i32
        %dma_start3A_47 = arith.constant 0 : i32
        %dma_start3A_48 = tpu.memref_slice %arg4[%add3A, %scan3A_36, %dma_start3A_46, %dma_start3A_47] : memref<32x5x50x40xi32, #tpu.memory_space<hbm>> -> memref<1x1x50x40xi32, #tpu.memory_space<hbm>>
        %dma_start3A_49 = tpu.memref_squeeze %dma_start3A_48 : memref<1x1x50x40xi32, #tpu.memory_space<hbm>> -> memref<50x40xi32, #tpu.memory_space<hbm>>
        tpu.enqueue_dma source(%dma_start3A_49 : memref<50x40xi32, #tpu.memory_space<hbm>>) target(%arg7 : memref<50x40xi32, #tpu.memory_space<vmem>>) target_semaphore(%run_scoped3A : memref<!tpu.dma_semaphore, #tpu.memory_space<semaphore_mem>>)
        %dma_wait3A_50 = arith.constant 0 : i32
        %dma_wait3A_51 = arith.constant 0 : i32
        %dma_wait3A_52 = tpu.memref_slice %arg4[%add3A, %scan3A_36, %dma_wait3A_50, %dma_wait3A_51] : memref<32x5x50x40xi32, #tpu.memory_space<hbm>> -> memref<1x1x50x40xi32, #tpu.memory_space<hbm>>
        %dma_wait3A_53 = tpu.memref_squeeze %dma_wait3A_52 : memref<1x1x50x40xi32, #tpu.memory_space<hbm>> -> memref<50x40xi32, #tpu.memory_space<hbm>>
        %dma_wait3A_54 = arith.constant 0 : i32
        %dma_wait3A_55 = arith.constant 0 : i32
        %dma_wait3A_56 = tpu.memref_slice %arg4[%add3A, %scan3A_36, %dma_wait3A_54, %dma_wait3A_55] : memref<32x5x50x40xi32, #tpu.memory_space<hbm>> -> memref<1x1x50x40xi32, #tpu.memory_space<hbm>>
        %dma_wait3A_57 = tpu.memref_squeeze %dma_wait3A_56 : memref<1x1x50x40xi32, #tpu.memory_space<hbm>> -> memref<50x40xi32, #tpu.memory_space<hbm>>
        tpu.wait_dma2 semaphore(%run_scoped3A : memref<!tpu.dma_semaphore, #tpu.memory_space<semaphore_mem>>) src(%dma_wait3A_57 : memref<50x40xi32, #tpu.memory_space<hbm>>) dst(%arg7 : memref<50x40xi32, #tpu.memory_space<vmem>>)
        tpu.yield
      }) : () -> ()
      "tpu.region"() ({
        %run_scoped3A = tpu.sem_alloc : memref<!tpu.dma_semaphore, #tpu.memory_space<semaphore_mem>>
        %dma_start3A = arith.constant 0 : i32
        %dma_start3A_43 = arith.constant 0 : i32
        %dma_start3A_44 = tpu.memref_slice %arg5[%add3A, %scan3A_36, %dma_start3A, %dma_start3A_43] : memref<32x5x50x40xi32, #tpu.memory_space<hbm>> -> memref<1x1x50x40xi32, #tpu.memory_space<hbm>>
        %dma_start3A_45 = tpu.memref_squeeze %dma_start3A_44 : memref<1x1x50x40xi32, #tpu.memory_space<hbm>> -> memref<50x40xi32, #tpu.memory_space<hbm>>
        %dma_start3A_46 = arith.constant 0 : i32
        %dma_start3A_47 = arith.constant 0 : i32
        %dma_start3A_48 = tpu.memref_slice %arg5[%add3A, %scan3A_36, %dma_start3A_46, %dma_start3A_47] : memref<32x5x50x40xi32, #tpu.memory_space<hbm>> -> memref<1x1x50x40xi32, #tpu.memory_space<hbm>>
        %dma_start3A_49 = tpu.memref_squeeze %dma_start3A_48 : memref<1x1x50x40xi32, #tpu.memory_space<hbm>> -> memref<50x40xi32, #tpu.memory_space<hbm>>
        tpu.enqueue_dma source(%dma_start3A_49 : memref<50x40xi32, #tpu.memory_space<hbm>>) target(%arg8 : memref<50x40xi32, #tpu.memory_space<vmem>>) target_semaphore(%run_scoped3A : memref<!tpu.dma_semaphore, #tpu.memory_space<semaphore_mem>>)
        %dma_wait3A_50 = arith.constant 0 : i32
        %dma_wait3A_51 = arith.constant 0 : i32
        %dma_wait3A_52 = tpu.memref_slice %arg5[%add3A, %scan3A_36, %dma_wait3A_50, %dma_wait3A_51] : memref<32x5x50x40xi32, #tpu.memory_space<hbm>> -> memref<1x1x50x40xi32, #tpu.memory_space<hbm>>
        %dma_wait3A_53 = tpu.memref_squeeze %dma_wait3A_52 : memref<1x1x50x40xi32, #tpu.memory_space<hbm>> -> memref<50x40xi32, #tpu.memory_space<hbm>>
        %dma_wait3A_54 = arith.constant 0 : i32
        %dma_wait3A_55 = arith.constant 0 : i32
        %dma_wait3A_56 = tpu.memref_slice %arg5[%add3A, %scan3A_36, %dma_wait3A_54, %dma_wait3A_55] : memref<32x5x50x40xi32, #tpu.memory_space<hbm>> -> memref<1x1x50x40xi32, #tpu.memory_space<hbm>>
        %dma_wait3A_57 = tpu.memref_squeeze %dma_wait3A_56 : memref<1x1x50x40xi32, #tpu.memory_space<hbm>> -> memref<50x40xi32, #tpu.memory_space<hbm>>
        tpu.wait_dma2 semaphore(%run_scoped3A : memref<!tpu.dma_semaphore, #tpu.memory_space<semaphore_mem>>) src(%dma_wait3A_57 : memref<50x40xi32, #tpu.memory_space<hbm>>) dst(%arg8 : memref<50x40xi32, #tpu.memory_space<vmem>>)
        tpu.yield
      }) : () -> ()
      %scan3A_37 = arith.constant 0 : i32
      %scan3A_38 = arith.constant 0 : i32
      %scan3A_39 = arith.constant 25 : i32
      %scan3A_40 = arith.addi %scan3A_38, %scan3A_39 : i32
      %scan3A_41 = arith.constant 1 : i32
      scf.for %scan3A_43 = %scan3A_38 to %scan3A_40 step %scan3A_41  : i32 {
        %mul3A_44 = arith.constant 2 : i32
        %mul3A_45 = arith.muli %scan3A_43, %mul3A_44 : i32
        %mul3A_46 = arith.constant 50 : i32
        %mul3A_47 = arith.muli %scan3A_36, %mul3A_46 : i32
        %add3A_48 = arith.addi %mul3A_47, %mul3A_45 : i32
        %mul3A_49 = arith.constant 40 : i32
        %mul3A_50 = arith.muli %add3A_48, %mul3A_49 : i32
        %add3A_51 = arith.addi %mul3A_15, %mul3A_50 : i32
        %multiple_of3A = tpu.assume_multiple %add3A_51, 8 : i32
        %mul3A_52 = arith.constant 50 : i32
        %mul3A_53 = arith.muli %scan3A_36, %mul3A_52 : i32
        %add3A_54 = arith.addi %mul3A_53, %mul3A_45 : i32
        %add3A_55 = arith.constant 1 : i32
        %add3A_56 = arith.addi %add3A_54, %add3A_55 : i32
        %mul3A_57 = arith.constant 40 : i32
        %mul3A_58 = arith.muli %add3A_56, %mul3A_57 : i32
        %add3A_59 = arith.addi %mul3A_15, %mul3A_58 : i32
        %multiple_of3A_60 = tpu.assume_multiple %add3A_59, 8 : i32
        %add3A_61 = arith.constant 1 : i32
        %add3A_62 = arith.addi %mul3A_45, %add3A_61 : i32
        %mul3A_63 = arith.constant 25 : i32
        %mul3A_64 = arith.muli %scan3A_36, %mul3A_63 : i32
        %add3A_65 = arith.addi %mul3A_64, %scan3A_43 : i32
        %gt3A = arith.constant 0 : i32
        %gt3A_66 = arith.cmpi sgt, %add3A_65, %gt3A : i32
        %convert_element_type3A = arith.extui %gt3A_66 : i1 to i32
        %cond3A = arith.constant 0 : i32
        %cond3A_67 = arith.cmpi ne, %convert_element_type3A, %cond3A : i32
        scf.if %cond3A_67 {
          %dma_wait3A_135 = arith.constant 0 : i32
          %dma_wait3A_136 = tpu.memref_slice %arg8[%mul3A_45, %dma_wait3A_135] : memref<50x40xi32, #tpu.memory_space<vmem>> -> memref<1x40xi32, #tpu.memory_space<vmem>>
          %dma_wait3A_137 = tpu.memref_squeeze %dma_wait3A_136 : memref<1x40xi32, #tpu.memory_space<vmem>> -> memref<40xi32, #tpu.memory_space<vmem>>
          %dma_wait3A_138 = arith.constant 0 : i32
          %dma_wait3A_139 = arith.constant 0 : i32
          %dma_wait3A_140 = tpu.memref_slice %arg13[%dma_wait3A_138, %dma_wait3A_139] : memref<10240x128xf32, #tpu.memory_space<vmem_shared>> -> memref<10240x128xf32, #tpu.memory_space<vmem_shared>>
          tpu.wait_indirect_dma semaphore(%arg18 : memref<!tpu.dma_semaphore, #tpu.memory_space<semaphore_mem>>) src(%arg9 : memref<40x128xf32, #tpu.memory_space<vmem>>) dst(%dma_wait3A_140 : memref<10240x128xf32, #tpu.memory_space<vmem_shared>>)
          %dma_wait3A_141 = arith.constant 0 : i32
          %dma_wait3A_142 = tpu.memref_slice %arg8[%add3A_62, %dma_wait3A_141] : memref<50x40xi32, #tpu.memory_space<vmem>> -> memref<1x40xi32, #tpu.memory_space<vmem>>
          %dma_wait3A_143 = tpu.memref_squeeze %dma_wait3A_142 : memref<1x40xi32, #tpu.memory_space<vmem>> -> memref<40xi32, #tpu.memory_space<vmem>>
          %dma_wait3A_144 = arith.constant 0 : i32
          %dma_wait3A_145 = arith.constant 0 : i32
          %dma_wait3A_146 = tpu.memref_slice %arg13[%dma_wait3A_144, %dma_wait3A_145] : memref<10240x128xf32, #tpu.memory_space<vmem_shared>> -> memref<10240x128xf32, #tpu.memory_space<vmem_shared>>
          tpu.wait_indirect_dma semaphore(%arg19 : memref<!tpu.dma_semaphore, #tpu.memory_space<semaphore_mem>>) src(%arg10 : memref<40x128xf32, #tpu.memory_space<vmem>>) dst(%dma_wait3A_146 : memref<10240x128xf32, #tpu.memory_space<vmem_shared>>)
        } else {
        }
        %dma_start3A = arith.constant 0 : i32
        %dma_start3A_68 = tpu.memref_slice %arg3[%multiple_of3A, %dma_start3A] : memref<320000x128xf32, #tpu.memory_space<hbm>> -> memref<40x128xf32, #tpu.memory_space<hbm>>
        %dma_start3A_69 = arith.constant 0 : i32
        %dma_start3A_70 = tpu.memref_slice %arg3[%multiple_of3A, %dma_start3A_69] : memref<320000x128xf32, #tpu.memory_space<hbm>> -> memref<40x128xf32, #tpu.memory_space<hbm>>
        tpu.enqueue_dma source(%dma_start3A_70 : memref<40x128xf32, #tpu.memory_space<hbm>>) target(%arg11 : memref<40x128xf32, #tpu.memory_space<vmem>>) target_semaphore(%arg16 : memref<!tpu.dma_semaphore, #tpu.memory_space<semaphore_mem>>)
        %dma_start3A_71 = arith.constant 0 : i32
        %dma_start3A_72 = tpu.memref_slice %arg7[%mul3A_45, %dma_start3A_71] : memref<50x40xi32, #tpu.memory_space<vmem>> -> memref<1x40xi32, #tpu.memory_space<vmem>>
        %dma_start3A_73 = tpu.memref_squeeze %dma_start3A_72 : memref<1x40xi32, #tpu.memory_space<vmem>> -> memref<40xi32, #tpu.memory_space<vmem>>
        %dma_start3A_74 = arith.constant 0 : i32
        %dma_start3A_75 = arith.constant 0 : i32
        %dma_start3A_76 = tpu.memref_slice %arg2[%dma_start3A_74, %dma_start3A_75] : memref<10000x128xf32, #tpu.memory_space<hbm>> -> memref<10000x128xf32, #tpu.memory_space<hbm>>
        tpu.enqueue_indirect_dma source(%dma_start3A_76 : memref<10000x128xf32, #tpu.memory_space<hbm>>) target(%arg9 : memref<40x128xf32, #tpu.memory_space<vmem>>) offsets(%dma_start3A_73 : memref<40xi32, #tpu.memory_space<vmem>>) semaphore(%arg14 : memref<!tpu.dma_semaphore, #tpu.memory_space<semaphore_mem>>)
        %dma_start3A_77 = arith.constant 0 : i32
        %dma_start3A_78 = tpu.memref_slice %arg3[%multiple_of3A_60, %dma_start3A_77] : memref<320000x128xf32, #tpu.memory_space<hbm>> -> memref<40x128xf32, #tpu.memory_space<hbm>>
        %dma_start3A_79 = arith.constant 0 : i32
        %dma_start3A_80 = tpu.memref_slice %arg3[%multiple_of3A_60, %dma_start3A_79] : memref<320000x128xf32, #tpu.memory_space<hbm>> -> memref<40x128xf32, #tpu.memory_space<hbm>>
        tpu.enqueue_dma source(%dma_start3A_80 : memref<40x128xf32, #tpu.memory_space<hbm>>) target(%arg12 : memref<40x128xf32, #tpu.memory_space<vmem>>) target_semaphore(%arg17 : memref<!tpu.dma_semaphore, #tpu.memory_space<semaphore_mem>>)
        %add3A_81 = arith.constant 1 : i32
        %add3A_82 = arith.addi %mul3A_45, %add3A_81 : i32
        %dma_start3A_83 = arith.constant 0 : i32
        %dma_start3A_84 = tpu.memref_slice %arg7[%add3A_82, %dma_start3A_83] : memref<50x40xi32, #tpu.memory_space<vmem>> -> memref<1x40xi32, #tpu.memory_space<vmem>>
        %dma_start3A_85 = tpu.memref_squeeze %dma_start3A_84 : memref<1x40xi32, #tpu.memory_space<vmem>> -> memref<40xi32, #tpu.memory_space<vmem>>
        %dma_start3A_86 = arith.constant 0 : i32
        %dma_start3A_87 = arith.constant 0 : i32
        %dma_start3A_88 = tpu.memref_slice %arg2[%dma_start3A_86, %dma_start3A_87] : memref<10000x128xf32, #tpu.memory_space<hbm>> -> memref<10000x128xf32, #tpu.memory_space<hbm>>
        tpu.enqueue_indirect_dma source(%dma_start3A_88 : memref<10000x128xf32, #tpu.memory_space<hbm>>) target(%arg10 : memref<40x128xf32, #tpu.memory_space<vmem>>) offsets(%dma_start3A_85 : memref<40xi32, #tpu.memory_space<vmem>>) semaphore(%arg15 : memref<!tpu.dma_semaphore, #tpu.memory_space<semaphore_mem>>)
        %dma_wait3A_89 = arith.constant 0 : i32
        %dma_wait3A_90 = tpu.memref_slice %arg7[%mul3A_45, %dma_wait3A_89] : memref<50x40xi32, #tpu.memory_space<vmem>> -> memref<1x40xi32, #tpu.memory_space<vmem>>
        %dma_wait3A_91 = tpu.memref_squeeze %dma_wait3A_90 : memref<1x40xi32, #tpu.memory_space<vmem>> -> memref<40xi32, #tpu.memory_space<vmem>>
        %dma_wait3A_92 = arith.constant 0 : i32
        %dma_wait3A_93 = arith.constant 0 : i32
        %dma_wait3A_94 = tpu.memref_slice %arg2[%dma_wait3A_92, %dma_wait3A_93] : memref<10000x128xf32, #tpu.memory_space<hbm>> -> memref<10000x128xf32, #tpu.memory_space<hbm>>
        tpu.wait_indirect_dma semaphore(%arg14 : memref<!tpu.dma_semaphore, #tpu.memory_space<semaphore_mem>>) src(%dma_wait3A_94 : memref<10000x128xf32, #tpu.memory_space<hbm>>) dst(%arg9 : memref<40x128xf32, #tpu.memory_space<vmem>>)
        %dma_wait3A_95 = arith.constant 0 : i32
        %dma_wait3A_96 = tpu.memref_slice %arg3[%multiple_of3A, %dma_wait3A_95] : memref<320000x128xf32, #tpu.memory_space<hbm>> -> memref<40x128xf32, #tpu.memory_space<hbm>>
        %dma_wait3A_97 = arith.constant 0 : i32
        %dma_wait3A_98 = tpu.memref_slice %arg3[%multiple_of3A, %dma_wait3A_97] : memref<320000x128xf32, #tpu.memory_space<hbm>> -> memref<40x128xf32, #tpu.memory_space<hbm>>
        tpu.wait_dma2 semaphore(%arg16 : memref<!tpu.dma_semaphore, #tpu.memory_space<semaphore_mem>>) src(%dma_wait3A_98 : memref<40x128xf32, #tpu.memory_space<hbm>>) dst(%arg11 : memref<40x128xf32, #tpu.memory_space<vmem>>)
        %scan3A_99 = arith.constant 0 : i32
        %scan3A_100 = arith.constant 0 : i32
        %scan3A_101 = arith.constant 40 : i32
        %scan3A_102 = arith.addi %scan3A_100, %scan3A_101 : i32
        %scan3A_103 = arith.constant 1 : i32
        scf.for %scan3A_135 = %scan3A_100 to %scan3A_102 step %scan3A_103  : i32 {
          %get3A = arith.index_cast %scan3A_135 : i32 to index
          %get3A_136 = arith.constant 0 : index
          %get3A_137 = tpu.vector_load %arg9[%get3A, %get3A_136] {strides = array<i32>} : memref<40x128xf32, #tpu.memory_space<vmem>>, vector<1x16xf32>,
          %get3A_138 = vector.shape_cast %get3A_137 : vector<1x16xf32> to vector<16xf32>
          %get3A_139 = arith.index_cast %scan3A_135 : i32 to index
          %get3A_140 = arith.constant 0 : index
          %get3A_141 = tpu.vector_load %arg11[%get3A_139, %get3A_140] {strides = array<i32>} : memref<40x128xf32, #tpu.memory_space<vmem>>, vector<1x16xf32>,
          %get3A_142 = vector.shape_cast %get3A_141 : vector<1x16xf32> to vector<16xf32>
          %add3A_143 = arith.addf %get3A_138, %get3A_142 : vector<16xf32>
          %max3A = arith.constant 0.000000e+00 : f32
          %max3A_144 = vector.broadcast %max3A : f32 to vector<16xf32>
          %max3A_145 = arith.maximumf %add3A_143, %max3A_144 : vector<16xf32>
          %swap3A = arith.index_cast %scan3A_135 : i32 to index
          %swap3A_146 = arith.constant 0 : index
          %swap3A_147 = tpu.vector_load %arg9[%swap3A, %swap3A_146] {strides = array<i32>} : memref<40x128xf32, #tpu.memory_space<vmem>>, vector<1x16xf32>,
          %swap3A_148 = vector.shape_cast %swap3A_147 : vector<1x16xf32> to vector<16xf32>
          %swap3A_149 = vector.shape_cast %max3A_145 : vector<16xf32> to vector<1x16xf32>
          tpu.vector_store %arg9[%swap3A, %swap3A_146], %swap3A_149 {strides = array<i32>} : memref<40x128xf32, #tpu.memory_space<vmem>>, vector<1x16xf32>,
          %get3A_150 = arith.index_cast %scan3A_135 : i32 to index
          %get3A_151 = arith.constant 16 : index
          %get3A_152 = tpu.vector_load %arg9[%get3A_150, %get3A_151] {strides = array<i32>} : memref<40x128xf32, #tpu.memory_space<vmem>>, vector<1x16xf32>,
          %get3A_153 = vector.shape_cast %get3A_152 : vector<1x16xf32> to vector<16xf32>
          %get3A_154 = arith.index_cast %scan3A_135 : i32 to index
          %get3A_155 = arith.constant 16 : index
          %get3A_156 = tpu.vector_load %arg11[%get3A_154, %get3A_155] {strides = array<i32>} : memref<40x128xf32, #tpu.memory_space<vmem>>, vector<1x16xf32>,
          %get3A_157 = vector.shape_cast %get3A_156 : vector<1x16xf32> to vector<16xf32>
          %add3A_158 = arith.addf %get3A_153, %get3A_157 : vector<16xf32>
          %max3A_159 = arith.constant 0.000000e+00 : f32
          %max3A_160 = vector.broadcast %max3A_159 : f32 to vector<16xf32>
          %max3A_161 = arith.maximumf %add3A_158, %max3A_160 : vector<16xf32>
          %swap3A_162 = arith.index_cast %scan3A_135 : i32 to index
          %swap3A_163 = arith.constant 16 : index
          %swap3A_164 = tpu.vector_load %arg9[%swap3A_162, %swap3A_163] {strides = array<i32>} : memref<40x128xf32, #tpu.memory_space<vmem>>, vector<1x16xf32>,
          %swap3A_165 = vector.shape_cast %swap3A_164 : vector<1x16xf32> to vector<16xf32>
          %swap3A_166 = vector.shape_cast %max3A_161 : vector<16xf32> to vector<1x16xf32>
          tpu.vector_store %arg9[%swap3A_162, %swap3A_163], %swap3A_166 {strides = array<i32>} : memref<40x128xf32, #tpu.memory_space<vmem>>, vector<1x16xf32>,
          %get3A_167 = arith.index_cast %scan3A_135 : i32 to index
          %get3A_168 = arith.constant 32 : index
          %get3A_169 = tpu.vector_load %arg9[%get3A_167, %get3A_168] {strides = array<i32>} : memref<40x128xf32, #tpu.memory_space<vmem>>, vector<1x16xf32>,
          %get3A_170 = vector.shape_cast %get3A_169 : vector<1x16xf32> to vector<16xf32>
          %get3A_171 = arith.index_cast %scan3A_135 : i32 to index
          %get3A_172 = arith.constant 32 : index
          %get3A_173 = tpu.vector_load %arg11[%get3A_171, %get3A_172] {strides = array<i32>} : memref<40x128xf32, #tpu.memory_space<vmem>>, vector<1x16xf32>,
          %get3A_174 = vector.shape_cast %get3A_173 : vector<1x16xf32> to vector<16xf32>
          %add3A_175 = arith.addf %get3A_170, %get3A_174 : vector<16xf32>
          %max3A_176 = arith.constant 0.000000e+00 : f32
          %max3A_177 = vector.broadcast %max3A_176 : f32 to vector<16xf32>
          %max3A_178 = arith.maximumf %add3A_175, %max3A_177 : vector<16xf32>
          %swap3A_179 = arith.index_cast %scan3A_135 : i32 to index
          %swap3A_180 = arith.constant 32 : index
          %swap3A_181 = tpu.vector_load %arg9[%swap3A_179, %swap3A_180] {strides = array<i32>} : memref<40x128xf32, #tpu.memory_space<vmem>>, vector<1x16xf32>,
          %swap3A_182 = vector.shape_cast %swap3A_181 : vector<1x16xf32> to vector<16xf32>
          %swap3A_183 = vector.shape_cast %max3A_178 : vector<16xf32> to vector<1x16xf32>
          tpu.vector_store %arg9[%swap3A_179, %swap3A_180], %swap3A_183 {strides = array<i32>} : memref<40x128xf32, #tpu.memory_space<vmem>>, vector<1x16xf32>,
          %get3A_184 = arith.index_cast %scan3A_135 : i32 to index
          %get3A_185 = arith.constant 48 : index
          %get3A_186 = tpu.vector_load %arg9[%get3A_184, %get3A_185] {strides = array<i32>} : memref<40x128xf32, #tpu.memory_space<vmem>>, vector<1x16xf32>,
          %get3A_187 = vector.shape_cast %get3A_186 : vector<1x16xf32> to vector<16xf32>
          %get3A_188 = arith.index_cast %scan3A_135 : i32 to index
          %get3A_189 = arith.constant 48 : index
          %get3A_190 = tpu.vector_load %arg11[%get3A_188, %get3A_189] {strides = array<i32>} : memref<40x128xf32, #tpu.memory_space<vmem>>, vector<1x16xf32>,
          %get3A_191 = vector.shape_cast %get3A_190 : vector<1x16xf32> to vector<16xf32>
          %add3A_192 = arith.addf %get3A_187, %get3A_191 : vector<16xf32>
          %max3A_193 = arith.constant 0.000000e+00 : f32
          %max3A_194 = vector.broadcast %max3A_193 : f32 to vector<16xf32>
          %max3A_195 = arith.maximumf %add3A_192, %max3A_194 : vector<16xf32>
          %swap3A_196 = arith.index_cast %scan3A_135 : i32 to index
          %swap3A_197 = arith.constant 48 : index
          %swap3A_198 = tpu.vector_load %arg9[%swap3A_196, %swap3A_197] {strides = array<i32>} : memref<40x128xf32, #tpu.memory_space<vmem>>, vector<1x16xf32>,
          %swap3A_199 = vector.shape_cast %swap3A_198 : vector<1x16xf32> to vector<16xf32>
          %swap3A_200 = vector.shape_cast %max3A_195 : vector<16xf32> to vector<1x16xf32>
          tpu.vector_store %arg9[%swap3A_196, %swap3A_197], %swap3A_200 {strides = array<i32>} : memref<40x128xf32, #tpu.memory_space<vmem>>, vector<1x16xf32>,
          %get3A_201 = arith.index_cast %scan3A_135 : i32 to index
          %get3A_202 = arith.constant 64 : index
          %get3A_203 = tpu.vector_load %arg9[%get3A_201, %get3A_202] {strides = array<i32>} : memref<40x128xf32, #tpu.memory_space<vmem>>, vector<1x16xf32>,
          %get3A_204 = vector.shape_cast %get3A_203 : vector<1x16xf32> to vector<16xf32>
          %get3A_205 = arith.index_cast %scan3A_135 : i32 to index
          %get3A_206 = arith.constant 64 : index
          %get3A_207 = tpu.vector_load %arg11[%get3A_205, %get3A_206] {strides = array<i32>} : memref<40x128xf32, #tpu.memory_space<vmem>>, vector<1x16xf32>,
          %get3A_208 = vector.shape_cast %get3A_207 : vector<1x16xf32> to vector<16xf32>
          %add3A_209 = arith.addf %get3A_204, %get3A_208 : vector<16xf32>
          %max3A_210 = arith.constant 0.000000e+00 : f32
          %max3A_211 = vector.broadcast %max3A_210 : f32 to vector<16xf32>
          %max3A_212 = arith.maximumf %add3A_209, %max3A_211 : vector<16xf32>
          %swap3A_213 = arith.index_cast %scan3A_135 : i32 to index
          %swap3A_214 = arith.constant 64 : index
          %swap3A_215 = tpu.vector_load %arg9[%swap3A_213, %swap3A_214] {strides = array<i32>} : memref<40x128xf32, #tpu.memory_space<vmem>>, vector<1x16xf32>,
          %swap3A_216 = vector.shape_cast %swap3A_215 : vector<1x16xf32> to vector<16xf32>
          %swap3A_217 = vector.shape_cast %max3A_212 : vector<16xf32> to vector<1x16xf32>
          tpu.vector_store %arg9[%swap3A_213, %swap3A_214], %swap3A_217 {strides = array<i32>} : memref<40x128xf32, #tpu.memory_space<vmem>>, vector<1x16xf32>,
          %get3A_218 = arith.index_cast %scan3A_135 : i32 to index
          %get3A_219 = arith.constant 80 : index
          %get3A_220 = tpu.vector_load %arg9[%get3A_218, %get3A_219] {strides = array<i32>} : memref<40x128xf32, #tpu.memory_space<vmem>>, vector<1x16xf32>,
          %get3A_221 = vector.shape_cast %get3A_220 : vector<1x16xf32> to vector<16xf32>
          %get3A_222 = arith.index_cast %scan3A_135 : i32 to index
          %get3A_223 = arith.constant 80 : index
          %get3A_224 = tpu.vector_load %arg11[%get3A_222, %get3A_223] {strides = array<i32>} : memref<40x128xf32, #tpu.memory_space<vmem>>, vector<1x16xf32>,
          %get3A_225 = vector.shape_cast %get3A_224 : vector<1x16xf32> to vector<16xf32>
          %add3A_226 = arith.addf %get3A_221, %get3A_225 : vector<16xf32>
          %max3A_227 = arith.constant 0.000000e+00 : f32
          %max3A_228 = vector.broadcast %max3A_227 : f32 to vector<16xf32>
          %max3A_229 = arith.maximumf %add3A_226, %max3A_228 : vector<16xf32>
          %swap3A_230 = arith.index_cast %scan3A_135 : i32 to index
          %swap3A_231 = arith.constant 80 : index
          %swap3A_232 = tpu.vector_load %arg9[%swap3A_230, %swap3A_231] {strides = array<i32>} : memref<40x128xf32, #tpu.memory_space<vmem>>, vector<1x16xf32>,
          %swap3A_233 = vector.shape_cast %swap3A_232 : vector<1x16xf32> to vector<16xf32>
          %swap3A_234 = vector.shape_cast %max3A_229 : vector<16xf32> to vector<1x16xf32>
          tpu.vector_store %arg9[%swap3A_230, %swap3A_231], %swap3A_234 {strides = array<i32>} : memref<40x128xf32, #tpu.memory_space<vmem>>, vector<1x16xf32>,
          %get3A_235 = arith.index_cast %scan3A_135 : i32 to index
          %get3A_236 = arith.constant 96 : index
          %get3A_237 = tpu.vector_load %arg9[%get3A_235, %get3A_236] {strides = array<i32>} : memref<40x128xf32, #tpu.memory_space<vmem>>, vector<1x16xf32>,
          %get3A_238 = vector.shape_cast %get3A_237 : vector<1x16xf32> to vector<16xf32>
          %get3A_239 = arith.index_cast %scan3A_135 : i32 to index
          %get3A_240 = arith.constant 96 : index
          %get3A_241 = tpu.vector_load %arg11[%get3A_239, %get3A_240] {strides = array<i32>} : memref<40x128xf32, #tpu.memory_space<vmem>>, vector<1x16xf32>,
          %get3A_242 = vector.shape_cast %get3A_241 : vector<1x16xf32> to vector<16xf32>
          %add3A_243 = arith.addf %get3A_238, %get3A_242 : vector<16xf32>
          %max3A_244 = arith.constant 0.000000e+00 : f32
          %max3A_245 = vector.broadcast %max3A_244 : f32 to vector<16xf32>
          %max3A_246 = arith.maximumf %add3A_243, %max3A_245 : vector<16xf32>
          %swap3A_247 = arith.index_cast %scan3A_135 : i32 to index
          %swap3A_248 = arith.constant 96 : index
          %swap3A_249 = tpu.vector_load %arg9[%swap3A_247, %swap3A_248] {strides = array<i32>} : memref<40x128xf32, #tpu.memory_space<vmem>>, vector<1x16xf32>,
          %swap3A_250 = vector.shape_cast %swap3A_249 : vector<1x16xf32> to vector<16xf32>
          %swap3A_251 = vector.shape_cast %max3A_246 : vector<16xf32> to vector<1x16xf32>
          tpu.vector_store %arg9[%swap3A_247, %swap3A_248], %swap3A_251 {strides = array<i32>} : memref<40x128xf32, #tpu.memory_space<vmem>>, vector<1x16xf32>,
          %get3A_252 = arith.index_cast %scan3A_135 : i32 to index
          %get3A_253 = arith.constant 112 : index
          %get3A_254 = tpu.vector_load %arg9[%get3A_252, %get3A_253] {strides = array<i32>} : memref<40x128xf32, #tpu.memory_space<vmem>>, vector<1x16xf32>,
          %get3A_255 = vector.shape_cast %get3A_254 : vector<1x16xf32> to vector<16xf32>
          %get3A_256 = arith.index_cast %scan3A_135 : i32 to index
          %get3A_257 = arith.constant 112 : index
          %get3A_258 = tpu.vector_load %arg11[%get3A_256, %get3A_257] {strides = array<i32>} : memref<40x128xf32, #tpu.memory_space<vmem>>, vector<1x16xf32>,
          %get3A_259 = vector.shape_cast %get3A_258 : vector<1x16xf32> to vector<16xf32>
          %add3A_260 = arith.addf %get3A_255, %get3A_259 : vector<16xf32>
          %max3A_261 = arith.constant 0.000000e+00 : f32
          %max3A_262 = vector.broadcast %max3A_261 : f32 to vector<16xf32>
          %max3A_263 = arith.maximumf %add3A_260, %max3A_262 : vector<16xf32>
          %swap3A_264 = arith.index_cast %scan3A_135 : i32 to index
          %swap3A_265 = arith.constant 112 : index
          %swap3A_266 = tpu.vector_load %arg9[%swap3A_264, %swap3A_265] {strides = array<i32>} : memref<40x128xf32, #tpu.memory_space<vmem>>, vector<1x16xf32>,
          %swap3A_267 = vector.shape_cast %swap3A_266 : vector<1x16xf32> to vector<16xf32>
          %swap3A_268 = vector.shape_cast %max3A_263 : vector<16xf32> to vector<1x16xf32>
          tpu.vector_store %arg9[%swap3A_264, %swap3A_265], %swap3A_268 {strides = array<i32>} : memref<40x128xf32, #tpu.memory_space<vmem>>, vector<1x16xf32>,
        }
        %scan3A_104 = arith.constant 40 : i32
        %dma_start3A_105 = arith.constant 0 : i32
        %dma_start3A_106 = tpu.memref_slice %arg8[%mul3A_45, %dma_start3A_105] : memref<50x40xi32, #tpu.memory_space<vmem>> -> memref<1x40xi32, #tpu.memory_space<vmem>>
        %dma_start3A_107 = tpu.memref_squeeze %dma_start3A_106 : memref<1x40xi32, #tpu.memory_space<vmem>> -> memref<40xi32, #tpu.memory_space<vmem>>
        %dma_start3A_108 = arith.constant 0 : i32
        %dma_start3A_109 = arith.constant 0 : i32
        %dma_start3A_110 = tpu.memref_slice %arg13[%dma_start3A_108, %dma_start3A_109] : memref<10240x128xf32, #tpu.memory_space<vmem_shared>> -> memref<10240x128xf32, #tpu.memory_space<vmem_shared>>
        tpu.enqueue_indirect_dma source(%arg9 : memref<40x128xf32, #tpu.memory_space<vmem>>) target(%dma_start3A_110 : memref<10240x128xf32, #tpu.memory_space<vmem_shared>>) offsets(%dma_start3A_107 : memref<40xi32, #tpu.memory_space<vmem>>) semaphore(%arg18 : memref<!tpu.dma_semaphore, #tpu.memory_space<semaphore_mem>>) {add = true}
        %dma_wait3A_111 = arith.constant 0 : i32
        %dma_wait3A_112 = tpu.memref_slice %arg7[%add3A_82, %dma_wait3A_111] : memref<50x40xi32, #tpu.memory_space<vmem>> -> memref<1x40xi32, #tpu.memory_space<vmem>>
        %dma_wait3A_113 = tpu.memref_squeeze %dma_wait3A_112 : memref<1x40xi32, #tpu.memory_space<vmem>> -> memref<40xi32, #tpu.memory_space<vmem>>
        %dma_wait3A_114 = arith.constant 0 : i32
        %dma_wait3A_115 = arith.constant 0 : i32
        %dma_wait3A_116 = tpu.memref_slice %arg2[%dma_wait3A_114, %dma_wait3A_115] : memref<10000x128xf32, #tpu.memory_space<hbm>> -> memref<10000x128xf32, #tpu.memory_space<hbm>>
        tpu.wait_indirect_dma semaphore(%arg15 : memref<!tpu.dma_semaphore, #tpu.memory_space<semaphore_mem>>) src(%dma_wait3A_116 : memref<10000x128xf32, #tpu.memory_space<hbm>>) dst(%arg10 : memref<40x128xf32, #tpu.memory_space<vmem>>)
        %dma_wait3A_117 = arith.constant 0 : i32
        %dma_wait3A_118 = tpu.memref_slice %arg3[%multiple_of3A_60, %dma_wait3A_117] : memref<320000x128xf32, #tpu.memory_space<hbm>> -> memref<40x128xf32, #tpu.memory_space<hbm>>
        %dma_wait3A_119 = arith.constant 0 : i32
        %dma_wait3A_120 = tpu.memref_slice %arg3[%multiple_of3A_60, %dma_wait3A_119] : memref<320000x128xf32, #tpu.memory_space<hbm>> -> memref<40x128xf32, #tpu.memory_space<hbm>>
        tpu.wait_dma2 semaphore(%arg17 : memref<!tpu.dma_semaphore, #tpu.memory_space<semaphore_mem>>) src(%dma_wait3A_120 : memref<40x128xf32, #tpu.memory_space<hbm>>) dst(%arg12 : memref<40x128xf32, #tpu.memory_space<vmem>>)
        %scan3A_121 = arith.constant 0 : i32
        %scan3A_122 = arith.constant 0 : i32
        %scan3A_123 = arith.constant 40 : i32
        %scan3A_124 = arith.addi %scan3A_122, %scan3A_123 : i32
        %scan3A_125 = arith.constant 1 : i32
        scf.for %scan3A_135 = %scan3A_122 to %scan3A_124 step %scan3A_125  : i32 {
          %get3A = arith.index_cast %scan3A_135 : i32 to index
          %get3A_136 = arith.constant 0 : index
          %get3A_137 = tpu.vector_load %arg10[%get3A, %get3A_136] {strides = array<i32>} : memref<40x128xf32, #tpu.memory_space<vmem>>, vector<1x16xf32>,
          %get3A_138 = vector.shape_cast %get3A_137 : vector<1x16xf32> to vector<16xf32>
          %get3A_139 = arith.index_cast %scan3A_135 : i32 to index
          %get3A_140 = arith.constant 0 : index
          %get3A_141 = tpu.vector_load %arg12[%get3A_139, %get3A_140] {strides = array<i32>} : memref<40x128xf32, #tpu.memory_space<vmem>>, vector<1x16xf32>,
          %get3A_142 = vector.shape_cast %get3A_141 : vector<1x16xf32> to vector<16xf32>
          %add3A_143 = arith.addf %get3A_138, %get3A_142 : vector<16xf32>
          %max3A = arith.constant 0.000000e+00 : f32
          %max3A_144 = vector.broadcast %max3A : f32 to vector<16xf32>
          %max3A_145 = arith.maximumf %add3A_143, %max3A_144 : vector<16xf32>
          %swap3A = arith.index_cast %scan3A_135 : i32 to index
          %swap3A_146 = arith.constant 0 : index
          %swap3A_147 = tpu.vector_load %arg10[%swap3A, %swap3A_146] {strides = array<i32>} : memref<40x128xf32, #tpu.memory_space<vmem>>, vector<1x16xf32>,
          %swap3A_148 = vector.shape_cast %swap3A_147 : vector<1x16xf32> to vector<16xf32>
          %swap3A_149 = vector.shape_cast %max3A_145 : vector<16xf32> to vector<1x16xf32>
          tpu.vector_store %arg10[%swap3A, %swap3A_146], %swap3A_149 {strides = array<i32>} : memref<40x128xf32, #tpu.memory_space<vmem>>, vector<1x16xf32>,
          %get3A_150 = arith.index_cast %scan3A_135 : i32 to index
          %get3A_151 = arith.constant 16 : index
          %get3A_152 = tpu.vector_load %arg10[%get3A_150, %get3A_151] {strides = array<i32>} : memref<40x128xf32, #tpu.memory_space<vmem>>, vector<1x16xf32>,
          %get3A_153 = vector.shape_cast %get3A_152 : vector<1x16xf32> to vector<16xf32>
          %get3A_154 = arith.index_cast %scan3A_135 : i32 to index
          %get3A_155 = arith.constant 16 : index
          %get3A_156 = tpu.vector_load %arg12[%get3A_154, %get3A_155] {strides = array<i32>} : memref<40x128xf32, #tpu.memory_space<vmem>>, vector<1x16xf32>,
          %get3A_157 = vector.shape_cast %get3A_156 : vector<1x16xf32> to vector<16xf32>
          %add3A_158 = arith.addf %get3A_153, %get3A_157 : vector<16xf32>
          %max3A_159 = arith.constant 0.000000e+00 : f32
          %max3A_160 = vector.broadcast %max3A_159 : f32 to vector<16xf32>
          %max3A_161 = arith.maximumf %add3A_158, %max3A_160 : vector<16xf32>
          %swap3A_162 = arith.index_cast %scan3A_135 : i32 to index
          %swap3A_163 = arith.constant 16 : index
          %swap3A_164 = tpu.vector_load %arg10[%swap3A_162, %swap3A_163] {strides = array<i32>} : memref<40x128xf32, #tpu.memory_space<vmem>>, vector<1x16xf32>,
          %swap3A_165 = vector.shape_cast %swap3A_164 : vector<1x16xf32> to vector<16xf32>
          %swap3A_166 = vector.shape_cast %max3A_161 : vector<16xf32> to vector<1x16xf32>
          tpu.vector_store %arg10[%swap3A_162, %swap3A_163], %swap3A_166 {strides = array<i32>} : memref<40x128xf32, #tpu.memory_space<vmem>>, vector<1x16xf32>,
          %get3A_167 = arith.index_cast %scan3A_135 : i32 to index
          %get3A_168 = arith.constant 32 : index
          %get3A_169 = tpu.vector_load %arg10[%get3A_167, %get3A_168] {strides = array<i32>} : memref<40x128xf32, #tpu.memory_space<vmem>>, vector<1x16xf32>,
          %get3A_170 = vector.shape_cast %get3A_169 : vector<1x16xf32> to vector<16xf32>
          %get3A_171 = arith.index_cast %scan3A_135 : i32 to index
          %get3A_172 = arith.constant 32 : index
          %get3A_173 = tpu.vector_load %arg12[%get3A_171, %get3A_172] {strides = array<i32>} : memref<40x128xf32, #tpu.memory_space<vmem>>, vector<1x16xf32>,
          %get3A_174 = vector.shape_cast %get3A_173 : vector<1x16xf32> to vector<16xf32>
          %add3A_175 = arith.addf %get3A_170, %get3A_174 : vector<16xf32>
          %max3A_176 = arith.constant 0.000000e+00 : f32
          %max3A_177 = vector.broadcast %max3A_176 : f32 to vector<16xf32>
          %max3A_178 = arith.maximumf %add3A_175, %max3A_177 : vector<16xf32>
          %swap3A_179 = arith.index_cast %scan3A_135 : i32 to index
          %swap3A_180 = arith.constant 32 : index
          %swap3A_181 = tpu.vector_load %arg10[%swap3A_179, %swap3A_180] {strides = array<i32>} : memref<40x128xf32, #tpu.memory_space<vmem>>, vector<1x16xf32>,
          %swap3A_182 = vector.shape_cast %swap3A_181 : vector<1x16xf32> to vector<16xf32>
          %swap3A_183 = vector.shape_cast %max3A_178 : vector<16xf32> to vector<1x16xf32>
          tpu.vector_store %arg10[%swap3A_179, %swap3A_180], %swap3A_183 {strides = array<i32>} : memref<40x128xf32, #tpu.memory_space<vmem>>, vector<1x16xf32>,
          %get3A_184 = arith.index_cast %scan3A_135 : i32 to index
          %get3A_185 = arith.constant 48 : index
          %get3A_186 = tpu.vector_load %arg10[%get3A_184, %get3A_185] {strides = array<i32>} : memref<40x128xf32, #tpu.memory_space<vmem>>, vector<1x16xf32>,
          %get3A_187 = vector.shape_cast %get3A_186 : vector<1x16xf32> to vector<16xf32>
          %get3A_188 = arith.index_cast %scan3A_135 : i32 to index
          %get3A_189 = arith.constant 48 : index
          %get3A_190 = tpu.vector_load %arg12[%get3A_188, %get3A_189] {strides = array<i32>} : memref<40x128xf32, #tpu.memory_space<vmem>>, vector<1x16xf32>,
          %get3A_191 = vector.shape_cast %get3A_190 : vector<1x16xf32> to vector<16xf32>
          %add3A_192 = arith.addf %get3A_187, %get3A_191 : vector<16xf32>
          %max3A_193 = arith.constant 0.000000e+00 : f32
          %max3A_194 = vector.broadcast %max3A_193 : f32 to vector<16xf32>
          %max3A_195 = arith.maximumf %add3A_192, %max3A_194 : vector<16xf32>
          %swap3A_196 = arith.index_cast %scan3A_135 : i32 to index
          %swap3A_197 = arith.constant 48 : index
          %swap3A_198 = tpu.vector_load %arg10[%swap3A_196, %swap3A_197] {strides = array<i32>} : memref<40x128xf32, #tpu.memory_space<vmem>>, vector<1x16xf32>,
          %swap3A_199 = vector.shape_cast %swap3A_198 : vector<1x16xf32> to vector<16xf32>
          %swap3A_200 = vector.shape_cast %max3A_195 : vector<16xf32> to vector<1x16xf32>
          tpu.vector_store %arg10[%swap3A_196, %swap3A_197], %swap3A_200 {strides = array<i32>} : memref<40x128xf32, #tpu.memory_space<vmem>>, vector<1x16xf32>,
          %get3A_201 = arith.index_cast %scan3A_135 : i32 to index
          %get3A_202 = arith.constant 64 : index
          %get3A_203 = tpu.vector_load %arg10[%get3A_201, %get3A_202] {strides = array<i32>} : memref<40x128xf32, #tpu.memory_space<vmem>>, vector<1x16xf32>,
          %get3A_204 = vector.shape_cast %get3A_203 : vector<1x16xf32> to vector<16xf32>
          %get3A_205 = arith.index_cast %scan3A_135 : i32 to index
          %get3A_206 = arith.constant 64 : index
          %get3A_207 = tpu.vector_load %arg12[%get3A_205, %get3A_206] {strides = array<i32>} : memref<40x128xf32, #tpu.memory_space<vmem>>, vector<1x16xf32>,
          %get3A_208 = vector.shape_cast %get3A_207 : vector<1x16xf32> to vector<16xf32>
          %add3A_209 = arith.addf %get3A_204, %get3A_208 : vector<16xf32>
          %max3A_210 = arith.constant 0.000000e+00 : f32
          %max3A_211 = vector.broadcast %max3A_210 : f32 to vector<16xf32>
          %max3A_212 = arith.maximumf %add3A_209, %max3A_211 : vector<16xf32>
          %swap3A_213 = arith.index_cast %scan3A_135 : i32 to index
          %swap3A_214 = arith.constant 64 : index
          %swap3A_215 = tpu.vector_load %arg10[%swap3A_213, %swap3A_214] {strides = array<i32>} : memref<40x128xf32, #tpu.memory_space<vmem>>, vector<1x16xf32>,
          %swap3A_216 = vector.shape_cast %swap3A_215 : vector<1x16xf32> to vector<16xf32>
          %swap3A_217 = vector.shape_cast %max3A_212 : vector<16xf32> to vector<1x16xf32>
          tpu.vector_store %arg10[%swap3A_213, %swap3A_214], %swap3A_217 {strides = array<i32>} : memref<40x128xf32, #tpu.memory_space<vmem>>, vector<1x16xf32>,
          %get3A_218 = arith.index_cast %scan3A_135 : i32 to index
          %get3A_219 = arith.constant 80 : index
          %get3A_220 = tpu.vector_load %arg10[%get3A_218, %get3A_219] {strides = array<i32>} : memref<40x128xf32, #tpu.memory_space<vmem>>, vector<1x16xf32>,
          %get3A_221 = vector.shape_cast %get3A_220 : vector<1x16xf32> to vector<16xf32>
          %get3A_222 = arith.index_cast %scan3A_135 : i32 to index
          %get3A_223 = arith.constant 80 : index
          %get3A_224 = tpu.vector_load %arg12[%get3A_222, %get3A_223] {strides = array<i32>} : memref<40x128xf32, #tpu.memory_space<vmem>>, vector<1x16xf32>,
          %get3A_225 = vector.shape_cast %get3A_224 : vector<1x16xf32> to vector<16xf32>
          %add3A_226 = arith.addf %get3A_221, %get3A_225 : vector<16xf32>
          %max3A_227 = arith.constant 0.000000e+00 : f32
          %max3A_228 = vector.broadcast %max3A_227 : f32 to vector<16xf32>
          %max3A_229 = arith.maximumf %add3A_226, %max3A_228 : vector<16xf32>
          %swap3A_230 = arith.index_cast %scan3A_135 : i32 to index
          %swap3A_231 = arith.constant 80 : index
          %swap3A_232 = tpu.vector_load %arg10[%swap3A_230, %swap3A_231] {strides = array<i32>} : memref<40x128xf32, #tpu.memory_space<vmem>>, vector<1x16xf32>,
          %swap3A_233 = vector.shape_cast %swap3A_232 : vector<1x16xf32> to vector<16xf32>
          %swap3A_234 = vector.shape_cast %max3A_229 : vector<16xf32> to vector<1x16xf32>
          tpu.vector_store %arg10[%swap3A_230, %swap3A_231], %swap3A_234 {strides = array<i32>} : memref<40x128xf32, #tpu.memory_space<vmem>>, vector<1x16xf32>,
          %get3A_235 = arith.index_cast %scan3A_135 : i32 to index
          %get3A_236 = arith.constant 96 : index
          %get3A_237 = tpu.vector_load %arg10[%get3A_235, %get3A_236] {strides = array<i32>} : memref<40x128xf32, #tpu.memory_space<vmem>>, vector<1x16xf32>,
          %get3A_238 = vector.shape_cast %get3A_237 : vector<1x16xf32> to vector<16xf32>
          %get3A_239 = arith.index_cast %scan3A_135 : i32 to index
          %get3A_240 = arith.constant 96 : index
          %get3A_241 = tpu.vector_load %arg12[%get3A_239, %get3A_240] {strides = array<i32>} : memref<40x128xf32, #tpu.memory_space<vmem>>, vector<1x16xf32>,
          %get3A_242 = vector.shape_cast %get3A_241 : vector<1x16xf32> to vector<16xf32>
          %add3A_243 = arith.addf %get3A_238, %get3A_242 : vector<16xf32>
          %max3A_244 = arith.constant 0.000000e+00 : f32
          %max3A_245 = vector.broadcast %max3A_244 : f32 to vector<16xf32>
          %max3A_246 = arith.maximumf %add3A_243, %max3A_245 : vector<16xf32>
          %swap3A_247 = arith.index_cast %scan3A_135 : i32 to index
          %swap3A_248 = arith.constant 96 : index
          %swap3A_249 = tpu.vector_load %arg10[%swap3A_247, %swap3A_248] {strides = array<i32>} : memref<40x128xf32, #tpu.memory_space<vmem>>, vector<1x16xf32>,
          %swap3A_250 = vector.shape_cast %swap3A_249 : vector<1x16xf32> to vector<16xf32>
          %swap3A_251 = vector.shape_cast %max3A_246 : vector<16xf32> to vector<1x16xf32>
          tpu.vector_store %arg10[%swap3A_247, %swap3A_248], %swap3A_251 {strides = array<i32>} : memref<40x128xf32, #tpu.memory_space<vmem>>, vector<1x16xf32>,
          %get3A_252 = arith.index_cast %scan3A_135 : i32 to index
          %get3A_253 = arith.constant 112 : index
          %get3A_254 = tpu.vector_load %arg10[%get3A_252, %get3A_253] {strides = array<i32>} : memref<40x128xf32, #tpu.memory_space<vmem>>, vector<1x16xf32>,
          %get3A_255 = vector.shape_cast %get3A_254 : vector<1x16xf32> to vector<16xf32>
          %get3A_256 = arith.index_cast %scan3A_135 : i32 to index
          %get3A_257 = arith.constant 112 : index
          %get3A_258 = tpu.vector_load %arg12[%get3A_256, %get3A_257] {strides = array<i32>} : memref<40x128xf32, #tpu.memory_space<vmem>>, vector<1x16xf32>,
          %get3A_259 = vector.shape_cast %get3A_258 : vector<1x16xf32> to vector<16xf32>
          %add3A_260 = arith.addf %get3A_255, %get3A_259 : vector<16xf32>
          %max3A_261 = arith.constant 0.000000e+00 : f32
          %max3A_262 = vector.broadcast %max3A_261 : f32 to vector<16xf32>
          %max3A_263 = arith.maximumf %add3A_260, %max3A_262 : vector<16xf32>
          %swap3A_264 = arith.index_cast %scan3A_135 : i32 to index
          %swap3A_265 = arith.constant 112 : index
          %swap3A_266 = tpu.vector_load %arg10[%swap3A_264, %swap3A_265] {strides = array<i32>} : memref<40x128xf32, #tpu.memory_space<vmem>>, vector<1x16xf32>,
          %swap3A_267 = vector.shape_cast %swap3A_266 : vector<1x16xf32> to vector<16xf32>
          %swap3A_268 = vector.shape_cast %max3A_263 : vector<16xf32> to vector<1x16xf32>
          tpu.vector_store %arg10[%swap3A_264, %swap3A_265], %swap3A_268 {strides = array<i32>} : memref<40x128xf32, #tpu.memory_space<vmem>>, vector<1x16xf32>,
        }
        %scan3A_126 = arith.constant 40 : i32
        %add3A_127 = arith.constant 1 : i32
        %add3A_128 = arith.addi %mul3A_45, %add3A_127 : i32
        %dma_start3A_129 = arith.constant 0 : i32
        %dma_start3A_130 = tpu.memref_slice %arg8[%add3A_128, %dma_start3A_129] : memref<50x40xi32, #tpu.memory_space<vmem>> -> memref<1x40xi32, #tpu.memory_space<vmem>>
        %dma_start3A_131 = tpu.memref_squeeze %dma_start3A_130 : memref<1x40xi32, #tpu.memory_space<vmem>> -> memref<40xi32, #tpu.memory_space<vmem>>
        %dma_start3A_132 = arith.constant 0 : i32
        %dma_start3A_133 = arith.constant 0 : i32
        %dma_start3A_134 = tpu.memref_slice %arg13[%dma_start3A_132, %dma_start3A_133] : memref<10240x128xf32, #tpu.memory_space<vmem_shared>> -> memref<10240x128xf32, #tpu.memory_space<vmem_shared>>
        tpu.enqueue_indirect_dma source(%arg10 : memref<40x128xf32, #tpu.memory_space<vmem>>) target(%dma_start3A_134 : memref<10240x128xf32, #tpu.memory_space<vmem_shared>>) offsets(%dma_start3A_131 : memref<40xi32, #tpu.memory_space<vmem>>) semaphore(%arg19 : memref<!tpu.dma_semaphore, #tpu.memory_space<semaphore_mem>>) {add = true}
      }
      %scan3A_42 = arith.constant 25 : i32
    }
    %scan3A_21 = arith.constant 5 : i32
    %dma_wait3A = arith.constant 48 : i32
    %dma_wait3A_22 = arith.constant 0 : i32
    %dma_wait3A_23 = tpu.memref_slice %arg8[%dma_wait3A, %dma_wait3A_22] : memref<50x40xi32, #tpu.memory_space<vmem>> -> memref<1x40xi32, #tpu.memory_space<vmem>>
    %dma_wait3A_24 = tpu.memref_squeeze %dma_wait3A_23 : memref<1x40xi32, #tpu.memory_space<vmem>> -> memref<40xi32, #tpu.memory_space<vmem>>
    %dma_wait3A_25 = arith.constant 0 : i32
    %dma_wait3A_26 = arith.constant 0 : i32
    %dma_wait3A_27 = tpu.memref_slice %arg13[%dma_wait3A_25, %dma_wait3A_26] : memref<10240x128xf32, #tpu.memory_space<vmem_shared>> -> memref<10240x128xf32, #tpu.memory_space<vmem_shared>>
    tpu.wait_indirect_dma semaphore(%arg18 : memref<!tpu.dma_semaphore, #tpu.memory_space<semaphore_mem>>) src(%arg9 : memref<40x128xf32, #tpu.memory_space<vmem>>) dst(%dma_wait3A_27 : memref<10240x128xf32, #tpu.memory_space<vmem_shared>>)
    %dma_wait3A_28 = arith.constant 49 : i32
    %dma_wait3A_29 = arith.constant 0 : i32
    %dma_wait3A_30 = tpu.memref_slice %arg8[%dma_wait3A_28, %dma_wait3A_29] : memref<50x40xi32, #tpu.memory_space<vmem>> -> memref<1x40xi32, #tpu.memory_space<vmem>>
    %dma_wait3A_31 = tpu.memref_squeeze %dma_wait3A_30 : memref<1x40xi32, #tpu.memory_space<vmem>> -> memref<40xi32, #tpu.memory_space<vmem>>
    %dma_wait3A_32 = arith.constant 0 : i32
    %dma_wait3A_33 = arith.constant 0 : i32
    %dma_wait3A_34 = tpu.memref_slice %arg13[%dma_wait3A_32, %dma_wait3A_33] : memref<10240x128xf32, #tpu.memory_space<vmem_shared>> -> memref<10240x128xf32, #tpu.memory_space<vmem_shared>>
    tpu.wait_indirect_dma semaphore(%arg19 : memref<!tpu.dma_semaphore, #tpu.memory_space<semaphore_mem>>) src(%arg10 : memref<40x128xf32, #tpu.memory_space<vmem>>) dst(%dma_wait3A_34 : memref<10240x128xf32, #tpu.memory_space<vmem_shared>>)
    %barrier3A_35 = arith.constant 0 : index
    tpu.barrier barrier_id(%barrier3A_35)
    "tpu.region"() ({
      %run_scoped3A = tpu.sem_alloc : memref<!tpu.dma_semaphore, #tpu.memory_space<semaphore_mem>>
      %dma_start3A = arith.constant 0 : i32
      %dma_start3A_36 = tpu.memref_slice %arg6[%arg0, %mul3A_2, %dma_start3A] : memref<2x10240x128xf32, #tpu.memory_space<hbm>> -> memref<1x640x128xf32, #tpu.memory_space<hbm>>
      %dma_start3A_37 = tpu.memref_squeeze %dma_start3A_36 : memref<1x640x128xf32, #tpu.memory_space<hbm>> -> memref<640x128xf32, #tpu.memory_space<hbm>>
      %dma_start3A_38 = arith.constant 0 : i32
      %dma_start3A_39 = tpu.memref_slice %arg13[%mul3A_2, %dma_start3A_38] : memref<10240x128xf32, #tpu.memory_space<vmem_shared>> -> memref<640x128xf32, #tpu.memory_space<vmem_shared>>
      tpu.enqueue_dma source(%dma_start3A_39 : memref<640x128xf32, #tpu.memory_space<vmem_shared>>) target(%dma_start3A_37 : memref<640x128xf32, #tpu.memory_space<hbm>>) target_semaphore(%run_scoped3A : memref<!tpu.dma_semaphore, #tpu.memory_space<semaphore_mem>>)
      %dma_wait3A_40 = arith.constant 0 : i32
      %dma_wait3A_41 = tpu.memref_slice %arg6[%arg0, %mul3A_2, %dma_wait3A_40] : memref<2x10240x128xf32, #tpu.memory_space<hbm>> -> memref<1x640x128xf32, #tpu.memory_space<hbm>>
      %dma_wait3A_42 = tpu.memref_squeeze %dma_wait3A_41 : memref<1x640x128xf32, #tpu.memory_space<hbm>> -> memref<640x128xf32, #tpu.memory_space<hbm>>
      %dma_wait3A_43 = arith.constant 0 : i32
      %dma_wait3A_44 = tpu.memref_slice %arg13[%mul3A_2, %dma_wait3A_43] : memref<10240x128xf32, #tpu.memory_space<vmem_shared>> -> memref<640x128xf32, #tpu.memory_space<vmem_shared>>
      tpu.wait_dma2 semaphore(%run_scoped3A : memref<!tpu.dma_semaphore, #tpu.memory_space<semaphore_mem>>) src(%dma_wait3A_44 : memref<640x128xf32, #tpu.memory_space<vmem_shared>>) dst(%dma_wait3A_42 : memref<640x128xf32, #tpu.memory_space<hbm>>)
      tpu.yield
    }) : () -> ()
    return
  }
}

#map = affine_map<(d0, d1) -> (0, 0)>
#map1 = affine_map<(d0, d1) -> (0, 0, 0)>
module attributes {stable_mosaic.version = 14 : i64} {
  func.func @_sc_scatter(%arg0: i32, %arg1: i32, %arg2: memref<320000x128xf32, #tpu.memory_space<hbm>>, %arg3: memref<32x125x80xi32, #tpu.memory_space<hbm>>, %arg4: memref<2x10240x128xf32, #tpu.memory_space<hbm>>, %arg5: memref<125x80xi32, #tpu.memory_space<vmem>>, %arg6: memref<80x128xf32, #tpu.memory_space<vmem>>, %arg7: memref<80x128xf32, #tpu.memory_space<vmem>>, %arg8: memref<10240x128xf32, #tpu.memory_space<vmem_shared>>, %arg9: memref<!tpu.dma_semaphore, #tpu.memory_space<semaphore_mem>>, %arg10: memref<!tpu.dma_semaphore, #tpu.memory_space<semaphore_mem>>) attributes {dimension_semantics = [#tpu.dimension_semantics<core_parallel>, #tpu.dimension_semantics<subcore_parallel>], iteration_bounds = array<i64: 2, 16>, scalar_prefetch = 0 : i64, scratch_operands = 6 : i64, tpu.core_type = #tpu.core_type<sc_vector_subcore>, window_params = [{transform_indices = #map}, {transform_indices = #map1}, {transform_indices = #map1}]} {
    %mul3A = arith.constant 2 : i32
    %mul3A_0 = arith.muli %arg1, %mul3A : i32
    %add3A = arith.addi %mul3A_0, %arg0 : i32
    %mul3A_1 = arith.constant 640 : i32
    %mul3A_2 = arith.muli %arg1, %mul3A_1 : i32
    %scan3A = arith.constant 0 : i32
    %scan3A_3 = arith.constant 0 : i32
    %scan3A_4 = arith.constant 80 : i32
    %scan3A_5 = arith.addi %scan3A_3, %scan3A_4 : i32
    %scan3A_6 = arith.constant 1 : i32
    scf.for %scan3A_31 = %scan3A_3 to %scan3A_5 step %scan3A_6  : i32 {
      %broadcast_in_dim3A = arith.constant 0.000000e+00 : f32
      %broadcast_in_dim3A_32 = vector.broadcast %broadcast_in_dim3A : f32 to vector<16xf32>
      %swap3A = arith.index_cast %scan3A_31 : i32 to index
      %swap3A_33 = arith.constant 0 : index
      %swap3A_34 = tpu.vector_load %arg6[%swap3A, %swap3A_33] {strides = array<i32>} : memref<80x128xf32, #tpu.memory_space<vmem>>, vector<1x16xf32>,
      %swap3A_35 = vector.shape_cast %swap3A_34 : vector<1x16xf32> to vector<16xf32>
      %swap3A_36 = vector.shape_cast %broadcast_in_dim3A_32 : vector<16xf32> to vector<1x16xf32>
      tpu.vector_store %arg6[%swap3A, %swap3A_33], %swap3A_36 {strides = array<i32>} : memref<80x128xf32, #tpu.memory_space<vmem>>, vector<1x16xf32>,
      %broadcast_in_dim3A_37 = arith.constant 0.000000e+00 : f32
      %broadcast_in_dim3A_38 = vector.broadcast %broadcast_in_dim3A_37 : f32 to vector<16xf32>
      %swap3A_39 = arith.index_cast %scan3A_31 : i32 to index
      %swap3A_40 = arith.constant 16 : index
      %swap3A_41 = tpu.vector_load %arg6[%swap3A_39, %swap3A_40] {strides = array<i32>} : memref<80x128xf32, #tpu.memory_space<vmem>>, vector<1x16xf32>,
      %swap3A_42 = vector.shape_cast %swap3A_41 : vector<1x16xf32> to vector<16xf32>
      %swap3A_43 = vector.shape_cast %broadcast_in_dim3A_38 : vector<16xf32> to vector<1x16xf32>
      tpu.vector_store %arg6[%swap3A_39, %swap3A_40], %swap3A_43 {strides = array<i32>} : memref<80x128xf32, #tpu.memory_space<vmem>>, vector<1x16xf32>,
      %broadcast_in_dim3A_44 = arith.constant 0.000000e+00 : f32
      %broadcast_in_dim3A_45 = vector.broadcast %broadcast_in_dim3A_44 : f32 to vector<16xf32>
      %swap3A_46 = arith.index_cast %scan3A_31 : i32 to index
      %swap3A_47 = arith.constant 32 : index
      %swap3A_48 = tpu.vector_load %arg6[%swap3A_46, %swap3A_47] {strides = array<i32>} : memref<80x128xf32, #tpu.memory_space<vmem>>, vector<1x16xf32>,
      %swap3A_49 = vector.shape_cast %swap3A_48 : vector<1x16xf32> to vector<16xf32>
      %swap3A_50 = vector.shape_cast %broadcast_in_dim3A_45 : vector<16xf32> to vector<1x16xf32>
      tpu.vector_store %arg6[%swap3A_46, %swap3A_47], %swap3A_50 {strides = array<i32>} : memref<80x128xf32, #tpu.memory_space<vmem>>, vector<1x16xf32>,
      %broadcast_in_dim3A_51 = arith.constant 0.000000e+00 : f32
      %broadcast_in_dim3A_52 = vector.broadcast %broadcast_in_dim3A_51 : f32 to vector<16xf32>
      %swap3A_53 = arith.index_cast %scan3A_31 : i32 to index
      %swap3A_54 = arith.constant 48 : index
      %swap3A_55 = tpu.vector_load %arg6[%swap3A_53, %swap3A_54] {strides = array<i32>} : memref<80x128xf32, #tpu.memory_space<vmem>>, vector<1x16xf32>,
      %swap3A_56 = vector.shape_cast %swap3A_55 : vector<1x16xf32> to vector<16xf32>
      %swap3A_57 = vector.shape_cast %broadcast_in_dim3A_52 : vector<16xf32> to vector<1x16xf32>
      tpu.vector_store %arg6[%swap3A_53, %swap3A_54], %swap3A_57 {strides = array<i32>} : memref<80x128xf32, #tpu.memory_space<vmem>>, vector<1x16xf32>,
      %broadcast_in_dim3A_58 = arith.constant 0.000000e+00 : f32
      %broadcast_in_dim3A_59 = vector.broadcast %broadcast_in_dim3A_58 : f32 to vector<16xf32>
      %swap3A_60 = arith.index_cast %scan3A_31 : i32 to index
      %swap3A_61 = arith.constant 64 : index
      %swap3A_62 = tpu.vector_load %arg6[%swap3A_60, %swap3A_61] {strides = array<i32>} : memref<80x128xf32, #tpu.memory_space<vmem>>, vector<1x16xf32>,
      %swap3A_63 = vector.shape_cast %swap3A_62 : vector<1x16xf32> to vector<16xf32>
      %swap3A_64 = vector.shape_cast %broadcast_in_dim3A_59 : vector<16xf32> to vector<1x16xf32>
      tpu.vector_store %arg6[%swap3A_60, %swap3A_61], %swap3A_64 {strides = array<i32>} : memref<80x128xf32, #tpu.memory_space<vmem>>, vector<1x16xf32>,
      %broadcast_in_dim3A_65 = arith.constant 0.000000e+00 : f32
      %broadcast_in_dim3A_66 = vector.broadcast %broadcast_in_dim3A_65 : f32 to vector<16xf32>
      %swap3A_67 = arith.index_cast %scan3A_31 : i32 to index
      %swap3A_68 = arith.constant 80 : index
      %swap3A_69 = tpu.vector_load %arg6[%swap3A_67, %swap3A_68] {strides = array<i32>} : memref<80x128xf32, #tpu.memory_space<vmem>>, vector<1x16xf32>,
      %swap3A_70 = vector.shape_cast %swap3A_69 : vector<1x16xf32> to vector<16xf32>
      %swap3A_71 = vector.shape_cast %broadcast_in_dim3A_66 : vector<16xf32> to vector<1x16xf32>
      tpu.vector_store %arg6[%swap3A_67, %swap3A_68], %swap3A_71 {strides = array<i32>} : memref<80x128xf32, #tpu.memory_space<vmem>>, vector<1x16xf32>,
      %broadcast_in_dim3A_72 = arith.constant 0.000000e+00 : f32
      %broadcast_in_dim3A_73 = vector.broadcast %broadcast_in_dim3A_72 : f32 to vector<16xf32>
      %swap3A_74 = arith.index_cast %scan3A_31 : i32 to index
      %swap3A_75 = arith.constant 96 : index
      %swap3A_76 = tpu.vector_load %arg6[%swap3A_74, %swap3A_75] {strides = array<i32>} : memref<80x128xf32, #tpu.memory_space<vmem>>, vector<1x16xf32>,
      %swap3A_77 = vector.shape_cast %swap3A_76 : vector<1x16xf32> to vector<16xf32>
      %swap3A_78 = vector.shape_cast %broadcast_in_dim3A_73 : vector<16xf32> to vector<1x16xf32>
      tpu.vector_store %arg6[%swap3A_74, %swap3A_75], %swap3A_78 {strides = array<i32>} : memref<80x128xf32, #tpu.memory_space<vmem>>, vector<1x16xf32>,
      %broadcast_in_dim3A_79 = arith.constant 0.000000e+00 : f32
      %broadcast_in_dim3A_80 = vector.broadcast %broadcast_in_dim3A_79 : f32 to vector<16xf32>
      %swap3A_81 = arith.index_cast %scan3A_31 : i32 to index
      %swap3A_82 = arith.constant 112 : index
      %swap3A_83 = tpu.vector_load %arg6[%swap3A_81, %swap3A_82] {strides = array<i32>} : memref<80x128xf32, #tpu.memory_space<vmem>>, vector<1x16xf32>,
      %swap3A_84 = vector.shape_cast %swap3A_83 : vector<1x16xf32> to vector<16xf32>
      %swap3A_85 = vector.shape_cast %broadcast_in_dim3A_80 : vector<16xf32> to vector<1x16xf32>
      tpu.vector_store %arg6[%swap3A_81, %swap3A_82], %swap3A_85 {strides = array<i32>} : memref<80x128xf32, #tpu.memory_space<vmem>>, vector<1x16xf32>,
    }
    %scan3A_7 = arith.constant 80 : i32
    %scan3A_8 = arith.constant 0 : i32
    %scan3A_9 = arith.constant 0 : i32
    %scan3A_10 = arith.constant 8 : i32
    %scan3A_11 = arith.addi %scan3A_9, %scan3A_10 : i32
    %scan3A_12 = arith.constant 1 : i32
    scf.for %scan3A_31 = %scan3A_9 to %scan3A_11 step %scan3A_12  : i32 {
      %mul3A_32 = arith.constant 80 : i32
      %mul3A_33 = arith.muli %scan3A_31, %mul3A_32 : i32
      %add3A_34 = arith.addi %mul3A_2, %mul3A_33 : i32
      %multiple_of3A_35 = tpu.assume_multiple %add3A_34, 8 : i32
      "tpu.region"() ({
        %run_scoped3A_36 = tpu.sem_alloc : memref<!tpu.dma_semaphore, #tpu.memory_space<semaphore_mem>>
        %dma_start3A_37 = arith.constant 0 : i32
        %dma_start3A_38 = tpu.memref_slice %arg8[%multiple_of3A_35, %dma_start3A_37] : memref<10240x128xf32, #tpu.memory_space<vmem_shared>> -> memref<80x128xf32, #tpu.memory_space<vmem_shared>>
        %dma_start3A_39 = arith.constant 0 : i32
        %dma_start3A_40 = tpu.memref_slice %arg8[%multiple_of3A_35, %dma_start3A_39] : memref<10240x128xf32, #tpu.memory_space<vmem_shared>> -> memref<80x128xf32, #tpu.memory_space<vmem_shared>>
        tpu.enqueue_dma source(%arg6 : memref<80x128xf32, #tpu.memory_space<vmem>>) target(%dma_start3A_40 : memref<80x128xf32, #tpu.memory_space<vmem_shared>>) target_semaphore(%run_scoped3A_36 : memref<!tpu.dma_semaphore, #tpu.memory_space<semaphore_mem>>)
        %dma_wait3A_41 = arith.constant 0 : i32
        %dma_wait3A_42 = tpu.memref_slice %arg8[%multiple_of3A_35, %dma_wait3A_41] : memref<10240x128xf32, #tpu.memory_space<vmem_shared>> -> memref<80x128xf32, #tpu.memory_space<vmem_shared>>
        %dma_wait3A_43 = arith.constant 0 : i32
        %dma_wait3A_44 = tpu.memref_slice %arg8[%multiple_of3A_35, %dma_wait3A_43] : memref<10240x128xf32, #tpu.memory_space<vmem_shared>> -> memref<80x128xf32, #tpu.memory_space<vmem_shared>>
        tpu.wait_dma2 semaphore(%run_scoped3A_36 : memref<!tpu.dma_semaphore, #tpu.memory_space<semaphore_mem>>) src(%arg6 : memref<80x128xf32, #tpu.memory_space<vmem>>) dst(%dma_wait3A_44 : memref<80x128xf32, #tpu.memory_space<vmem_shared>>)
        tpu.yield
      }) : () -> ()
    }
    %scan3A_13 = arith.constant 8 : i32
    %barrier3A = arith.constant 0 : index
    tpu.barrier barrier_id(%barrier3A)
    "tpu.region"() ({
      %run_scoped3A_31 = tpu.sem_alloc : memref<!tpu.dma_semaphore, #tpu.memory_space<semaphore_mem>>
      %dma_start3A_32 = arith.constant 0 : i32
      %dma_start3A_33 = arith.constant 0 : i32
      %dma_start3A_34 = tpu.memref_slice %arg3[%add3A, %dma_start3A_32, %dma_start3A_33] : memref<32x125x80xi32, #tpu.memory_space<hbm>> -> memref<1x125x80xi32, #tpu.memory_space<hbm>>
      %dma_start3A_35 = tpu.memref_squeeze %dma_start3A_34 : memref<1x125x80xi32, #tpu.memory_space<hbm>> -> memref<125x80xi32, #tpu.memory_space<hbm>>
      %dma_start3A_36 = arith.constant 0 : i32
      %dma_start3A_37 = arith.constant 0 : i32
      %dma_start3A_38 = tpu.memref_slice %arg3[%add3A, %dma_start3A_36, %dma_start3A_37] : memref<32x125x80xi32, #tpu.memory_space<hbm>> -> memref<1x125x80xi32, #tpu.memory_space<hbm>>
      %dma_start3A_39 = tpu.memref_squeeze %dma_start3A_38 : memref<1x125x80xi32, #tpu.memory_space<hbm>> -> memref<125x80xi32, #tpu.memory_space<hbm>>
      tpu.enqueue_dma source(%dma_start3A_39 : memref<125x80xi32, #tpu.memory_space<hbm>>) target(%arg5 : memref<125x80xi32, #tpu.memory_space<vmem>>) target_semaphore(%run_scoped3A_31 : memref<!tpu.dma_semaphore, #tpu.memory_space<semaphore_mem>>)
      %dma_wait3A_40 = arith.constant 0 : i32
      %dma_wait3A_41 = arith.constant 0 : i32
      %dma_wait3A_42 = tpu.memref_slice %arg3[%add3A, %dma_wait3A_40, %dma_wait3A_41] : memref<32x125x80xi32, #tpu.memory_space<hbm>> -> memref<1x125x80xi32, #tpu.memory_space<hbm>>
      %dma_wait3A_43 = tpu.memref_squeeze %dma_wait3A_42 : memref<1x125x80xi32, #tpu.memory_space<hbm>> -> memref<125x80xi32, #tpu.memory_space<hbm>>
      %dma_wait3A_44 = arith.constant 0 : i32
      %dma_wait3A_45 = arith.constant 0 : i32
      %dma_wait3A_46 = tpu.memref_slice %arg3[%add3A, %dma_wait3A_44, %dma_wait3A_45] : memref<32x125x80xi32, #tpu.memory_space<hbm>> -> memref<1x125x80xi32, #tpu.memory_space<hbm>>
      %dma_wait3A_47 = tpu.memref_squeeze %dma_wait3A_46 : memref<1x125x80xi32, #tpu.memory_space<hbm>> -> memref<125x80xi32, #tpu.memory_space<hbm>>
      tpu.wait_dma2 semaphore(%run_scoped3A_31 : memref<!tpu.dma_semaphore, #tpu.memory_space<semaphore_mem>>) src(%dma_wait3A_47 : memref<125x80xi32, #tpu.memory_space<hbm>>) dst(%arg5 : memref<125x80xi32, #tpu.memory_space<vmem>>)
      tpu.yield
    }) : () -> ()
    %mul3A_14 = arith.constant 10000 : i32
    %mul3A_15 = arith.muli %add3A, %mul3A_14 : i32
    %scan3A_16 = arith.constant 0 : i32
    %scan3A_17 = arith.constant 0 : i32
    %scan3A_18 = arith.constant 62 : i32
    %scan3A_19 = arith.addi %scan3A_17, %scan3A_18 : i32
    %scan3A_20 = arith.constant 1 : i32
    scf.for %scan3A_31 = %scan3A_17 to %scan3A_19 step %scan3A_20  : i32 {
      %mul3A_32 = arith.constant 2 : i32
      %mul3A_33 = arith.muli %scan3A_31, %mul3A_32 : i32
      %mul3A_34 = arith.constant 80 : i32
      %mul3A_35 = arith.muli %mul3A_33, %mul3A_34 : i32
      %add3A_36 = arith.addi %mul3A_15, %mul3A_35 : i32
      %multiple_of3A_37 = tpu.assume_multiple %add3A_36, 16 : i32
      %add3A_38 = arith.constant 1 : i32
      %add3A_39 = arith.addi %mul3A_33, %add3A_38 : i32
      %mul3A_40 = arith.constant 80 : i32
      %mul3A_41 = arith.muli %add3A_39, %mul3A_40 : i32
      %add3A_42 = arith.addi %mul3A_15, %mul3A_41 : i32
      %multiple_of3A_43 = tpu.assume_multiple %add3A_42, 16 : i32
      %dma_start3A_44 = arith.constant 0 : i32
      %dma_start3A_45 = tpu.memref_slice %arg2[%multiple_of3A_37, %dma_start3A_44] : memref<320000x128xf32, #tpu.memory_space<hbm>> -> memref<80x128xf32, #tpu.memory_space<hbm>>
      %dma_start3A_46 = arith.constant 0 : i32
      %dma_start3A_47 = tpu.memref_slice %arg2[%multiple_of3A_37, %dma_start3A_46] : memref<320000x128xf32, #tpu.memory_space<hbm>> -> memref<80x128xf32, #tpu.memory_space<hbm>>
      tpu.enqueue_dma source(%dma_start3A_47 : memref<80x128xf32, #tpu.memory_space<hbm>>) target(%arg6 : memref<80x128xf32, #tpu.memory_space<vmem>>) target_semaphore(%arg9 : memref<!tpu.dma_semaphore, #tpu.memory_space<semaphore_mem>>)
      %dma_start3A_48 = arith.constant 0 : i32
      %dma_start3A_49 = tpu.memref_slice %arg2[%multiple_of3A_43, %dma_start3A_48] : memref<320000x128xf32, #tpu.memory_space<hbm>> -> memref<80x128xf32, #tpu.memory_space<hbm>>
      %dma_start3A_50 = arith.constant 0 : i32
      %dma_start3A_51 = tpu.memref_slice %arg2[%multiple_of3A_43, %dma_start3A_50] : memref<320000x128xf32, #tpu.memory_space<hbm>> -> memref<80x128xf32, #tpu.memory_space<hbm>>
      tpu.enqueue_dma source(%dma_start3A_51 : memref<80x128xf32, #tpu.memory_space<hbm>>) target(%arg7 : memref<80x128xf32, #tpu.memory_space<vmem>>) target_semaphore(%arg10 : memref<!tpu.dma_semaphore, #tpu.memory_space<semaphore_mem>>)
      %dma_wait3A_52 = arith.constant 0 : i32
      %dma_wait3A_53 = tpu.memref_slice %arg2[%multiple_of3A_37, %dma_wait3A_52] : memref<320000x128xf32, #tpu.memory_space<hbm>> -> memref<80x128xf32, #tpu.memory_space<hbm>>
      %dma_wait3A_54 = arith.constant 0 : i32
      %dma_wait3A_55 = tpu.memref_slice %arg2[%multiple_of3A_37, %dma_wait3A_54] : memref<320000x128xf32, #tpu.memory_space<hbm>> -> memref<80x128xf32, #tpu.memory_space<hbm>>
      tpu.wait_dma2 semaphore(%arg9 : memref<!tpu.dma_semaphore, #tpu.memory_space<semaphore_mem>>) src(%dma_wait3A_55 : memref<80x128xf32, #tpu.memory_space<hbm>>) dst(%arg6 : memref<80x128xf32, #tpu.memory_space<vmem>>)
      "tpu.region"() ({
        %run_scoped3A_62 = tpu.sem_alloc : memref<!tpu.dma_semaphore, #tpu.memory_space<semaphore_mem>>
        %dma_start3A_63 = arith.constant 0 : i32
        %dma_start3A_64 = tpu.memref_slice %arg5[%mul3A_33, %dma_start3A_63] : memref<125x80xi32, #tpu.memory_space<vmem>> -> memref<1x80xi32, #tpu.memory_space<vmem>>
        %dma_start3A_65 = tpu.memref_squeeze %dma_start3A_64 : memref<1x80xi32, #tpu.memory_space<vmem>> -> memref<80xi32, #tpu.memory_space<vmem>>
        %dma_start3A_66 = arith.constant 0 : i32
        %dma_start3A_67 = arith.constant 0 : i32
        %dma_start3A_68 = tpu.memref_slice %arg8[%dma_start3A_66, %dma_start3A_67] : memref<10240x128xf32, #tpu.memory_space<vmem_shared>> -> memref<10240x128xf32, #tpu.memory_space<vmem_shared>>
        tpu.enqueue_indirect_dma source(%arg6 : memref<80x128xf32, #tpu.memory_space<vmem>>) target(%dma_start3A_68 : memref<10240x128xf32, #tpu.memory_space<vmem_shared>>) offsets(%dma_start3A_65 : memref<80xi32, #tpu.memory_space<vmem>>) semaphore(%run_scoped3A_62 : memref<!tpu.dma_semaphore, #tpu.memory_space<semaphore_mem>>) {add = true}
        %dma_wait3A_69 = arith.constant 0 : i32
        %dma_wait3A_70 = tpu.memref_slice %arg5[%mul3A_33, %dma_wait3A_69] : memref<125x80xi32, #tpu.memory_space<vmem>> -> memref<1x80xi32, #tpu.memory_space<vmem>>
        %dma_wait3A_71 = tpu.memref_squeeze %dma_wait3A_70 : memref<1x80xi32, #tpu.memory_space<vmem>> -> memref<80xi32, #tpu.memory_space<vmem>>
        %dma_wait3A_72 = arith.constant 0 : i32
        %dma_wait3A_73 = arith.constant 0 : i32
        %dma_wait3A_74 = tpu.memref_slice %arg8[%dma_wait3A_72, %dma_wait3A_73] : memref<10240x128xf32, #tpu.memory_space<vmem_shared>> -> memref<10240x128xf32, #tpu.memory_space<vmem_shared>>
        tpu.wait_indirect_dma semaphore(%run_scoped3A_62 : memref<!tpu.dma_semaphore, #tpu.memory_space<semaphore_mem>>) src(%arg6 : memref<80x128xf32, #tpu.memory_space<vmem>>) dst(%dma_wait3A_74 : memref<10240x128xf32, #tpu.memory_space<vmem_shared>>)
        tpu.yield
      }) : () -> ()
      %dma_wait3A_56 = arith.constant 0 : i32
      %dma_wait3A_57 = tpu.memref_slice %arg2[%multiple_of3A_43, %dma_wait3A_56] : memref<320000x128xf32, #tpu.memory_space<hbm>> -> memref<80x128xf32, #tpu.memory_space<hbm>>
      %dma_wait3A_58 = arith.constant 0 : i32
      %dma_wait3A_59 = tpu.memref_slice %arg2[%multiple_of3A_43, %dma_wait3A_58] : memref<320000x128xf32, #tpu.memory_space<hbm>> -> memref<80x128xf32, #tpu.memory_space<hbm>>
      tpu.wait_dma2 semaphore(%arg10 : memref<!tpu.dma_semaphore, #tpu.memory_space<semaphore_mem>>) src(%dma_wait3A_59 : memref<80x128xf32, #tpu.memory_space<hbm>>) dst(%arg7 : memref<80x128xf32, #tpu.memory_space<vmem>>)
      %add3A_60 = arith.constant 1 : i32
      %add3A_61 = arith.addi %mul3A_33, %add3A_60 : i32
      "tpu.region"() ({
        %run_scoped3A_62 = tpu.sem_alloc : memref<!tpu.dma_semaphore, #tpu.memory_space<semaphore_mem>>
        %dma_start3A_63 = arith.constant 0 : i32
        %dma_start3A_64 = tpu.memref_slice %arg5[%add3A_61, %dma_start3A_63] : memref<125x80xi32, #tpu.memory_space<vmem>> -> memref<1x80xi32, #tpu.memory_space<vmem>>
        %dma_start3A_65 = tpu.memref_squeeze %dma_start3A_64 : memref<1x80xi32, #tpu.memory_space<vmem>> -> memref<80xi32, #tpu.memory_space<vmem>>
        %dma_start3A_66 = arith.constant 0 : i32
        %dma_start3A_67 = arith.constant 0 : i32
        %dma_start3A_68 = tpu.memref_slice %arg8[%dma_start3A_66, %dma_start3A_67] : memref<10240x128xf32, #tpu.memory_space<vmem_shared>> -> memref<10240x128xf32, #tpu.memory_space<vmem_shared>>
        tpu.enqueue_indirect_dma source(%arg7 : memref<80x128xf32, #tpu.memory_space<vmem>>) target(%dma_start3A_68 : memref<10240x128xf32, #tpu.memory_space<vmem_shared>>) offsets(%dma_start3A_65 : memref<80xi32, #tpu.memory_space<vmem>>) semaphore(%run_scoped3A_62 : memref<!tpu.dma_semaphore, #tpu.memory_space<semaphore_mem>>) {add = true}
        %dma_wait3A_69 = arith.constant 0 : i32
        %dma_wait3A_70 = tpu.memref_slice %arg5[%add3A_61, %dma_wait3A_69] : memref<125x80xi32, #tpu.memory_space<vmem>> -> memref<1x80xi32, #tpu.memory_space<vmem>>
        %dma_wait3A_71 = tpu.memref_squeeze %dma_wait3A_70 : memref<1x80xi32, #tpu.memory_space<vmem>> -> memref<80xi32, #tpu.memory_space<vmem>>
        %dma_wait3A_72 = arith.constant 0 : i32
        %dma_wait3A_73 = arith.constant 0 : i32
        %dma_wait3A_74 = tpu.memref_slice %arg8[%dma_wait3A_72, %dma_wait3A_73] : memref<10240x128xf32, #tpu.memory_space<vmem_shared>> -> memref<10240x128xf32, #tpu.memory_space<vmem_shared>>
        tpu.wait_indirect_dma semaphore(%run_scoped3A_62 : memref<!tpu.dma_semaphore, #tpu.memory_space<semaphore_mem>>) src(%arg7 : memref<80x128xf32, #tpu.memory_space<vmem>>) dst(%dma_wait3A_74 : memref<10240x128xf32, #tpu.memory_space<vmem_shared>>)
        tpu.yield
      }) : () -> ()
    }
    %scan3A_21 = arith.constant 62 : i32
    %add3A_22 = arith.constant 9920 : i32
    %add3A_23 = arith.addi %mul3A_15, %add3A_22 : i32
    %multiple_of3A = tpu.assume_multiple %add3A_23, 16 : i32
    %dma_start3A = arith.constant 0 : i32
    %dma_start3A_24 = tpu.memref_slice %arg2[%multiple_of3A, %dma_start3A] : memref<320000x128xf32, #tpu.memory_space<hbm>> -> memref<80x128xf32, #tpu.memory_space<hbm>>
    %dma_start3A_25 = arith.constant 0 : i32
    %dma_start3A_26 = tpu.memref_slice %arg2[%multiple_of3A, %dma_start3A_25] : memref<320000x128xf32, #tpu.memory_space<hbm>> -> memref<80x128xf32, #tpu.memory_space<hbm>>
    tpu.enqueue_dma source(%dma_start3A_26 : memref<80x128xf32, #tpu.memory_space<hbm>>) target(%arg6 : memref<80x128xf32, #tpu.memory_space<vmem>>) target_semaphore(%arg9 : memref<!tpu.dma_semaphore, #tpu.memory_space<semaphore_mem>>)
    %dma_wait3A = arith.constant 0 : i32
    %dma_wait3A_27 = tpu.memref_slice %arg2[%multiple_of3A, %dma_wait3A] : memref<320000x128xf32, #tpu.memory_space<hbm>> -> memref<80x128xf32, #tpu.memory_space<hbm>>
    %dma_wait3A_28 = arith.constant 0 : i32
    %dma_wait3A_29 = tpu.memref_slice %arg2[%multiple_of3A, %dma_wait3A_28] : memref<320000x128xf32, #tpu.memory_space<hbm>> -> memref<80x128xf32, #tpu.memory_space<hbm>>
    tpu.wait_dma2 semaphore(%arg9 : memref<!tpu.dma_semaphore, #tpu.memory_space<semaphore_mem>>) src(%dma_wait3A_29 : memref<80x128xf32, #tpu.memory_space<hbm>>) dst(%arg6 : memref<80x128xf32, #tpu.memory_space<vmem>>)
    %run_scoped3A = arith.constant 124 : i32
    "tpu.region"() ({
      %run_scoped3A_31 = tpu.sem_alloc : memref<!tpu.dma_semaphore, #tpu.memory_space<semaphore_mem>>
      %dma_start3A_32 = arith.constant 0 : i32
      %dma_start3A_33 = tpu.memref_slice %arg5[%run_scoped3A, %dma_start3A_32] : memref<125x80xi32, #tpu.memory_space<vmem>> -> memref<1x80xi32, #tpu.memory_space<vmem>>
      %dma_start3A_34 = tpu.memref_squeeze %dma_start3A_33 : memref<1x80xi32, #tpu.memory_space<vmem>> -> memref<80xi32, #tpu.memory_space<vmem>>
      %dma_start3A_35 = arith.constant 0 : i32
      %dma_start3A_36 = arith.constant 0 : i32
      %dma_start3A_37 = tpu.memref_slice %arg8[%dma_start3A_35, %dma_start3A_36] : memref<10240x128xf32, #tpu.memory_space<vmem_shared>> -> memref<10240x128xf32, #tpu.memory_space<vmem_shared>>
      tpu.enqueue_indirect_dma source(%arg6 : memref<80x128xf32, #tpu.memory_space<vmem>>) target(%dma_start3A_37 : memref<10240x128xf32, #tpu.memory_space<vmem_shared>>) offsets(%dma_start3A_34 : memref<80xi32, #tpu.memory_space<vmem>>) semaphore(%run_scoped3A_31 : memref<!tpu.dma_semaphore, #tpu.memory_space<semaphore_mem>>) {add = true}
      %dma_wait3A_38 = arith.constant 0 : i32
      %dma_wait3A_39 = tpu.memref_slice %arg5[%run_scoped3A, %dma_wait3A_38] : memref<125x80xi32, #tpu.memory_space<vmem>> -> memref<1x80xi32, #tpu.memory_space<vmem>>
      %dma_wait3A_40 = tpu.memref_squeeze %dma_wait3A_39 : memref<1x80xi32, #tpu.memory_space<vmem>> -> memref<80xi32, #tpu.memory_space<vmem>>
      %dma_wait3A_41 = arith.constant 0 : i32
      %dma_wait3A_42 = arith.constant 0 : i32
      %dma_wait3A_43 = tpu.memref_slice %arg8[%dma_wait3A_41, %dma_wait3A_42] : memref<10240x128xf32, #tpu.memory_space<vmem_shared>> -> memref<10240x128xf32, #tpu.memory_space<vmem_shared>>
      tpu.wait_indirect_dma semaphore(%run_scoped3A_31 : memref<!tpu.dma_semaphore, #tpu.memory_space<semaphore_mem>>) src(%arg6 : memref<80x128xf32, #tpu.memory_space<vmem>>) dst(%dma_wait3A_43 : memref<10240x128xf32, #tpu.memory_space<vmem_shared>>)
      tpu.yield
    }) : () -> ()
    %barrier3A_30 = arith.constant 0 : index
    tpu.barrier barrier_id(%barrier3A_30)
    "tpu.region"() ({
      %run_scoped3A_31 = tpu.sem_alloc : memref<!tpu.dma_semaphore, #tpu.memory_space<semaphore_mem>>
      %dma_start3A_32 = arith.constant 0 : i32
      %dma_start3A_33 = tpu.memref_slice %arg4[%arg0, %mul3A_2, %dma_start3A_32] : memref<2x10240x128xf32, #tpu.memory_space<hbm>> -> memref<1x640x128xf32, #tpu.memory_space<hbm>>
      %dma_start3A_34 = tpu.memref_squeeze %dma_start3A_33 : memref<1x640x128xf32, #tpu.memory_space<hbm>> -> memref<640x128xf32, #tpu.memory_space<hbm>>
      %dma_start3A_35 = arith.constant 0 : i32
      %dma_start3A_36 = tpu.memref_slice %arg8[%mul3A_2, %dma_start3A_35] : memref<10240x128xf32, #tpu.memory_space<vmem_shared>> -> memref<640x128xf32, #tpu.memory_space<vmem_shared>>
      tpu.enqueue_dma source(%dma_start3A_36 : memref<640x128xf32, #tpu.memory_space<vmem_shared>>) target(%dma_start3A_34 : memref<640x128xf32, #tpu.memory_space<hbm>>) target_semaphore(%run_scoped3A_31 : memref<!tpu.dma_semaphore, #tpu.memory_space<semaphore_mem>>)
      %dma_wait3A_37 = arith.constant 0 : i32
      %dma_wait3A_38 = tpu.memref_slice %arg4[%arg0, %mul3A_2, %dma_wait3A_37] : memref<2x10240x128xf32, #tpu.memory_space<hbm>> -> memref<1x640x128xf32, #tpu.memory_space<hbm>>
      %dma_wait3A_39 = tpu.memref_squeeze %dma_wait3A_38 : memref<1x640x128xf32, #tpu.memory_space<hbm>> -> memref<640x128xf32, #tpu.memory_space<hbm>>
      %dma_wait3A_40 = arith.constant 0 : i32
      %dma_wait3A_41 = tpu.memref_slice %arg8[%mul3A_2, %dma_wait3A_40] : memref<10240x128xf32, #tpu.memory_space<vmem_shared>> -> memref<640x128xf32, #tpu.memory_space<vmem_shared>>
      tpu.wait_dma2 semaphore(%run_scoped3A_31 : memref<!tpu.dma_semaphore, #tpu.memory_space<semaphore_mem>>) src(%dma_wait3A_41 : memref<640x128xf32, #tpu.memory_space<vmem_shared>>) dst(%dma_wait3A_39 : memref<640x128xf32, #tpu.memory_space<hbm>>)
      tpu.yield
    }) : () -> ()
    return
  }
}

module attributes {stable_mosaic.version = 14 : i64} {
  func.func @_node_pre_body(%arg0: i32, %arg1: memref<2000x128xf32, #tpu.memory_space<vmem>>, %arg2: memref<128x128xf32, #tpu.memory_space<vmem>>, %arg3: memref<1x128xf32, #tpu.memory_space<vmem>>, %arg4: memref<2000x128xf32, #tpu.memory_space<vmem>>) attributes {dimension_semantics = [#tpu.dimension_semantics<arbitrary>], iteration_bounds = array<i64: 5>, scalar_prefetch = 0 : i64, scratch_operands = 0 : i64, tpu.core_type = #tpu.core_type<tc>, window_params = [{transform_indices = @transform_0, window_bounds = array<i64: 2000, 128>}, {pipeline_mode = #tpu.pipeline_mode<synchronous>, transform_indices = @transform_1, window_bounds = array<i64: 128, 128>}, {pipeline_mode = #tpu.pipeline_mode<synchronous>, transform_indices = @transform_2, window_bounds = array<i64: 1, 128>}, {transform_indices = @transform_3, window_bounds = array<i64: 2000, 128>}]} {
    %get3A = arith.constant 0 : index
    %get3A_0 = arith.constant 0 : index
    %get3A_1 = vector.load %arg1[%get3A, %get3A_0] : memref<2000x128xf32, #tpu.memory_space<vmem>>, vector<2000x128xf32>
    %get3A_2 = arith.constant 0 : index
    %get3A_3 = arith.constant 0 : index
    %get3A_4 = vector.load %arg2[%get3A_2, %get3A_3] : memref<128x128xf32, #tpu.memory_space<vmem>>, vector<128x128xf32>
    %dot_general3A = arith.constant dense<0.000000e+00> : vector<2000x128xf32>
    %dot_general3A_5 = tpu.matmul %get3A_1, %get3A_4, %dot_general3A {dimension_numbers = #tpu.dot_dimension_numbers<[1], [0], [0], [1], [0, 0, 1, 1], [], []>, transpose_lhs_hint = false} : vector<2000x128xf32>, vector<128x128xf32>, vector<2000x128xf32> -> vector<2000x128xf32>
    %get3A_6 = arith.constant 0 : index
    %get3A_7 = arith.constant 0 : index
    %get3A_8 = vector.load %arg3[%get3A_6, %get3A_7] : memref<1x128xf32, #tpu.memory_space<vmem>>, vector<1x128xf32>
    %get3A_9 = vector.shape_cast %get3A_8 : vector<1x128xf32> to vector<128xf32>
    %broadcast_in_dim3A = vector.shape_cast %get3A_9 : vector<128xf32> to vector<1x128xf32>
    %add3A = vector.broadcast %broadcast_in_dim3A : vector<1x128xf32> to vector<2000x128xf32>
    %add3A_10 = arith.addf %dot_general3A_5, %add3A : vector<2000x128xf32>
    %swap3A = arith.constant 0 : index
    %swap3A_11 = arith.constant 0 : index
    %swap3A_12 = vector.load %arg4[%swap3A, %swap3A_11] : memref<2000x128xf32, #tpu.memory_space<vmem>>, vector<2000x128xf32>
    tpu.vector_store %arg4[%swap3A, %swap3A_11], %add3A_10 {strides = array<i32>} : memref<2000x128xf32, #tpu.memory_space<vmem>>, vector<2000x128xf32>,
    return
  }
  func.func @transform_0(%arg0: i32) -> (i32, i32) {
    %c0_i32 = arith.constant 0 : i32
    %c0_i32_0 = arith.constant 0 : i32
    return %arg0, %c0_i32 : i32, i32
  }
  func.func @transform_1(%arg0: i32) -> (i32, i32) {
    %c0_i32 = arith.constant 0 : i32
    %c0_i32_0 = arith.constant 0 : i32
    %c0_i32_1 = arith.constant 0 : i32
    return %c0_i32, %c0_i32_0 : i32, i32
  }
  func.func @transform_2(%arg0: i32) -> (i32, i32) {
    %c0_i32 = arith.constant 0 : i32
    %c0_i32_0 = arith.constant 0 : i32
    %c0_i32_1 = arith.constant 0 : i32
    return %c0_i32, %c0_i32_0 : i32, i32
  }
  func.func @transform_3(%arg0: i32) -> (i32, i32) {
    %c0_i32 = arith.constant 0 : i32
    %c0_i32_0 = arith.constant 0 : i32
    return %arg0, %c0_i32 : i32, i32
  }
}

module attributes {stable_mosaic.version = 14 : i64} {
  func.func @_msg_body(%arg0: i32, %arg1: memref<2000x128xf32, #tpu.memory_space<vmem>>, %arg2: memref<2000x16xf32, #tpu.memory_space<vmem>>, %arg3: memref<1x1x2000xi32, #tpu.memory_space<vmem>>, %arg4: memref<16x128xf32, #tpu.memory_space<vmem>>, %arg5: memref<128x128xf32, #tpu.memory_space<vmem>>, %arg6: memref<1x128xf32, #tpu.memory_space<vmem>>, %arg7: memref<2000x128xf32, #tpu.memory_space<vmem>>, %arg8: memref<80x128xf32, #tpu.memory_space<vmem>>) attributes {dimension_semantics = [#tpu.dimension_semantics<arbitrary>], iteration_bounds = array<i64: 160>, scalar_prefetch = 0 : i64, scratch_operands = 0 : i64, tpu.core_type = #tpu.core_type<tc>, window_params = [{transform_indices = @transform_0, window_bounds = array<i64: 2000, 128>}, {transform_indices = @transform_1, window_bounds = array<i64: 2000, 16>}, {transform_indices = @transform_2, window_bounds = array<i64: 1, 1, 2000>}, {pipeline_mode = #tpu.pipeline_mode<synchronous>, transform_indices = @transform_3, window_bounds = array<i64: 16, 128>}, {pipeline_mode = #tpu.pipeline_mode<synchronous>, transform_indices = @transform_4, window_bounds = array<i64: 128, 128>}, {pipeline_mode = #tpu.pipeline_mode<synchronous>, transform_indices = @transform_5, window_bounds = array<i64: 1, 128>}, {transform_indices = @transform_6, window_bounds = array<i64: 2000, 128>}, {pipeline_mode = #tpu.pipeline_mode<synchronous>, transform_indices = @transform_7, window_bounds = array<i64: 80, 128>}]} {
    %get3A = arith.constant 0 : index
    %get3A_0 = arith.constant 0 : index
    %get3A_1 = vector.load %arg1[%get3A, %get3A_0] : memref<2000x128xf32, #tpu.memory_space<vmem>>, vector<2000x128xf32>
    %get3A_2 = arith.constant 0 : index
    %get3A_3 = arith.constant 0 : index
    %get3A_4 = vector.load %arg2[%get3A_2, %get3A_3] : memref<2000x16xf32, #tpu.memory_space<vmem>>, vector<2000x16xf32>
    %get3A_5 = arith.constant 0 : index
    %get3A_6 = arith.constant 0 : index
    %get3A_7 = vector.load %arg4[%get3A_5, %get3A_6] : memref<16x128xf32, #tpu.memory_space<vmem>>, vector<16x128xf32>
    %dot_general3A = arith.constant dense<0.000000e+00> : vector<2000x128xf32>
    %dot_general3A_8 = tpu.matmul %get3A_4, %get3A_7, %dot_general3A {dimension_numbers = #tpu.dot_dimension_numbers<[1], [0], [0], [1], [0, 0, 1, 1], [], []>, transpose_lhs_hint = false} : vector<2000x16xf32>, vector<16x128xf32>, vector<2000x128xf32> -> vector<2000x128xf32>
    %add3A = arith.addf %get3A_1, %dot_general3A_8 : vector<2000x128xf32>
    %max3A = arith.constant 0.000000e+00 : f32
    %max3A_9 = vector.broadcast %max3A : f32 to vector<2000x128xf32>
    %max3A_10 = arith.maximumf %add3A, %max3A_9 : vector<2000x128xf32>
    %get3A_11 = arith.constant 0 : index
    %get3A_12 = arith.constant 0 : index
    %get3A_13 = vector.load %arg5[%get3A_11, %get3A_12] : memref<128x128xf32, #tpu.memory_space<vmem>>, vector<128x128xf32>
    %dot_general3A_14 = arith.constant dense<0.000000e+00> : vector<2000x128xf32>
    %dot_general3A_15 = tpu.matmul %max3A_10, %get3A_13, %dot_general3A_14 {dimension_numbers = #tpu.dot_dimension_numbers<[1], [0], [0], [1], [0, 0, 1, 1], [], []>, transpose_lhs_hint = false} : vector<2000x128xf32>, vector<128x128xf32>, vector<2000x128xf32> -> vector<2000x128xf32>
    %get3A_16 = arith.constant 0 : index
    %get3A_17 = arith.constant 0 : index
    %get3A_18 = vector.load %arg6[%get3A_16, %get3A_17] : memref<1x128xf32, #tpu.memory_space<vmem>>, vector<1x128xf32>
    %get3A_19 = vector.shape_cast %get3A_18 : vector<1x128xf32> to vector<128xf32>
    %broadcast_in_dim3A = vector.shape_cast %get3A_19 : vector<128xf32> to vector<1x128xf32>
    %add3A_20 = vector.broadcast %broadcast_in_dim3A : vector<1x128xf32> to vector<2000x128xf32>
    %add3A_21 = arith.addf %dot_general3A_15, %add3A_20 : vector<2000x128xf32>
    %max3A_22 = arith.constant 0.000000e+00 : f32
    %max3A_23 = vector.broadcast %max3A_22 : f32 to vector<2000x128xf32>
    %max3A_24 = arith.maximumf %add3A_21, %max3A_23 : vector<2000x128xf32>
    %swap3A = arith.constant 0 : index
    %swap3A_25 = arith.constant 0 : index
    %swap3A_26 = vector.load %arg7[%swap3A, %swap3A_25] : memref<2000x128xf32, #tpu.memory_space<vmem>>, vector<2000x128xf32>
    tpu.vector_store %arg7[%swap3A, %swap3A_25], %max3A_24 {strides = array<i32>} : memref<2000x128xf32, #tpu.memory_space<vmem>>, vector<2000x128xf32>,
    %get3A_27 = arith.constant 0 : index
    %get3A_28 = arith.constant 0 : index
    %get3A_29 = arith.constant 0 : index
    %get3A_30 = vector.load %arg3[%get3A_27, %get3A_28, %get3A_29] : memref<1x1x2000xi32, #tpu.memory_space<vmem>>, vector<1x1x2000xi32>
    %get3A_31 = vector.shape_cast %get3A_30 : vector<1x1x2000xi32> to vector<2000xi32>
    %broadcast_in_dim3A_32 = vector.shape_cast %get3A_31 : vector<2000xi32> to vector<2000x1xi32>
    %jit3A = arith.constant 128 : i32
    %div3A = vector.broadcast %jit3A : i32 to vector<2000x1xi32>
    %div3A_33 = arith.divsi %broadcast_in_dim3A_32, %div3A : vector<2000x1xi32>
    %sign3A = arith.constant 0 : i32
    %sign3A_34 = vector.broadcast %sign3A : i32 to vector<2000x1xi32>
    %sign3A_35 = arith.cmpi sgt, %broadcast_in_dim3A_32, %sign3A_34 : vector<2000x1xi32>
    %sign3A_36 = arith.extui %sign3A_35 : vector<2000x1xi1> to vector<2000x1xi32>
    %sign3A_37 = arith.constant 0 : i32
    %sign3A_38 = vector.broadcast %sign3A_37 : i32 to vector<2000x1xi32>
    %sign3A_39 = arith.cmpi slt, %broadcast_in_dim3A_32, %sign3A_38 : vector<2000x1xi32>
    %sign3A_40 = arith.extui %sign3A_39 : vector<2000x1xi1> to vector<2000x1xi32>
    %sign3A_41 = arith.subi %sign3A_36, %sign3A_40 : vector<2000x1xi32>
    %sign3A_42 = arith.constant 0 : i32
    %sign3A_43 = arith.cmpi sgt, %jit3A, %sign3A_42 : i32
    %sign3A_44 = arith.extui %sign3A_43 : i1 to i32
    %sign3A_45 = arith.constant 0 : i32
    %sign3A_46 = arith.cmpi slt, %jit3A, %sign3A_45 : i32
    %sign3A_47 = arith.extui %sign3A_46 : i1 to i32
    %sign3A_48 = arith.subi %sign3A_44, %sign3A_47 : i32
    %ne3A = vector.broadcast %sign3A_48 : i32 to vector<2000x1xi32>
    %ne3A_49 = arith.cmpi ne, %sign3A_41, %ne3A : vector<2000x1xi32>
    %rem3A = vector.broadcast %jit3A : i32 to vector<2000x1xi32>
    %rem3A_50 = arith.remsi %broadcast_in_dim3A_32, %rem3A : vector<2000x1xi32>
    %ne3A_51 = arith.constant 0 : i32
    %ne3A_52 = vector.broadcast %ne3A_51 : i32 to vector<2000x1xi32>
    %ne3A_53 = arith.cmpi ne, %rem3A_50, %ne3A_52 : vector<2000x1xi32>
    %and3A = arith.andi %ne3A_49, %ne3A_53 : vector<2000x1xi1>
    %sub3A = arith.constant 1 : i32
    %sub3A_54 = vector.broadcast %sub3A : i32 to vector<2000x1xi32>
    %sub3A_55 = arith.subi %div3A_33, %sub3A_54 : vector<2000x1xi32>
    %select_n3A = arith.select %and3A, %sub3A_55, %div3A_33 : vector<2000x1xi1>, vector<2000x1xi32>
    %iota3A = tpu.iota {dimensions = array<i32: 1>} : vector<1x80xi32>
    %eq3A = vector.broadcast %select_n3A : vector<2000x1xi32> to vector<2000x80xi32>
    %eq3A_56 = vector.broadcast %iota3A : vector<1x80xi32> to vector<2000x80xi32>
    %eq3A_57 = arith.cmpi eq, %eq3A, %eq3A_56 : vector<2000x80xi32>
    %convert_element_type3A = arith.extui %eq3A_57 : vector<2000x80xi1> to vector<2000x80xi32>
    %convert_element_type3A_58 = arith.sitofp %convert_element_type3A : vector<2000x80xi32> to vector<2000x80xf32>
    %broadcast_in_dim3A_59 = vector.shape_cast %get3A_31 : vector<2000xi32> to vector<2000x1xi32>
    %jit3A_60 = arith.constant 128 : i32
    %eq3A_61 = arith.constant 0 : i32
    %eq3A_62 = arith.cmpi eq, %jit3A_60, %eq3A_61 : i32
    %jit3A_63 = arith.constant 1 : i32
    %select_n3A_64 = arith.select %eq3A_62, %jit3A_63, %jit3A_60 : i32
    %rem3A_65 = vector.broadcast %select_n3A_64 : i32 to vector<2000x1xi32>
    %rem3A_66 = arith.remsi %broadcast_in_dim3A_59, %rem3A_65 : vector<2000x1xi32>
    %ne3A_67 = arith.constant 0 : i32
    %ne3A_68 = vector.broadcast %ne3A_67 : i32 to vector<2000x1xi32>
    %ne3A_69 = arith.cmpi ne, %rem3A_66, %ne3A_68 : vector<2000x1xi32>
    %lt3A = arith.constant 0 : i32
    %lt3A_70 = vector.broadcast %lt3A : i32 to vector<2000x1xi32>
    %lt3A_71 = arith.cmpi slt, %rem3A_66, %lt3A_70 : vector<2000x1xi32>
    %lt3A_72 = arith.constant 0 : i32
    %lt3A_73 = arith.cmpi slt, %select_n3A_64, %lt3A_72 : i32
    %ne3A_74 = vector.broadcast %lt3A_73 : i1 to vector<2000x1xi1>
    %ne3A_75 = vector.broadcast %ne3A_74 : vector<2000x1xi1> to vector<2000x1xi1>
    %ne3A_76 = arith.xori %lt3A_71, %ne3A_75 : vector<2000x1xi1>
    %and3A_77 = arith.andi %ne3A_76, %ne3A_69 : vector<2000x1xi1>
    %add3A_78 = vector.broadcast %select_n3A_64 : i32 to vector<2000x1xi32>
    %add3A_79 = arith.addi %rem3A_66, %add3A_78 : vector<2000x1xi32>
    %select_n3A_80 = arith.select %and3A_77, %add3A_79, %rem3A_66 : vector<2000x1xi1>, vector<2000x1xi32>
    %iota3A_81 = tpu.iota {dimensions = array<i32: 1>} : vector<1x128xi32>
    %eq3A_82 = vector.broadcast %select_n3A_80 : vector<2000x1xi32> to vector<2000x128xi32>
    %eq3A_83 = vector.broadcast %iota3A_81 : vector<1x128xi32> to vector<2000x128xi32>
    %eq3A_84 = arith.cmpi eq, %eq3A_82, %eq3A_83 : vector<2000x128xi32>
    %convert_element_type3A_85 = arith.extui %eq3A_84 : vector<2000x128xi1> to vector<2000x128xi32>
    %convert_element_type3A_86 = arith.sitofp %convert_element_type3A_85 : vector<2000x128xi32> to vector<2000x128xf32>
    %dot_general3A_87 = arith.constant dense<0.000000e+00> : vector<80x128xf32>
    %dot_general3A_88 = tpu.matmul %convert_element_type3A_58, %convert_element_type3A_86, %dot_general3A_87 {dimension_numbers = #tpu.dot_dimension_numbers<[0], [0], [1], [1], [0, 1, 1, 1], [], []>, transpose_lhs_hint = false} : vector<2000x80xf32>, vector<2000x128xf32>, vector<80x128xf32> -> vector<80x128xf32>
    %eq3A_89 = arith.constant 0 : i32
    %eq3A_90 = arith.cmpi eq, %arg0, %eq3A_89 : i32
    %convert_element_type3A_91 = arith.extui %eq3A_90 : i1 to i32
    %cond3A = arith.constant 0 : i32
    %cond3A_92 = arith.cmpi ne, %convert_element_type3A_91, %cond3A : i32
    scf.if %cond3A_92 {
      %broadcast_in_dim3A_100 = arith.constant 0.000000e+00 : f32
      %broadcast_in_dim3A_101 = vector.broadcast %broadcast_in_dim3A_100 : f32 to vector<80x128xf32>
      %swap3A_102 = arith.constant 0 : index
      %swap3A_103 = arith.constant 0 : index
      %swap3A_104 = vector.load %arg8[%swap3A_102, %swap3A_103] : memref<80x128xf32, #tpu.memory_space<vmem>>, vector<80x128xf32>
      tpu.vector_store %arg8[%swap3A_102, %swap3A_103], %broadcast_in_dim3A_101 {strides = array<i32>} : memref<80x128xf32, #tpu.memory_space<vmem>>, vector<80x128xf32>,
    } else {
    }
    %get3A_93 = arith.constant 0 : index
    %get3A_94 = arith.constant 0 : index
    %get3A_95 = vector.load %arg8[%get3A_93, %get3A_94] : memref<80x128xf32, #tpu.memory_space<vmem>>, vector<80x128xf32>
    %add3A_96 = arith.addf %get3A_95, %dot_general3A_88 : vector<80x128xf32>
    %swap3A_97 = arith.constant 0 : index
    %swap3A_98 = arith.constant 0 : index
    %swap3A_99 = vector.load %arg8[%swap3A_97, %swap3A_98] : memref<80x128xf32, #tpu.memory_space<vmem>>, vector<80x128xf32>
    tpu.vector_store %arg8[%swap3A_97, %swap3A_98], %add3A_96 {strides = array<i32>} : memref<80x128xf32, #tpu.memory_space<vmem>>, vector<80x128xf32>,
    return
  }
  func.func @transform_0(%arg0: i32) -> (i32, i32) {
    %c0_i32 = arith.constant 0 : i32
    %c0_i32_0 = arith.constant 0 : i32
    return %arg0, %c0_i32 : i32, i32
  }
  func.func @transform_1(%arg0: i32) -> (i32, i32) {
    %c0_i32 = arith.constant 0 : i32
    %c0_i32_0 = arith.constant 0 : i32
    return %arg0, %c0_i32 : i32, i32
  }
  func.func @transform_2(%arg0: i32) -> (i32, i32, i32) {
    %c0_i32 = arith.constant 0 : i32
    %c0_i32_0 = arith.constant 0 : i32
    %c0_i32_1 = arith.constant 0 : i32
    return %arg0, %c0_i32, %c0_i32_0 : i32, i32, i32
  }
  func.func @transform_3(%arg0: i32) -> (i32, i32) {
    %c0_i32 = arith.constant 0 : i32
    %c0_i32_0 = arith.constant 0 : i32
    %c0_i32_1 = arith.constant 0 : i32
    return %c0_i32, %c0_i32_0 : i32, i32
  }
  func.func @transform_4(%arg0: i32) -> (i32, i32) {
    %c0_i32 = arith.constant 0 : i32
    %c0_i32_0 = arith.constant 0 : i32
    %c0_i32_1 = arith.constant 0 : i32
    return %c0_i32, %c0_i32_0 : i32, i32
  }
  func.func @transform_5(%arg0: i32) -> (i32, i32) {
    %c0_i32 = arith.constant 0 : i32
    %c0_i32_0 = arith.constant 0 : i32
    %c0_i32_1 = arith.constant 0 : i32
    return %c0_i32, %c0_i32_0 : i32, i32
  }
  func.func @transform_6(%arg0: i32) -> (i32, i32) {
    %c0_i32 = arith.constant 0 : i32
    %c0_i32_0 = arith.constant 0 : i32
    return %arg0, %c0_i32 : i32, i32
  }
  func.func @transform_7(%arg0: i32) -> (i32, i32) {
    %c0_i32 = arith.constant 0 : i32
    %c0_i32_0 = arith.constant 0 : i32
    %c0_i32_1 = arith.constant 0 : i32
    return %c0_i32, %c0_i32_0 : i32, i32
  }
}

module attributes {stable_mosaic.version = 14 : i64} {
  func.func @_edge_pre_body(%arg0: i32, %arg1: memref<1x1x2000xf32, #tpu.memory_space<vmem>>, %arg2: memref<2000x16xf32, #tpu.memory_space<vmem>>, %arg3: memref<48x128xf32, #tpu.memory_space<vmem>>, %arg4: memref<1x128xf32, #tpu.memory_space<vmem>>, %arg5: memref<1x32xf32, #tpu.memory_space<vmem>>, %arg6: memref<1x32xf32, #tpu.memory_space<vmem>>, %arg7: memref<2000x128xf32, #tpu.memory_space<vmem>>, %arg8: memref<1x1xf32, #tpu.memory_space<smem>>, %arg9: memref<1xf32, #tpu.memory_space<smem>>) attributes {dimension_semantics = [#tpu.dimension_semantics<arbitrary>], iteration_bounds = array<i64: 160>, scalar_prefetch = 0 : i64, scratch_operands = 1 : i64, tpu.core_type = #tpu.core_type<tc>, window_params = [{transform_indices = @transform_0, window_bounds = array<i64: 1, 1, 2000>}, {transform_indices = @transform_1, window_bounds = array<i64: 2000, 16>}, {pipeline_mode = #tpu.pipeline_mode<synchronous>, transform_indices = @transform_2, window_bounds = array<i64: 48, 128>}, {pipeline_mode = #tpu.pipeline_mode<synchronous>, transform_indices = @transform_3, window_bounds = array<i64: 1, 128>}, {pipeline_mode = #tpu.pipeline_mode<synchronous>, transform_indices = @transform_4, window_bounds = array<i64: 1, 32>}, {pipeline_mode = #tpu.pipeline_mode<synchronous>, transform_indices = @transform_5, window_bounds = array<i64: 1, 32>}, {transform_indices = @transform_6, window_bounds = array<i64: 2000, 128>}, {transform_indices = @transform_7, window_bounds = array<i64: 1, 1>}]} {
    %get3A = arith.constant 0 : index
    %get3A_0 = arith.constant 0 : index
    %get3A_1 = arith.constant 0 : index
    %get3A_2 = vector.load %arg1[%get3A, %get3A_0, %get3A_1] : memref<1x1x2000xf32, #tpu.memory_space<vmem>>, vector<1x1x2000xf32>
    %get3A_3 = vector.shape_cast %get3A_2 : vector<1x1x2000xf32> to vector<2000xf32>
    %broadcast_in_dim3A = vector.shape_cast %get3A_3 : vector<2000xf32> to vector<2000x1xf32>
    %get3A_4 = arith.constant 0 : index
    %get3A_5 = arith.constant 0 : index
    %get3A_6 = vector.load %arg5[%get3A_4, %get3A_5] : memref<1x32xf32, #tpu.memory_space<vmem>>, vector<1x32xf32>
    %get3A_7 = vector.shape_cast %get3A_6 : vector<1x32xf32> to vector<32xf32>
    %broadcast_in_dim3A_8 = vector.shape_cast %get3A_7 : vector<32xf32> to vector<1x32xf32>
    %mul3A = vector.broadcast %broadcast_in_dim3A : vector<2000x1xf32> to vector<2000x32xf32>
    %mul3A_9 = vector.broadcast %broadcast_in_dim3A_8 : vector<1x32xf32> to vector<2000x32xf32>
    %mul3A_10 = arith.mulf %mul3A, %mul3A_9 : vector<2000x32xf32>
    %get3A_11 = arith.constant 0 : index
    %get3A_12 = arith.constant 0 : index
    %get3A_13 = vector.load %arg6[%get3A_11, %get3A_12] : memref<1x32xf32, #tpu.memory_space<vmem>>, vector<1x32xf32>
    %get3A_14 = vector.shape_cast %get3A_13 : vector<1x32xf32> to vector<32xf32>
    %broadcast_in_dim3A_15 = vector.shape_cast %get3A_14 : vector<32xf32> to vector<1x32xf32>
    %add3A = vector.broadcast %broadcast_in_dim3A_15 : vector<1x32xf32> to vector<2000x32xf32>
    %add3A_16 = arith.addf %mul3A_10, %add3A : vector<2000x32xf32>
    %mul3A_17 = arith.constant 0.159154937 : f32
    %mul3A_18 = vector.broadcast %mul3A_17 : f32 to vector<2000x32xf32>
    %mul3A_19 = arith.mulf %add3A_16, %mul3A_18 : vector<2000x32xf32>
    %round3A = math.roundeven %mul3A_19 : vector<2000x32xf32>
    %mul3A_20 = arith.constant 6.281250e+00 : f32
    %mul3A_21 = vector.broadcast %mul3A_20 : f32 to vector<2000x32xf32>
    %mul3A_22 = arith.mulf %round3A, %mul3A_21 : vector<2000x32xf32>
    %sub3A = arith.subf %add3A_16, %mul3A_22 : vector<2000x32xf32>
    %mul3A_23 = arith.constant 0.00193530717 : f32
    %mul3A_24 = vector.broadcast %mul3A_23 : f32 to vector<2000x32xf32>
    %mul3A_25 = arith.mulf %round3A, %mul3A_24 : vector<2000x32xf32>
    %sub3A_26 = arith.subf %sub3A, %mul3A_25 : vector<2000x32xf32>
    %mul3A_27 = arith.mulf %sub3A_26, %sub3A_26 : vector<2000x32xf32>
    %mul3A_28 = arith.constant -2.05340793E-8 : f32
    %mul3A_29 = vector.broadcast %mul3A_28 : f32 to vector<2000x32xf32>
    %mul3A_30 = arith.mulf %mul3A_29, %mul3A_27 : vector<2000x32xf32>
    %add3A_31 = arith.constant 2.70404735E-6 : f32
    %add3A_32 = vector.broadcast %add3A_31 : f32 to vector<2000x32xf32>
    %add3A_33 = arith.addf %mul3A_30, %add3A_32 : vector<2000x32xf32>
    %mul3A_34 = arith.mulf %add3A_33, %mul3A_27 : vector<2000x32xf32>
    %add3A_35 = arith.constant -1.98125723E-4 : f32
    %add3A_36 = vector.broadcast %add3A_35 : f32 to vector<2000x32xf32>
    %add3A_37 = arith.addf %mul3A_34, %add3A_36 : vector<2000x32xf32>
    %mul3A_38 = arith.mulf %add3A_37, %mul3A_27 : vector<2000x32xf32>
    %add3A_39 = arith.constant 0.00833255798 : f32
    %add3A_40 = vector.broadcast %add3A_39 : f32 to vector<2000x32xf32>
    %add3A_41 = arith.addf %mul3A_38, %add3A_40 : vector<2000x32xf32>
    %mul3A_42 = arith.mulf %add3A_41, %mul3A_27 : vector<2000x32xf32>
    %add3A_43 = arith.constant -0.166665778 : f32
    %add3A_44 = vector.broadcast %add3A_43 : f32 to vector<2000x32xf32>
    %add3A_45 = arith.addf %mul3A_42, %add3A_44 : vector<2000x32xf32>
    %mul3A_46 = arith.mulf %add3A_45, %mul3A_27 : vector<2000x32xf32>
    %add3A_47 = arith.constant 0.999999701 : f32
    %add3A_48 = vector.broadcast %add3A_47 : f32 to vector<2000x32xf32>
    %add3A_49 = arith.addf %mul3A_46, %add3A_48 : vector<2000x32xf32>
    %mul3A_50 = arith.mulf %add3A_49, %sub3A_26 : vector<2000x32xf32>
    %get3A_51 = arith.constant 0 : index
    %get3A_52 = arith.constant 0 : index
    %get3A_53 = vector.load %arg2[%get3A_51, %get3A_52] : memref<2000x16xf32, #tpu.memory_space<vmem>>, vector<2000x16xf32>
    %concatenate3A = tpu.concatenate %get3A_53, %mul3A_50 in 1 : vector<2000x16xf32>, vector<2000x32xf32> -> vector<2000x48xf32>
    %get3A_54 = arith.constant 0 : index
    %get3A_55 = arith.constant 0 : index
    %get3A_56 = vector.load %arg3[%get3A_54, %get3A_55] : memref<48x128xf32, #tpu.memory_space<vmem>>, vector<48x128xf32>
    %dot_general3A = arith.constant dense<0.000000e+00> : vector<2000x128xf32>
    %dot_general3A_57 = tpu.matmul %concatenate3A, %get3A_56, %dot_general3A {dimension_numbers = #tpu.dot_dimension_numbers<[1], [0], [0], [1], [0, 0, 1, 1], [], []>, transpose_lhs_hint = false} : vector<2000x48xf32>, vector<48x128xf32>, vector<2000x128xf32> -> vector<2000x128xf32>
    %get3A_58 = arith.constant 0 : index
    %get3A_59 = arith.constant 0 : index
    %get3A_60 = vector.load %arg4[%get3A_58, %get3A_59] : memref<1x128xf32, #tpu.memory_space<vmem>>, vector<1x128xf32>
    %get3A_61 = vector.shape_cast %get3A_60 : vector<1x128xf32> to vector<128xf32>
    %broadcast_in_dim3A_62 = vector.shape_cast %get3A_61 : vector<128xf32> to vector<1x128xf32>
    %add3A_63 = vector.broadcast %broadcast_in_dim3A_62 : vector<1x128xf32> to vector<2000x128xf32>
    %add3A_64 = arith.addf %dot_general3A_57, %add3A_63 : vector<2000x128xf32>
    %swap3A = arith.constant 0 : index
    %swap3A_65 = arith.constant 0 : index
    %swap3A_66 = vector.load %arg7[%swap3A, %swap3A_65] : memref<2000x128xf32, #tpu.memory_space<vmem>>, vector<2000x128xf32>
    tpu.vector_store %arg7[%swap3A, %swap3A_65], %add3A_64 {strides = array<i32>} : memref<2000x128xf32, #tpu.memory_space<vmem>>, vector<2000x128xf32>,
    %eq3A = arith.constant 0 : i32
    %eq3A_67 = arith.cmpi eq, %arg0, %eq3A : i32
    %convert_element_type3A = arith.extui %eq3A_67 : i1 to i32
    %cond3A = arith.constant 0 : i32
    %cond3A_68 = arith.cmpi ne, %convert_element_type3A, %cond3A : i32
    scf.if %cond3A_68 {
      %swap3A_82 = arith.constant 0xFF800000 : f32
      %swap3A_83 = arith.constant 0 : index
      %swap3A_84 = memref.load %arg9[%swap3A_83] : memref<1xf32, #tpu.memory_space<smem>>
      memref.store %swap3A_82, %arg9[%swap3A_83] : memref<1xf32, #tpu.memory_space<smem>>
    } else {
    }
    %get3A_69 = arith.constant 0 : index
    %get3A_70 = memref.load %arg9[%get3A_69] : memref<1xf32, #tpu.memory_space<smem>>
    %reduce_max3A = vector.shape_cast %get3A_3 : vector<2000xf32> to vector<1x2000xf32>
    %reduce_max3A_71 = arith.constant dense<0xFF800000> : vector<1xf32>
    %reduce_max3A_72 = vector.multi_reduction <maximumf>, %reduce_max3A, %reduce_max3A_71 [1] : vector<1x2000xf32> to vector<1xf32>
    %reduce_max3A_73 = vector.shape_cast %reduce_max3A_72 : vector<1xf32> to vector<1x1xf32>
    %reduce_max3A_74 = vector.extract %reduce_max3A_73[0, 0] : f32 from vector<1x1xf32>
    %max3A = arith.maximumf %get3A_70, %reduce_max3A_74 : f32
    %swap3A_75 = arith.constant 0 : index
    %swap3A_76 = memref.load %arg9[%swap3A_75] : memref<1xf32, #tpu.memory_space<smem>>
    memref.store %max3A, %arg9[%swap3A_75] : memref<1xf32, #tpu.memory_space<smem>>
    %eq3A_77 = arith.constant 159 : i32
    %eq3A_78 = arith.cmpi eq, %arg0, %eq3A_77 : i32
    %convert_element_type3A_79 = arith.extui %eq3A_78 : i1 to i32
    %cond3A_80 = arith.constant 0 : i32
    %cond3A_81 = arith.cmpi ne, %convert_element_type3A_79, %cond3A_80 : i32
    scf.if %cond3A_81 {
      %get3A_82 = arith.constant 0 : index
      %get3A_83 = memref.load %arg9[%get3A_82] : memref<1xf32, #tpu.memory_space<smem>>
      %swap3A_84 = arith.constant 0 : index
      %swap3A_85 = arith.constant 0 : index
      %swap3A_86 = memref.load %arg8[%swap3A_84, %swap3A_85] : memref<1x1xf32, #tpu.memory_space<smem>>
      memref.store %get3A_83, %arg8[%swap3A_84, %swap3A_85] : memref<1x1xf32, #tpu.memory_space<smem>>
    } else {
    }
    return
  }
  func.func @transform_0(%arg0: i32) -> (i32, i32, i32) {
    %c0_i32 = arith.constant 0 : i32
    %c0_i32_0 = arith.constant 0 : i32
    %c0_i32_1 = arith.constant 0 : i32
    return %arg0, %c0_i32, %c0_i32_0 : i32, i32, i32
  }
  func.func @transform_1(%arg0: i32) -> (i32, i32) {
    %c0_i32 = arith.constant 0 : i32
    %c0_i32_0 = arith.constant 0 : i32
    return %arg0, %c0_i32 : i32, i32
  }
  func.func @transform_2(%arg0: i32) -> (i32, i32) {
    %c0_i32 = arith.constant 0 : i32
    %c0_i32_0 = arith.constant 0 : i32
    %c0_i32_1 = arith.constant 0 : i32
    return %c0_i32, %c0_i32_0 : i32, i32
  }
  func.func @transform_3(%arg0: i32) -> (i32, i32) {
    %c0_i32 = arith.constant 0 : i32
    %c0_i32_0 = arith.constant 0 : i32
    %c0_i32_1 = arith.constant 0 : i32
    return %c0_i32, %c0_i32_0 : i32, i32
  }
  func.func @transform_4(%arg0: i32) -> (i32, i32) {
    %c0_i32 = arith.constant 0 : i32
    %c0_i32_0 = arith.constant 0 : i32
    %c0_i32_1 = arith.constant 0 : i32
    return %c0_i32, %c0_i32_0 : i32, i32
  }
  func.func @transform_5(%arg0: i32) -> (i32, i32) {
    %c0_i32 = arith.constant 0 : i32
    %c0_i32_0 = arith.constant 0 : i32
    %c0_i32_1 = arith.constant 0 : i32
    return %c0_i32, %c0_i32_0 : i32, i32
  }
  func.func @transform_6(%arg0: i32) -> (i32, i32) {
    %c0_i32 = arith.constant 0 : i32
    %c0_i32_0 = arith.constant 0 : i32
    return %arg0, %c0_i32 : i32, i32
  }
  func.func @transform_7(%arg0: i32) -> (i32, i32) {
    %c0_i32 = arith.constant 0 : i32
    %c0_i32_0 = arith.constant 0 : i32
    %c0_i32_1 = arith.constant 0 : i32
    return %c0_i32, %c0_i32_0 : i32, i32
  }
}

module attributes {stable_mosaic.version = 14 : i64} {
  func.func @_gru_body(%arg0: i32, %arg1: memref<2x2000x128xf32, #tpu.memory_space<vmem>>, %arg2: memref<1x1x2000xf32, #tpu.memory_space<vmem>>, %arg3: memref<2000x128xf32, #tpu.memory_space<vmem>>, %arg4: memref<1x1xf32, #tpu.memory_space<smem>>, %arg5: memref<1x32xf32, #tpu.memory_space<vmem>>, %arg6: memref<1x32xf32, #tpu.memory_space<vmem>>, %arg7: memref<128x384xf32, #tpu.memory_space<vmem>>, %arg8: memref<1x384xf32, #tpu.memory_space<vmem>>, %arg9: memref<1x384xf32, #tpu.memory_space<vmem>>, %arg10: memref<288x128xf32, #tpu.memory_space<vmem>>, %arg11: memref<288x128xf32, #tpu.memory_space<vmem>>, %arg12: memref<1x128xf32, #tpu.memory_space<vmem>>, %arg13: memref<2000x128xf32, #tpu.memory_space<vmem>>, %arg14: memref<2000x128xf32, #tpu.memory_space<vmem>>) attributes {dimension_semantics = [#tpu.dimension_semantics<arbitrary>], iteration_bounds = array<i64: 5>, scalar_prefetch = 0 : i64, scratch_operands = 0 : i64, tpu.core_type = #tpu.core_type<tc>, window_params = [{transform_indices = @transform_0, window_bounds = array<i64: 2, 2000, 128>}, {transform_indices = @transform_1, window_bounds = array<i64: 1, 1, 2000>}, {transform_indices = @transform_2, window_bounds = array<i64: 2000, 128>}, {transform_indices = @transform_3, window_bounds = array<i64: 1, 1>}, {pipeline_mode = #tpu.pipeline_mode<synchronous>, transform_indices = @transform_4, window_bounds = array<i64: 1, 32>}, {pipeline_mode = #tpu.pipeline_mode<synchronous>, transform_indices = @transform_5, window_bounds = array<i64: 1, 32>}, {pipeline_mode = #tpu.pipeline_mode<synchronous>, transform_indices = @transform_6, window_bounds = array<i64: 128, 384>}, {pipeline_mode = #tpu.pipeline_mode<synchronous>, transform_indices = @transform_7, window_bounds = array<i64: 1, 384>}, {pipeline_mode = #tpu.pipeline_mode<synchronous>, transform_indices = @transform_8, window_bounds = array<i64: 1, 384>}, {pipeline_mode = #tpu.pipeline_mode<synchronous>, transform_indices = @transform_9, window_bounds = array<i64: 288, 128>}, {pipeline_mode = #tpu.pipeline_mode<synchronous>, transform_indices = @transform_10, window_bounds = array<i64: 288, 128>}, {pipeline_mode = #tpu.pipeline_mode<synchronous>, transform_indices = @transform_11, window_bounds = array<i64: 1, 128>}, {transform_indices = @transform_12, window_bounds = array<i64: 2000, 128>}, {transform_indices = @transform_13, window_bounds = array<i64: 2000, 128>}]} {
    %get3A = arith.constant 0 : index
    %get3A_0 = arith.constant 0 : index
    %get3A_1 = arith.constant 0 : index
    %get3A_2 = vector.load %arg2[%get3A, %get3A_0, %get3A_1] : memref<1x1x2000xf32, #tpu.memory_space<vmem>>, vector<1x1x2000xf32>
    %get3A_3 = vector.shape_cast %get3A_2 : vector<1x1x2000xf32> to vector<2000xf32>
    %get3A_4 = arith.constant 0 : index
    %get3A_5 = arith.constant 0 : index
    %get3A_6 = arith.constant 0 : index
    %get3A_7 = vector.load %arg1[%get3A_4, %get3A_5, %get3A_6] : memref<2x2000x128xf32, #tpu.memory_space<vmem>>, vector<1x2000x128xf32>
    %get3A_8 = vector.shape_cast %get3A_7 : vector<1x2000x128xf32> to vector<2000x128xf32>
    %get3A_9 = arith.constant 1 : index
    %get3A_10 = arith.constant 0 : index
    %get3A_11 = arith.constant 0 : index
    %get3A_12 = vector.load %arg1[%get3A_9, %get3A_10, %get3A_11] : memref<2x2000x128xf32, #tpu.memory_space<vmem>>, vector<1x2000x128xf32>
    %get3A_13 = vector.shape_cast %get3A_12 : vector<1x2000x128xf32> to vector<2000x128xf32>
    %add3A = arith.addf %get3A_8, %get3A_13 : vector<2000x128xf32>
    %max3A = arith.constant 1.000000e+00 : f32
    %max3A_14 = vector.broadcast %max3A : f32 to vector<2000xf32>
    %max3A_15 = arith.maximumf %get3A_3, %max3A_14 : vector<2000xf32>
    %broadcast_in_dim3A = vector.shape_cast %max3A_15 : vector<2000xf32> to vector<2000x1xf32>
    %div3A = vector.broadcast %broadcast_in_dim3A : vector<2000x1xf32> to vector<2000x128xf32>
    %div3A_16 = arith.divf %add3A, %div3A : vector<2000x128xf32>
    %get3A_17 = arith.constant 0 : index
    %get3A_18 = arith.constant 0 : index
    %get3A_19 = vector.load %arg7[%get3A_17, %get3A_18] : memref<128x384xf32, #tpu.memory_space<vmem>>, vector<128x384xf32>
    %dot_general3A = arith.constant dense<0.000000e+00> : vector<2000x384xf32>
    %dot_general3A_20 = tpu.matmul %div3A_16, %get3A_19, %dot_general3A {dimension_numbers = #tpu.dot_dimension_numbers<[1], [0], [0], [1], [0, 0, 1, 1], [], []>, transpose_lhs_hint = false} : vector<2000x128xf32>, vector<128x384xf32>, vector<2000x384xf32> -> vector<2000x384xf32>
    %get3A_21 = arith.constant 0 : index
    %get3A_22 = arith.constant 0 : index
    %get3A_23 = vector.load %arg8[%get3A_21, %get3A_22] : memref<1x384xf32, #tpu.memory_space<vmem>>, vector<1x384xf32>
    %get3A_24 = vector.shape_cast %get3A_23 : vector<1x384xf32> to vector<384xf32>
    %broadcast_in_dim3A_25 = vector.shape_cast %get3A_24 : vector<384xf32> to vector<1x384xf32>
    %add3A_26 = vector.broadcast %broadcast_in_dim3A_25 : vector<1x384xf32> to vector<2000x384xf32>
    %add3A_27 = arith.addf %dot_general3A_20, %add3A_26 : vector<2000x384xf32>
    %get3A_28 = arith.constant 0 : index
    %get3A_29 = arith.constant 0 : index
    %get3A_30 = vector.load %arg9[%get3A_28, %get3A_29] : memref<1x384xf32, #tpu.memory_space<vmem>>, vector<1x384xf32>
    %get3A_31 = vector.shape_cast %get3A_30 : vector<1x384xf32> to vector<384xf32>
    %slice3A = vector.extract_strided_slice %add3A_27 {offsets = [0, 0], sizes = [2000, 128], strides = [1, 1]} : vector<2000x384xf32> to vector<2000x128xf32>
    %slice3A_32 = vector.extract_strided_slice %get3A_31 {offsets = [0], sizes = [128], strides = [1]} : vector<384xf32> to vector<128xf32>
    %broadcast_in_dim3A_33 = vector.shape_cast %slice3A_32 : vector<128xf32> to vector<1x128xf32>
    %add3A_34 = vector.broadcast %broadcast_in_dim3A_33 : vector<1x128xf32> to vector<2000x128xf32>
    %add3A_35 = arith.addf %slice3A, %add3A_34 : vector<2000x128xf32>
    %logistic3A = arith.negf %add3A_35 : vector<2000x128xf32>
    %logistic3A_36 = math.exp %logistic3A : vector<2000x128xf32>
    %logistic3A_37 = arith.constant 1.000000e+00 : f32
    %logistic3A_38 = vector.broadcast %logistic3A_37 : f32 to vector<2000x128xf32>
    %logistic3A_39 = arith.addf %logistic3A_38, %logistic3A_36 : vector<2000x128xf32>
    %logistic3A_40 = arith.divf %logistic3A_38, %logistic3A_39 : vector<2000x128xf32>
    %slice3A_41 = vector.extract_strided_slice %add3A_27 {offsets = [0, 128], sizes = [2000, 128], strides = [1, 1]} : vector<2000x384xf32> to vector<2000x128xf32>
    %slice3A_42 = vector.extract_strided_slice %get3A_31 {offsets = [128], sizes = [128], strides = [1]} : vector<384xf32> to vector<128xf32>
    %broadcast_in_dim3A_43 = vector.shape_cast %slice3A_42 : vector<128xf32> to vector<1x128xf32>
    %add3A_44 = vector.broadcast %broadcast_in_dim3A_43 : vector<1x128xf32> to vector<2000x128xf32>
    %add3A_45 = arith.addf %slice3A_41, %add3A_44 : vector<2000x128xf32>
    %logistic3A_46 = arith.negf %add3A_45 : vector<2000x128xf32>
    %logistic3A_47 = math.exp %logistic3A_46 : vector<2000x128xf32>
    %logistic3A_48 = arith.constant 1.000000e+00 : f32
    %logistic3A_49 = vector.broadcast %logistic3A_48 : f32 to vector<2000x128xf32>
    %logistic3A_50 = arith.addf %logistic3A_49, %logistic3A_47 : vector<2000x128xf32>
    %logistic3A_51 = arith.divf %logistic3A_49, %logistic3A_50 : vector<2000x128xf32>
    %slice3A_52 = vector.extract_strided_slice %add3A_27 {offsets = [0, 256], sizes = [2000, 128], strides = [1, 1]} : vector<2000x384xf32> to vector<2000x128xf32>
    %slice3A_53 = vector.extract_strided_slice %get3A_31 {offsets = [256], sizes = [128], strides = [1]} : vector<384xf32> to vector<128xf32>
    %broadcast_in_dim3A_54 = vector.shape_cast %slice3A_53 : vector<128xf32> to vector<1x128xf32>
    %mul3A = vector.broadcast %broadcast_in_dim3A_54 : vector<1x128xf32> to vector<2000x128xf32>
    %mul3A_55 = arith.mulf %logistic3A_40, %mul3A : vector<2000x128xf32>
    %add3A_56 = arith.addf %slice3A_52, %mul3A_55 : vector<2000x128xf32>
    %tanh3A = math.tanh %add3A_56 : vector<2000x128xf32>
    %sub3A = arith.constant 1.000000e+00 : f32
    %sub3A_57 = vector.broadcast %sub3A : f32 to vector<2000x128xf32>
    %sub3A_58 = arith.subf %sub3A_57, %logistic3A_51 : vector<2000x128xf32>
    %mul3A_59 = arith.mulf %sub3A_58, %tanh3A : vector<2000x128xf32>
    %get3A_60 = arith.constant 0 : index
    %get3A_61 = arith.constant 0 : index
    %get3A_62 = memref.load %arg4[%get3A_60, %get3A_61] : memref<1x1xf32, #tpu.memory_space<smem>>
    %get3A_63 = arith.constant 0 : index
    %get3A_64 = arith.constant 0 : index
    %get3A_65 = vector.load %arg5[%get3A_63, %get3A_64] : memref<1x32xf32, #tpu.memory_space<vmem>>, vector<1x32xf32>
    %get3A_66 = vector.shape_cast %get3A_65 : vector<1x32xf32> to vector<32xf32>
    %mul3A_67 = vector.broadcast %get3A_62 : f32 to vector<32xf32>
    %mul3A_68 = arith.mulf %mul3A_67, %get3A_66 : vector<32xf32>
    %get3A_69 = arith.constant 0 : index
    %get3A_70 = arith.constant 0 : index
    %get3A_71 = vector.load %arg6[%get3A_69, %get3A_70] : memref<1x32xf32, #tpu.memory_space<vmem>>, vector<1x32xf32>
    %get3A_72 = vector.shape_cast %get3A_71 : vector<1x32xf32> to vector<32xf32>
    %add3A_73 = arith.addf %mul3A_68, %get3A_72 : vector<32xf32>
    %sin3A = math.sin %add3A_73 : vector<32xf32>
    %get3A_74 = arith.constant 0 : index
    %get3A_75 = arith.constant 0 : index
    %get3A_76 = vector.load %arg3[%get3A_74, %get3A_75] : memref<2000x128xf32, #tpu.memory_space<vmem>>, vector<2000x128xf32>
    %broadcast_in_dim3A_77 = vector.shape_cast %sin3A : vector<32xf32> to vector<1x32xf32>
    %broadcast_in_dim3A_78 = vector.shape_cast %broadcast_in_dim3A_77 : vector<1x32xf32> to vector<1x32xf32>
    %broadcast_in_dim3A_79 = vector.broadcast %broadcast_in_dim3A_78 : vector<1x32xf32> to vector<2000x32xf32>
    %concatenate3A = tpu.concatenate %get3A_76, %mul3A_59, %broadcast_in_dim3A_79 in 1 : vector<2000x128xf32>, vector<2000x128xf32>, vector<2000x32xf32> -> vector<2000x288xf32>
    %get3A_80 = arith.constant 0 : index
    %get3A_81 = arith.constant 0 : index
    %get3A_82 = vector.load %arg10[%get3A_80, %get3A_81] : memref<288x128xf32, #tpu.memory_space<vmem>>, vector<288x128xf32>
    %dot_general3A_83 = arith.constant dense<0.000000e+00> : vector<2000x128xf32>
    %dot_general3A_84 = tpu.matmul %concatenate3A, %get3A_82, %dot_general3A_83 {dimension_numbers = #tpu.dot_dimension_numbers<[1], [0], [0], [1], [0, 0, 1, 1], [], []>, transpose_lhs_hint = false} : vector<2000x288xf32>, vector<288x128xf32>, vector<2000x128xf32> -> vector<2000x128xf32>
    %swap3A = arith.constant 0 : index
    %swap3A_85 = arith.constant 0 : index
    %swap3A_86 = vector.load %arg13[%swap3A, %swap3A_85] : memref<2000x128xf32, #tpu.memory_space<vmem>>, vector<2000x128xf32>
    tpu.vector_store %arg13[%swap3A, %swap3A_85], %dot_general3A_84 {strides = array<i32>} : memref<2000x128xf32, #tpu.memory_space<vmem>>, vector<2000x128xf32>,
    %get3A_87 = arith.constant 0 : index
    %get3A_88 = arith.constant 0 : index
    %get3A_89 = vector.load %arg11[%get3A_87, %get3A_88] : memref<288x128xf32, #tpu.memory_space<vmem>>, vector<288x128xf32>
    %dot_general3A_90 = arith.constant dense<0.000000e+00> : vector<2000x128xf32>
    %dot_general3A_91 = tpu.matmul %concatenate3A, %get3A_89, %dot_general3A_90 {dimension_numbers = #tpu.dot_dimension_numbers<[1], [0], [0], [1], [0, 0, 1, 1], [], []>, transpose_lhs_hint = false} : vector<2000x288xf32>, vector<288x128xf32>, vector<2000x128xf32> -> vector<2000x128xf32>
    %get3A_92 = arith.constant 0 : index
    %get3A_93 = arith.constant 0 : index
    %get3A_94 = vector.load %arg12[%get3A_92, %get3A_93] : memref<1x128xf32, #tpu.memory_space<vmem>>, vector<1x128xf32>
    %get3A_95 = vector.shape_cast %get3A_94 : vector<1x128xf32> to vector<128xf32>
    %broadcast_in_dim3A_96 = vector.shape_cast %get3A_95 : vector<128xf32> to vector<1x128xf32>
    %add3A_97 = vector.broadcast %broadcast_in_dim3A_96 : vector<1x128xf32> to vector<2000x128xf32>
    %add3A_98 = arith.addf %dot_general3A_91, %add3A_97 : vector<2000x128xf32>
    %swap3A_99 = arith.constant 0 : index
    %swap3A_100 = arith.constant 0 : index
    %swap3A_101 = vector.load %arg14[%swap3A_99, %swap3A_100] : memref<2000x128xf32, #tpu.memory_space<vmem>>, vector<2000x128xf32>
    tpu.vector_store %arg14[%swap3A_99, %swap3A_100], %add3A_98 {strides = array<i32>} : memref<2000x128xf32, #tpu.memory_space<vmem>>, vector<2000x128xf32>,
    return
  }
  func.func @transform_0(%arg0: i32) -> (i32, i32, i32) {
    %c0_i32 = arith.constant 0 : i32
    %c0_i32_0 = arith.constant 0 : i32
    %c0_i32_1 = arith.constant 0 : i32
    return %c0_i32, %arg0, %c0_i32_0 : i32, i32, i32
  }
  func.func @transform_1(%arg0: i32) -> (i32, i32, i32) {
    %c0_i32 = arith.constant 0 : i32
    %c0_i32_0 = arith.constant 0 : i32
    %c0_i32_1 = arith.constant 0 : i32
    return %arg0, %c0_i32, %c0_i32_0 : i32, i32, i32
  }
  func.func @transform_2(%arg0: i32) -> (i32, i32) {
    %c0_i32 = arith.constant 0 : i32
    %c0_i32_0 = arith.constant 0 : i32
    return %arg0, %c0_i32 : i32, i32
  }
  func.func @transform_3(%arg0: i32) -> (i32, i32) {
    %c0_i32 = arith.constant 0 : i32
    %c0_i32_0 = arith.constant 0 : i32
    %c0_i32_1 = arith.constant 0 : i32
    return %c0_i32, %c0_i32_0 : i32, i32
  }
  func.func @transform_4(%arg0: i32) -> (i32, i32) {
    %c0_i32 = arith.constant 0 : i32
    %c0_i32_0 = arith.constant 0 : i32
    %c0_i32_1 = arith.constant 0 : i32
    return %c0_i32, %c0_i32_0 : i32, i32
  }
  func.func @transform_5(%arg0: i32) -> (i32, i32) {
    %c0_i32 = arith.constant 0 : i32
    %c0_i32_0 = arith.constant 0 : i32
    %c0_i32_1 = arith.constant 0 : i32
    return %c0_i32, %c0_i32_0 : i32, i32
  }
  func.func @transform_6(%arg0: i32) -> (i32, i32) {
    %c0_i32 = arith.constant 0 : i32
    %c0_i32_0 = arith.constant 0 : i32
    %c0_i32_1 = arith.constant 0 : i32
    return %c0_i32, %c0_i32_0 : i32, i32
  }
  func.func @transform_7(%arg0: i32) -> (i32, i32) {
    %c0_i32 = arith.constant 0 : i32
    %c0_i32_0 = arith.constant 0 : i32
    %c0_i32_1 = arith.constant 0 : i32
    return %c0_i32, %c0_i32_0 : i32, i32
  }
  func.func @transform_8(%arg0: i32) -> (i32, i32) {
    %c0_i32 = arith.constant 0 : i32
    %c0_i32_0 = arith.constant 0 : i32
    %c0_i32_1 = arith.constant 0 : i32
    return %c0_i32, %c0_i32_0 : i32, i32
  }
  func.func @transform_9(%arg0: i32) -> (i32, i32) {
    %c0_i32 = arith.constant 0 : i32
    %c0_i32_0 = arith.constant 0 : i32
    %c0_i32_1 = arith.constant 0 : i32
    return %c0_i32, %c0_i32_0 : i32, i32
  }
  func.func @transform_10(%arg0: i32) -> (i32, i32) {
    %c0_i32 = arith.constant 0 : i32
    %c0_i32_0 = arith.constant 0 : i32
    %c0_i32_1 = arith.constant 0 : i32
    return %c0_i32, %c0_i32_0 : i32, i32
  }
  func.func @transform_11(%arg0: i32) -> (i32, i32) {
    %c0_i32 = arith.constant 0 : i32
    %c0_i32_0 = arith.constant 0 : i32
    %c0_i32_1 = arith.constant 0 : i32
    return %c0_i32, %c0_i32_0 : i32, i32
  }
  func.func @transform_12(%arg0: i32) -> (i32, i32) {
    %c0_i32 = arith.constant 0 : i32
    %c0_i32_0 = arith.constant 0 : i32
    return %arg0, %c0_i32 : i32, i32
  }
  func.func @transform_13(%arg0: i32) -> (i32, i32) {
    %c0_i32 = arith.constant 0 : i32
    %c0_i32_0 = arith.constant 0 : i32
    return %arg0, %c0_i32 : i32, i32
  }
}

module attributes {stable_mosaic.version = 14 : i64} {
  func.func @_final_body(%arg0: i32, %arg1: memref<2x2000x128xf32, #tpu.memory_space<vmem>>, %arg2: memref<2000x128xf32, #tpu.memory_space<vmem>>, %arg3: memref<128x128xf32, #tpu.memory_space<vmem>>, %arg4: memref<128x64xf32, #tpu.memory_space<vmem>>, %arg5: memref<1x64xf32, #tpu.memory_space<vmem>>, %arg6: memref<64x2xf32, #tpu.memory_space<vmem>>, %arg7: memref<1x2xf32, #tpu.memory_space<vmem>>, %arg8: memref<2000x2xf32, #tpu.memory_space<vmem>>) attributes {dimension_semantics = [#tpu.dimension_semantics<arbitrary>], iteration_bounds = array<i64: 5>, scalar_prefetch = 0 : i64, scratch_operands = 0 : i64, tpu.core_type = #tpu.core_type<tc>, window_params = [{transform_indices = @transform_0, window_bounds = array<i64: 2, 2000, 128>}, {transform_indices = @transform_1, window_bounds = array<i64: 2000, 128>}, {pipeline_mode = #tpu.pipeline_mode<synchronous>, transform_indices = @transform_2, window_bounds = array<i64: 128, 128>}, {pipeline_mode = #tpu.pipeline_mode<synchronous>, transform_indices = @transform_3, window_bounds = array<i64: 128, 64>}, {pipeline_mode = #tpu.pipeline_mode<synchronous>, transform_indices = @transform_4, window_bounds = array<i64: 1, 64>}, {pipeline_mode = #tpu.pipeline_mode<synchronous>, transform_indices = @transform_5, window_bounds = array<i64: 64, 2>}, {pipeline_mode = #tpu.pipeline_mode<synchronous>, transform_indices = @transform_6, window_bounds = array<i64: 1, 2>}, {transform_indices = @transform_7, window_bounds = array<i64: 2000, 2>}]} {
    %get3A = arith.constant 0 : index
    %get3A_0 = arith.constant 0 : index
    %get3A_1 = arith.constant 0 : index
    %get3A_2 = vector.load %arg1[%get3A, %get3A_0, %get3A_1] : memref<2x2000x128xf32, #tpu.memory_space<vmem>>, vector<1x2000x128xf32>
    %get3A_3 = vector.shape_cast %get3A_2 : vector<1x2000x128xf32> to vector<2000x128xf32>
    %get3A_4 = arith.constant 1 : index
    %get3A_5 = arith.constant 0 : index
    %get3A_6 = arith.constant 0 : index
    %get3A_7 = vector.load %arg1[%get3A_4, %get3A_5, %get3A_6] : memref<2x2000x128xf32, #tpu.memory_space<vmem>>, vector<1x2000x128xf32>
    %get3A_8 = vector.shape_cast %get3A_7 : vector<1x2000x128xf32> to vector<2000x128xf32>
    %add3A = arith.addf %get3A_3, %get3A_8 : vector<2000x128xf32>
    %get3A_9 = arith.constant 0 : index
    %get3A_10 = arith.constant 0 : index
    %get3A_11 = vector.load %arg2[%get3A_9, %get3A_10] : memref<2000x128xf32, #tpu.memory_space<vmem>>, vector<2000x128xf32>
    %get3A_12 = arith.constant 0 : index
    %get3A_13 = arith.constant 0 : index
    %get3A_14 = vector.load %arg3[%get3A_12, %get3A_13] : memref<128x128xf32, #tpu.memory_space<vmem>>, vector<128x128xf32>
    %dot_general3A = arith.constant dense<0.000000e+00> : vector<2000x128xf32>
    %dot_general3A_15 = tpu.matmul %add3A, %get3A_14, %dot_general3A {dimension_numbers = #tpu.dot_dimension_numbers<[1], [0], [0], [1], [0, 0, 1, 1], [], []>, transpose_lhs_hint = false} : vector<2000x128xf32>, vector<128x128xf32>, vector<2000x128xf32> -> vector<2000x128xf32>
    %add3A_16 = arith.addf %get3A_11, %dot_general3A_15 : vector<2000x128xf32>
    %max3A = arith.constant 0.000000e+00 : f32
    %max3A_17 = vector.broadcast %max3A : f32 to vector<2000x128xf32>
    %max3A_18 = arith.maximumf %add3A_16, %max3A_17 : vector<2000x128xf32>
    %get3A_19 = arith.constant 0 : index
    %get3A_20 = arith.constant 0 : index
    %get3A_21 = vector.load %arg4[%get3A_19, %get3A_20] : memref<128x64xf32, #tpu.memory_space<vmem>>, vector<128x64xf32>
    %dot_general3A_22 = arith.constant dense<0.000000e+00> : vector<2000x64xf32>
    %dot_general3A_23 = tpu.matmul %max3A_18, %get3A_21, %dot_general3A_22 {dimension_numbers = #tpu.dot_dimension_numbers<[1], [0], [0], [1], [0, 0, 1, 1], [], []>, transpose_lhs_hint = false} : vector<2000x128xf32>, vector<128x64xf32>, vector<2000x64xf32> -> vector<2000x64xf32>
    %get3A_24 = arith.constant 0 : index
    %get3A_25 = arith.constant 0 : index
    %get3A_26 = vector.load %arg5[%get3A_24, %get3A_25] : memref<1x64xf32, #tpu.memory_space<vmem>>, vector<1x64xf32>
    %get3A_27 = vector.shape_cast %get3A_26 : vector<1x64xf32> to vector<64xf32>
    %broadcast_in_dim3A = vector.shape_cast %get3A_27 : vector<64xf32> to vector<1x64xf32>
    %add3A_28 = vector.broadcast %broadcast_in_dim3A : vector<1x64xf32> to vector<2000x64xf32>
    %add3A_29 = arith.addf %dot_general3A_23, %add3A_28 : vector<2000x64xf32>
    %max3A_30 = arith.constant 0.000000e+00 : f32
    %max3A_31 = vector.broadcast %max3A_30 : f32 to vector<2000x64xf32>
    %max3A_32 = arith.maximumf %add3A_29, %max3A_31 : vector<2000x64xf32>
    %get3A_33 = arith.constant 0 : index
    %get3A_34 = arith.constant 0 : index
    %get3A_35 = vector.load %arg6[%get3A_33, %get3A_34] : memref<64x2xf32, #tpu.memory_space<vmem>>, vector<64x2xf32>
    %dot_general3A_36 = arith.constant dense<0.000000e+00> : vector<2000x2xf32>
    %dot_general3A_37 = tpu.matmul %max3A_32, %get3A_35, %dot_general3A_36 {dimension_numbers = #tpu.dot_dimension_numbers<[1], [0], [0], [1], [0, 0, 1, 1], [], []>, transpose_lhs_hint = false} : vector<2000x64xf32>, vector<64x2xf32>, vector<2000x2xf32> -> vector<2000x2xf32>
    %get3A_38 = arith.constant 0 : index
    %get3A_39 = arith.constant 0 : index
    %get3A_40 = vector.load %arg7[%get3A_38, %get3A_39] : memref<1x2xf32, #tpu.memory_space<vmem>>, vector<1x2xf32>
    %get3A_41 = vector.shape_cast %get3A_40 : vector<1x2xf32> to vector<2xf32>
    %broadcast_in_dim3A_42 = vector.shape_cast %get3A_41 : vector<2xf32> to vector<1x2xf32>
    %add3A_43 = vector.broadcast %broadcast_in_dim3A_42 : vector<1x2xf32> to vector<2000x2xf32>
    %add3A_44 = arith.addf %dot_general3A_37, %add3A_43 : vector<2000x2xf32>
    %swap3A = arith.constant 0 : index
    %swap3A_45 = arith.constant 0 : index
    %swap3A_46 = vector.load %arg8[%swap3A, %swap3A_45] : memref<2000x2xf32, #tpu.memory_space<vmem>>, vector<2000x2xf32>
    tpu.vector_store %arg8[%swap3A, %swap3A_45], %add3A_44 {strides = array<i32>} : memref<2000x2xf32, #tpu.memory_space<vmem>>, vector<2000x2xf32>,
    return
  }
  func.func @transform_0(%arg0: i32) -> (i32, i32, i32) {
    %c0_i32 = arith.constant 0 : i32
    %c0_i32_0 = arith.constant 0 : i32
    %c0_i32_1 = arith.constant 0 : i32
    return %c0_i32, %arg0, %c0_i32_0 : i32, i32, i32
  }
  func.func @transform_1(%arg0: i32) -> (i32, i32) {
    %c0_i32 = arith.constant 0 : i32
    %c0_i32_0 = arith.constant 0 : i32
    return %arg0, %c0_i32 : i32, i32
  }
  func.func @transform_2(%arg0: i32) -> (i32, i32) {
    %c0_i32 = arith.constant 0 : i32
    %c0_i32_0 = arith.constant 0 : i32
    %c0_i32_1 = arith.constant 0 : i32
    return %c0_i32, %c0_i32_0 : i32, i32
  }
  func.func @transform_3(%arg0: i32) -> (i32, i32) {
    %c0_i32 = arith.constant 0 : i32
    %c0_i32_0 = arith.constant 0 : i32
    %c0_i32_1 = arith.constant 0 : i32
    return %c0_i32, %c0_i32_0 : i32, i32
  }
  func.func @transform_4(%arg0: i32) -> (i32, i32) {
    %c0_i32 = arith.constant 0 : i32
    %c0_i32_0 = arith.constant 0 : i32
    %c0_i32_1 = arith.constant 0 : i32
    return %c0_i32, %c0_i32_0 : i32, i32
  }
  func.func @transform_5(%arg0: i32) -> (i32, i32) {
    %c0_i32 = arith.constant 0 : i32
    %c0_i32_0 = arith.constant 0 : i32
    %c0_i32_1 = arith.constant 0 : i32
    return %c0_i32, %c0_i32_0 : i32, i32
  }
  func.func @transform_6(%arg0: i32) -> (i32, i32) {
    %c0_i32 = arith.constant 0 : i32
    %c0_i32_0 = arith.constant 0 : i32
    %c0_i32_1 = arith.constant 0 : i32
    return %c0_i32, %c0_i32_0 : i32, i32
  }
  func.func @transform_7(%arg0: i32) -> (i32, i32) {
    %c0_i32 = arith.constant 0 : i32
    %c0_i32_0 = arith.constant 0 : i32
    return %arg0, %c0_i32 : i32, i32
  }
}

</mosaic_0001>

<sc_bundles>
// kernel: kernel.10.cloned.1.call-start
scs
__scs_entry_jumppad:
0x0: {  	(pc) =	sbr.rel $0x88, $3  }
0x1: {  	(tag) =	ssettag $0x0;
	lr =	simm.s32 $0x1  }
0x2: {  	[smem:$0x3F8C] =	sst lr;
	_ =	strace $0xD0000000  }
0x3: {  	_ = 	snop  }
0x4: {  	_ = 	snop  }
0x5: {  	_ = 	snop  }
0x6: {  	_ = 	snop  }
0x7: {  	_ = 	snop  }
__scs_overlays_trampoline_lowered:
0x8: {  	[smem:$0x3F9B] =	sst s0  }
0x9: {  	[smem:$0x3F9C] =	sst s1  }
0xa: {  	[smem:$0x3F9D] =	sst s2  }
0xb: {  	[smem:$0x3F9E] =	sst s3  }
0xc: {  	[smem:$0x3F9F] =	sst s4  }
0xd: {  	[smem:$0x3FA0] =	sst s5  }
0xe: {  	[smem:$0x3FA1] =	sst s6  }
0xf: {  	[smem:$0x3FA2] =	sst s7  }
0x10: {  	[smem:$0x3FA3] =	sst s8  }
0x11: {  	[smem:$0x3FA4] =	sst s9;
	s0 =	simm.s32 @!p0 $0x0  }
0x12: {  	s1 =	sld [smem:$0x3F8A];
	s0 =	simm.s32 @p0 $0x1  }
0x13: {  	[smem:$0x3FA5] =	sst s0;
	s0 =	simm.s32 @!p1 $0x0  }
0x14: {  	s2 =	sld [smem:$0x3F89];
	s0 =	simm.s32 @p1 $0x1  }
0x15: {  	[smem:$0x3FA6] =	sst s0;
	s0 =	simm.s32 @!p2 $0x0  }
0x16: {  	s3 =	sld [smem:$0x3FDB];
	s0 =	simm.s32 @p2 $0x1  }
0x17: {  	s4 =	simm.s32 $0x1BF5;
	[smem:$0x3FA8] =	sst s0  }
0x18: {  	s0 =	sld [smem:$0x3F8B];
	_ =	swait.ge [sflag:s4], $0x0  }
0x19: {  	s7 =	sld [smem:$0x3F8C]  }
0x1a: {  	s8 =	sadd.s32 $0xFFFFE003, lr  }
0x1b: {  	s9 =	sadd.s32 $0xFFFFFEF7, lr;
	s5 =	simm.s32 $0xFFFFFFFF;
	p2 =	slt.u32 s8, $0xFFFFF086  }
0x1c: {  	p1 =	slt.u32 s9, $0xF7A;
	s5 =	simm.s32 @!p2 $0x0  }
0x1d: {  	s5 =	simm.s32 @p1 $0x1;
	p0 =	seq.s32 s7, s2  }
0x1e: {  	s7 =	smul.u32 @!p0 $0xF7A, s2;
	p2 =	seq.s32 @!p0 s5, $0x0  }
0x1f: {  	s9 =	smul.u32 $0xF7A, s1;
	s8 =	simm.s32 @!p0 $0x1BF5;
	p2 =	por !p2, p0  }
0x20: {  	[sflag:s8] =	ssyncset.s32 @!p0 $0xFFFFF086;
	s6 =	sadd.s32 @!p0 s3, s7;
	s7 =	simm.s32 @!p0 $0x108  }
0x21: {  	s3 =	sadd.s32 s3, s9;
	s6 =	sadd.s32 @!p0 $0x88, s6;
	s7 =	simm.s32 @p2 $0x1082  }
0x22: {  	[simem:s7], [sflag:s8] =	dma.local @!p0 [hbm:s6], $0xF7A  }
0x23: {  	s9 =	sor.u32 $0xD0000000, s2;
	s6 =	simm.s32 $0x108;
	_ =	swait.ge @!p0 [sflag:s8], $0x0  }
0x24: {  	s3 =	sadd.s32 $0x88, s3;
	s6 =	simm.s32 @!p1 $0x1082;
	[sflag:s4] =	ssyncset.s32 $0xFFFFF086  }
0x25: {  	[simem:s6], [sflag:s4] =	dma.local [hbm:s3], $0xF7A  }
0x26: {  	[smem:$0x3F8C] =	sst s1;
	(tag) =	ssettag s2;
	_ =	strace s9  }
0x27: {  	s1 =	sld [smem:$0x3F9C]  }
0x28: {  	s2 =	sld [smem:$0x3F9D]  }
0x29: {  	s4 =	sld [smem:$0x3F9F]  }
0x2a: {  	p0 =	seq.s32 s5, $0x0;
	s5 =	sld [smem:$0x3FA0]  }
0x2b: {  	s6 =	sld [smem:$0x3FA1]  }
0x2c: {  	s7 =	sld [smem:$0x3FA2]  }
0x2d: {  	s3 =	simm.s32 $0x108;
	s8 =	sld [smem:$0x3FA3]  }
0x2e: {  	s3 =	simm.s32 @!p0 $0x1082;
	s9 =	sld [smem:$0x3FA4]  }
0x2f: {  	lr =	sadd.s32 s0, s3;
	s0 =	sld [smem:$0x3F9B]  }
0x30: {  	s3 =	sld [smem:$0x3F9E]  }
0x31: {  	[smem:$0x3FA7] =	sst s10  }
0x32: {  	s10 =	sld [smem:$0x3FA5];
	_ =	sdelay $0x3  }
0x33: {  	p0 =	seq.s32 s10, $0x1;
	s10 =	sld [smem:$0x3FA7];
	_ =	sdelay $0x3  }
0x34: {  	[smem:$0x3FA7] =	sst s10  }
0x35: {  	s10 =	sld [smem:$0x3FA6];
	_ =	sdelay $0x3  }
0x36: {  	p1 =	seq.s32 s10, $0x1;
	s10 =	sld [smem:$0x3FA7];
	_ =	sdelay $0x3  }
0x37: {  	[smem:$0x3FA7] =	sst s10  }
0x38: {  	s10 =	sld [smem:$0x3FA8]  }
0x39: {  	_ = 	snop;
	(pc) =	sbr.ind lr, $3  }
0x3a: {  	_ = 	snop  }
0x3b: {  	_ = 	snop  }
0x3c: {  	p2 =	seq.s32 s10, $0x1;
	s10 =	sld [smem:$0x3FA7]  }
0x3d: {  	_ =	shalt  }
0x3e: {  	_ =	shalt  }
0x3f: {  	_ =	shalt  }
0x40: {  	_ =	shalt  }
0x41: {  	_ =	shalt  }
0x42: {  	_ =	shalt  }
0x43: {  	_ =	shalt  }
0x44: {  	_ =	shalt  }
0x45: {  	_ =	shalt  }
0x46: {  	_ =	shalt  }
0x47: {  	_ =	shalt  }
0x48: {  	_ =	shalt  }
0x49: {  	_ =	shalt  }
0x4a: {  	_ =	shalt  }
0x4b: {  	_ =	shalt  }
0x4c: {  	_ =	shalt  }
0x4d: {  	_ =	shalt  }
0x4e: {  	_ =	shalt  }
0x4f: {  	_ =	shalt  }
0x50: {  	_ =	shalt  }
0x51: {  	_ =	shalt  }
0x52: {  	_ =	shalt  }
0x53: {  	_ =	shalt  }
0x54: {  	_ =	shalt  }
0x55: {  	_ =	shalt  }
0x56: {  	_ =	shalt  }
0x57: {  	_ =	shalt  }
0x58: {  	_ =	shalt  }
0x59: {  	_ =	shalt  }
0x5a: {  	_ =	shalt  }
0x5b: {  	_ =	shalt  }
0x5c: {  	_ =	shalt  }
0x5d: {  	_ =	shalt  }
0x5e: {  	_ =	shalt  }
0x5f: {  	_ =	shalt  }
0x60: {  	_ =	shalt  }
0x61: {  	_ =	shalt  }
0x62: {  	_ =	shalt  }
0x63: {  	_ =	shalt  }
0x64: {  	_ =	shalt  }
0x65: {  	_ =	shalt  }
0x66: {  	_ =	shalt  }
0x67: {  	_ =	shalt  }
0x68: {  	_ =	shalt  }
0x69: {  	_ =	shalt  }
0x6a: {  	_ =	shalt  }
0x6b: {  	_ =	shalt  }
0x6c: {  	_ =	shalt  }
0x6d: {  	_ =	shalt  }
0x6e: {  	_ =	shalt  }
0x6f: {  	_ =	shalt  }
0x70: {  	_ =	shalt  }
0x71: {  	_ =	shalt  }
0x72: {  	_ =	shalt  }
0x73: {  	_ =	shalt  }
0x74: {  	_ =	shalt  }
0x75: {  	_ =	shalt  }
0x76: {  	_ =	shalt  }
0x77: {  	_ =	shalt  }
0x78: {  	_ =	shalt  }
0x79: {  	_ =	shalt  }
0x7a: {  	_ =	shalt  }
0x7b: {  	_ =	shalt  }
0x7c: {  	_ =	shalt  }
0x7d: {  	_ =	shalt  }
0x7e: {  	_ =	shalt  }
0x7f: {  	_ =	shalt  }
0x80: {  	_ =	shalt  }
0x81: {  	_ =	shalt  }
0x82: {  	_ =	shalt  }
0x83: {  	_ =	shalt  }
0x84: {  	_ =	shalt  }
0x85: {  	_ =	shalt  }
0x86: {  	_ =	shalt  }
0x87: {  	_ =	shalt  }
.Lfunc_end0:
.L_simem_size_0:
called_computation_lowered:
.L_overlay_start_0:
0x88: {  	s2 =	sld [smem:$0x3FD9]  }
0x89: {  	s3 =	sld [smem:$0x3FFE];
	_ =	sdelay $0x1  }
0x8a: {  	s1 =	srdreg.scid  }
0x8b: {  	s0 =	sand.u32 $0x1, s1  }
0x8c: {  	s16 =	sshll.u32 s0, $0xA;
	s2 =	sadd.s32 s3, s2  }
0x8d: {  	s2 =	sadd.s32 s2, s16  }
0x8e: {  	[smem:$0x3FB3] =	sst s2  }
0x8f: {  	_ = 	snop  }
0x90: {  	(tm) =	ssettm $0x1  }
0x91: {  	s17 =	sld [smem:$0x3FFB];
	_ =	sdelay $0x3  }
0x92: {  	_ =	strace s17  }
0x93: {  	s2 =	sld [smem:$0x3FFC];
	_ =	sdelay $0x3  }
0x94: {  	_ =	strace s2  }
0x95: {  	s2 =	sld [smem:$0x3FFD];
	_ =	sdelay $0x3  }
0x96: {  	_ =	strace s2  }
0x97: {  	_ =	strace $0x8FFFFFFF  }
0x98: {  	s18 =	sld [smem:$0x3FDB];
	_ =	sdelay $0x1  }
0x99: {  	s19 =	simm.s32 $_scs_section_size  }
0x9a: {  	s4 =	simm.s32 $_size__tile_overlayer_lowered;
	s5 =	simm.s32 $_tile_overlayer_lowered  }
0x9b: {  	s22 =	simm.s32 $0x1BFF;
	s21 =	sshll.u32 s5, $0x1;
	s2 =	sadd.s32 s19, s18  }
0x9c: {  	s6 =	simm.s32 $0x0;
	s20 =	sshll.u32 s4, $0x1;
	s4 =	sadd.s32 s21, s2  }
0x9d: {  	[timem:s6], [sflag:s22] =	dma.local [hbm:s4], s20  }
0x9e: {  	_ =	swait.ge [sflag:s22], s20  }
0x9f: {  	s3 =	ssub.s32 $0x0, s20;
	[sflag:s22] =	ssyncset.done $0x0  }
0xa0: {  	[sflag:s22] =	ssyncadd.s32 s3;
	_ =	sdelay $0x1  }
0xa1: {  	s23 =	simm.s32 $0x1B8B  }
0xa2: {  	_ =	swait.ge [sflag:s23], $0x1  }
0xa3: {  	[sflag:s23] =	ssyncset.done $0x0  }
0xa4: {  	s25 =	simm.s32 $0x1B8E;
	s24 =	sld [smem:$0x3FFE];
	[sflag:s23] =	ssyncadd.s32 $0xFFFFFFFF  }
0xa5: {  	s26 =	simm.s32 $execute0_lowered;
	[smem:$0x3FD2] =	sst s25  }
0xa6: {  	s4 =	sshll.u32 s26, $0x1;
	_ =	strace $0x80000046;
	[dreg:$0x1] =	wrdreg $0xFFFFFFFF  }
0xa7: {  	s28 =	simm.s32 $_size_execute0_lowered;
	s2 =	sadd.s32 s2, s4;
	[dreg:$0x0] =	wrdreg $0x0  }
0xa8: {  	s4 =	sshll.u32 s28, $0x1;
	[dreg:$0x2] =	wrdreg s2  }
0xa9: {  	[dreg:$0x3] =	wrdreg s4  }
0xaa: {  	[dreg:$0x4] =	wrdreg $0xC0  }
0xab: {  	_ =	task [dreg:s6], $0x5FFFF  }
0xac: {  	[dreg:$0x1] =	wrdreg $0xFFFFFFFF  }
0xad: {  	[dreg:$0x0] =	wrdreg $0x60  }
0xae: {  	[dreg:$0x2] =	wrdreg s24  }
0xaf: {  	[dreg:$0x3] =	wrdreg $0x9  }
0xb0: {  	_ =	task.clear_ibuf [dreg:s6], $0x4FFFF;
	_ =	strace $0x90000046  }
0xb1: {  	s29 =	simm.s32 $0x9;
	_ =	strace $0x80000048  }
0xb2: {  	_ =	swait.ge [sflag:s29], $0x1  }
0xb3: {  	[sflag:s29] =	ssyncadd.s32 $0xFFFFFFFF  }
0xb4: {  	_ =	strace $0x90000048  }
0xb5: {  	_ =	sfence  }
0xb6: {  	s30 =	sld [smem:$0x0];
	_ =	sdelay $0x2  }
0xb7: {  	s31 =	sshll.u32 s1, $0xD;
	s1 =	sshrl.u32 s1, $0x2  }
0xb8: {  	s3 =	sand.u32 $0x4000, s31;
	s1 =	sadd.s32 s1, s30  }
0xb9: {  	s0 =	sor.u32 s3, s0;
	s1 =	sshll.u32 s1, $0x11  }
0xba: {  	s0 =	sor.u32 s1, s0  }
0xbb: {  	s0 =	sadd.s32 $0x8F2B, s0  }
0xbc: {  	[sflag:s0] =	ssyncadd.remote.s32 $0x1  }
0xbd: {  	_ =	sfence.sel $0xFFFF  }
0xbe: {  	[dreg:$0x0] =	wrdreg $0xFFFFFFFF;
	(pc) =	sbr.abs _section_cstart, $3  }
0xbf: {  	[dreg:$0x1] =	wrdreg $0xFFFFFFFF  }
0xc0: {  	_ =	task.clear_ibuf [dreg:s6], $0x2FFFF;
	_ =	strace $0x9FFFFFFF  }
0xc1: {  	(tm) =	ssettm $0x7FFFFFFF  }
tec
execute0_lowered:
.L_overlay_start_1:
0x0: {  	(tag) =	ssettag $0x1  }
0x1: {  	s4 =	rddreg [dreg:$0x0]  }
0x2: {  	s0 =	rddreg [dreg:$0x1]  }
0x3: {  	s2 =	simm.s32 $0x0;
	s3 =	srdreg.scid;
	s1 =	stileid.u32  }
0x4: {  	s11 =	simm.s32 $0x6800;
	s12 =	simm.s32 $0x1;
	s13 =	simm.s32 $0x2  }
0x5: {  	s14 =	simm.s32 $0x3E00;
	s15 =	simm.s32 $0x0;
	[smem:$0x7FF] =	sst s2  }
0x6: {  	s5 =	sand.u32 $0x1, s3;
	s6 =	sshll.u32 s1, $0x1;
	s3 =	sadd.s32 $0x28800, s4  }
0x7: {  	s9 =	sadd.s32 $0x4FA00, s4;
	s10 =	smul.u32 $0x4E200, s1;
	_ =	strace $0x80000047  }
0x8: {  	s6 =	sor.u32 s5, s6;
	s8 =	ssub.s32 $0x2, s5;
	s30 =	smul.u32 $0x27100, s5  }
0x9: {  	s7 =	sshll.u32 s6, $0xB;
	s6 =	smul.u32 $0x138800, s6;
	s29 =	sshrl.u32 s8, $0x1  }
0xa: {  	s31 =	sadd.s32 s10, s9;
	s10 =	simm.s32 $0x4000;
	s7 =	sadd.s32 s7, s4  }
0xb: {  	s8 =	ssub.s32 s8, s29;
	s6 =	sshrl.u32 s6, $0x3;
	s4 =	sadd.s32 $0x18800, s7  }
0xc: {  	s7 =	sadd.s32 s30, s31;
	s6 =	sadd.s32 s9, s6;
	s9 =	simm.s32 $0x50  }
0xd: {  	s5 =	sadd.s32 $0x26C00, s6;
	s6 =	smax.u32 s8, $0x1;
	s8 =	simm.s32 $0x3  }
.LBB2_1:
0xe: {  	[tilespmem:s2], [sflag:$0x3] =	stream.linear.gather [hbm4b:s4+s2], $0x3E80, $0x38;
	[tilespmem:$0x9000] =	vst v63  }
0xf: {  	_ =	swait.ge [sflag:s8], $0x3E80  }
0x10: {  	[sflag:s8] =	ssyncset.done $0x0  }
0x11: {  	s16 =	simm.s32 $0x0;
	[sflag:s8] =	ssyncadd.s32 $0xFFFFC180  }
0x12: {  	[tilespmem:s10], [sflag:$0x1] =	stream.indirect.gather [hbm4b:s3+s9], $0x80, s16, s9, $0xb8;
	[tilespmem:$0x9000] =	vst v63  }
0x13: {  	s30 =	simm.s32 $0x80  }
0x14: {  	[tilespmem:s11], [sflag:$0x2] =	stream.indirect.gather [hbm4b:s3+s9], $0x80, s30, s9, $0xb8;
	[tilespmem:$0x9000] =	vst v63  }
0x15: {  	_ =	swait.ge [sflag:s12], $0x2800  }
0x16: {  	[sflag:s12] =	ssyncset.done $0x0  }
0x17: {  	[sflag:s12] =	ssyncadd.s32 $0xFFFFD800  }
0x18: {  	[hbm4b:s7+s2] =	stream.linear.scatter [tilespmem:s10], [sflag:$0x3], $0x2800, $0x38;
	[tilespmem:$0x9000] =	vst v63  }
0x19: {  	_ =	swait.ge [sflag:s8], $0x2800  }
0x1a: {  	[sflag:s8] =	ssyncset.done $0x0  }
0x1b: {  	[sflag:s8] =	ssyncadd.s32 $0xFFFFD800  }
0x1c: {  	_ =	swait.ge [sflag:s13], $0x2800  }
0x1d: {  	[sflag:s13] =	ssyncset.done $0x0  }
0x1e: {  	s31 =	sadd.s32 $0x500, s7;
	[sflag:s13] =	ssyncadd.s32 $0xFFFFD800  }
0x1f: {  	[hbm4b:s31+s2] =	stream.linear.scatter [tilespmem:s11], [sflag:$0x3], $0x2800, $0x38;
	[tilespmem:$0x9000] =	vst v63  }
0x20: {  	s17 =	simm.s32 $0x400;
	_ =	swait.ge [sflag:s8], $0x2800  }
0x21: {  	s18 =	simm.s32 $0x800;
	s16 =	sadd.s32 $0xA00, s7;
	[sflag:s8] =	ssyncset.done $0x0  }
.LBB2_2:
0x22: {  	s19 =	sshra.s32 s17, $0x2  }
0x23: {  	[sflag:s8] =	ssyncadd.s32 $0xFFFFD800;
	s17 =	smov.u32 s18;
	s20 =	sadd.s32 $0x400, s18  }
0x24: {  	[tilespmem:s10], [sflag:$0x1] =	stream.indirect.gather [hbm4b:s3+s9], $0x80, s19, s9, $0xb8;
	[tilespmem:$0x9000] =	vst v63  }
0x25: {  	p0 =	sne.s32 s18, $0xF400;
	s18 =	sadd.s32 $0x80, s19  }
0x26: {  	[tilespmem:s11], [sflag:$0x2] =	stream.indirect.gather [hbm4b:s3+s9], $0x80, s18, s9, $0xb8;
	[tilespmem:$0x9000] =	vst v63  }
0x27: {  	_ =	swait.ge [sflag:s12], $0x2800  }
0x28: {  	[sflag:s12] =	ssyncset.done $0x0  }
0x29: {  	[sflag:s12] =	ssyncadd.s32 $0xFFFFD800  }
0x2a: {  	[hbm4b:s16+s2] =	stream.linear.scatter [tilespmem:s10], [sflag:$0x3], $0x2800, $0x38;
	[tilespmem:$0x9000] =	vst v63  }
0x2b: {  	_ =	swait.ge [sflag:s8], $0x2800  }
0x2c: {  	[sflag:s8] =	ssyncset.done $0x0  }
0x2d: {  	[sflag:s8] =	ssyncadd.s32 $0xFFFFD800  }
0x2e: {  	_ =	swait.ge [sflag:s13], $0x2800  }
.Ltmp0:
0x2f: {  	[sflag:s13] =	ssyncset.done $0x0;
	(pc) =	sbr.rel @p0 .LBB2_2-.Ltmp0, $4  }
0x30: {  	s18 =	sadd.s32 $0x500, s16;
	[sflag:s13] =	ssyncadd.s32 $0xFFFFD800  }
0x31: {  	[hbm4b:s18+s2] =	stream.linear.scatter [tilespmem:s11], [sflag:$0x3], $0x2800, $0x38;
	[tilespmem:$0x9000] =	vst v63  }
0x32: {  	_ =	swait.ge [sflag:s8], $0x2800  }
0x33: {  	s16 =	sadd.s32 $0xA00, s16;
	s18 =	smov.u32 s20;
	[sflag:s8] =	ssyncset.done $0x0  }
0x34: {  	s17 =	sshra.s32 s17, $0x2;
	[sflag:s8] =	ssyncadd.s32 $0xFFFFD800  }
0x35: {  	[tilespmem:s10], [sflag:$0x1] =	stream.indirect.gather [hbm4b:s3+s9], $0x80, s17, s9, $0xb8;
	[tilespmem:$0x9000] =	vst v63  }
0x36: {  	s17 =	sadd.s32 $0x80, s17  }
0x37: {  	[tilespmem:s11], [sflag:$0x2] =	stream.indirect.gather [hbm4b:s3+s9], $0x80, s17, s9, $0xb8;
	[tilespmem:$0x9000] =	vst v63  }
0x38: {  	_ =	swait.ge [sflag:s12], $0x2800  }
0x39: {  	[sflag:s12] =	ssyncset.done $0x0  }
0x3a: {  	[sflag:s12] =	ssyncadd.s32 $0xFFFFD800  }
0x3b: {  	[hbm4b:s16+s2] =	stream.linear.scatter [tilespmem:s10], [sflag:$0x3], $0x2800, $0x38;
	[tilespmem:$0x9000] =	vst v63  }
0x3c: {  	_ =	swait.ge [sflag:s8], $0x2800  }
0x3d: {  	[sflag:s8] =	ssyncset.done $0x0  }
0x3e: {  	[sflag:s8] =	ssyncadd.s32 $0xFFFFD800  }
0x3f: {  	_ =	swait.ge [sflag:s13], $0x2800  }
0x40: {  	[sflag:s13] =	ssyncset.done $0x0  }
0x41: {  	s31 =	sadd.s32 $0x500, s16;
	[sflag:s13] =	ssyncadd.s32 $0xFFFFD800  }
0x42: {  	[hbm4b:s31+s2] =	stream.linear.scatter [tilespmem:s11], [sflag:$0x3], $0x2800, $0x38;
	[tilespmem:$0x9000] =	vst v63  }
0x43: {  	_ =	swait.ge [sflag:s8], $0x2800  }
0x44: {  	[sflag:s8] =	ssyncset.done $0x0  }
0x45: {  	[sflag:s8] =	ssyncadd.s32 $0xFFFFD800  }
0x46: {  	[tilespmem:s10], [sflag:$0x1] =	stream.indirect.gather [hbm4b:s3+s9], $0x80, s14, s9, $0xb8;
	[tilespmem:$0x9000] =	vst v63  }
0x47: {  	s15 =	sadd.s32 $0x1, s15;
	_ =	swait.ge [sflag:s12], $0x2800  }
0x48: {  	p0 =	sne.s32 s15, s6;
	[sflag:s12] =	ssyncset.done $0x0  }
.Ltmp1:
0x49: {  	[sflag:s12] =	ssyncadd.s32 $0xFFFFD800;
	(pc) =	sbr.rel @p0 .LBB2_1-.Ltmp1, $4  }
0x4a: {  	[hbm4b:s5+s2] =	stream.linear.scatter [tilespmem:s10], [sflag:$0x3], $0x2800, $0x38;
	[tilespmem:$0x9000] =	vst v63  }
0x4b: {  	_ =	swait.ge [sflag:s8], $0x2800  }
0x4c: {  	[sflag:s8] =	ssyncset.done $0x0  }
0x4d: {  	[sflag:s8] =	ssyncadd.s32 $0xFFFFD800  }
0x4e: {  	_ =	sfence.sel $0x180000  }
0x4f: {  	[bflag:$0x0] =	sbarrier.arrive $0xFFFF  }
0x50: {  	p0 =	sne.s32 s1, $0x0;
	_ =	strace $0x90000047  }
0x51: {  	s0 =	sadd.s32 @!p0 $0x100000, s0;
	[bflag:$0x2] =	sbarrier.arrive $0xFFFF  }
0x52: {  	[sflag:s0] =	ssyncadd.tile.s32 @!p0 $0x1;
	_ =	shalt  }
.Lfunc_end2:
_tile_overlayer_lowered:
.L_overlay_start_2:
0x53: {  	(tag) =	ssettag $0x2  }
0x54: {  	s0 =	rddreg [dreg:$0x0];
	s2 =	stileid.u32  }
0x55: {  	s1 =	rddreg [dreg:$0x1];
	p0 =	sne.s32 s2, $0x0  }
0x56: {  	s3 =	rddreg [dreg:$0x2];
	[bflag:$0x3] =	sbarrier.arrive $0xFFFF;
	s2 =	simm.s32 @!p0 $0x1C03  }
0x57: {  	[timem:s3], [sflag:s2] =	dma.local @!p0 [hbm:s0], s1  }
0x58: {  	s0 =	simm.s32 @!p0 $0x3  }
0x59: {  	_ =	swait.ge @!p0 [sflag:s0], s1  }
0x5a: {  	s1 =	ssub.s32 @!p0 $0x0, s1;
	[sflag:s0] =	ssyncset.done @!p0 $0x0  }
0x5b: {  	[sflag:s0] =	ssyncadd.s32 @!p0 s1  }
0x5c: {  	[bflag:$0x3] =	sbarrier.arrive $0xFFFF  }
0x5d: {  	_ =	shalt  }

// kernel: kernel.13.cloned.1.call-start
scs
__scs_entry_jumppad:
0x0: {  	(pc) =	sbr.rel $0x88, $3  }
0x1: {  	(tag) =	ssettag $0x0;
	lr =	simm.s32 $0x1  }
0x2: {  	[smem:$0x3F8C] =	sst lr;
	_ =	strace $0xD0000000  }
0x3: {  	_ = 	snop  }
0x4: {  	_ = 	snop  }
0x5: {  	_ = 	snop  }
0x6: {  	_ = 	snop  }
0x7: {  	_ = 	snop  }
__scs_overlays_trampoline_lowered:
0x8: {  	[smem:$0x3F9B] =	sst s0  }
0x9: {  	[smem:$0x3F9C] =	sst s1  }
0xa: {  	[smem:$0x3F9D] =	sst s2  }
0xb: {  	[smem:$0x3F9E] =	sst s3  }
0xc: {  	[smem:$0x3F9F] =	sst s4  }
0xd: {  	[smem:$0x3FA0] =	sst s5  }
0xe: {  	[smem:$0x3FA1] =	sst s6  }
0xf: {  	[smem:$0x3FA2] =	sst s7  }
0x10: {  	[smem:$0x3FA3] =	sst s8  }
0x11: {  	[smem:$0x3FA4] =	sst s9;
	s0 =	simm.s32 @!p0 $0x0  }
0x12: {  	s1 =	sld [smem:$0x3F8A];
	s0 =	simm.s32 @p0 $0x1  }
0x13: {  	[smem:$0x3FA5] =	sst s0;
	s0 =	simm.s32 @!p1 $0x0  }
0x14: {  	s2 =	sld [smem:$0x3F89];
	s0 =	simm.s32 @p1 $0x1  }
0x15: {  	[smem:$0x3FA6] =	sst s0;
	s0 =	simm.s32 @!p2 $0x0  }
0x16: {  	s3 =	sld [smem:$0x3FDB];
	s0 =	simm.s32 @p2 $0x1  }
0x17: {  	s4 =	simm.s32 $0x1BF5;
	[smem:$0x3FA8] =	sst s0  }
0x18: {  	s0 =	sld [smem:$0x3F8B];
	_ =	swait.ge [sflag:s4], $0x0  }
0x19: {  	s7 =	sld [smem:$0x3F8C]  }
0x1a: {  	s8 =	sadd.s32 $0xFFFFE003, lr  }
0x1b: {  	s9 =	sadd.s32 $0xFFFFFEF7, lr;
	s5 =	simm.s32 $0xFFFFFFFF;
	p2 =	slt.u32 s8, $0xFFFFF086  }
0x1c: {  	p1 =	slt.u32 s9, $0xF7A;
	s5 =	simm.s32 @!p2 $0x0  }
0x1d: {  	s5 =	simm.s32 @p1 $0x1;
	p0 =	seq.s32 s7, s2  }
0x1e: {  	s7 =	smul.u32 @!p0 $0xF7A, s2;
	p2 =	seq.s32 @!p0 s5, $0x0  }
0x1f: {  	s9 =	smul.u32 $0xF7A, s1;
	s8 =	simm.s32 @!p0 $0x1BF5;
	p2 =	por !p2, p0  }
0x20: {  	[sflag:s8] =	ssyncset.s32 @!p0 $0xFFFFF086;
	s6 =	sadd.s32 @!p0 s3, s7;
	s7 =	simm.s32 @!p0 $0x108  }
0x21: {  	s3 =	sadd.s32 s3, s9;
	s6 =	sadd.s32 @!p0 $0x88, s6;
	s7 =	simm.s32 @p2 $0x1082  }
0x22: {  	[simem:s7], [sflag:s8] =	dma.local @!p0 [hbm:s6], $0xF7A  }
0x23: {  	s9 =	sor.u32 $0xD0000000, s2;
	s6 =	simm.s32 $0x108;
	_ =	swait.ge @!p0 [sflag:s8], $0x0  }
0x24: {  	s3 =	sadd.s32 $0x88, s3;
	s6 =	simm.s32 @!p1 $0x1082;
	[sflag:s4] =	ssyncset.s32 $0xFFFFF086  }
0x25: {  	[simem:s6], [sflag:s4] =	dma.local [hbm:s3], $0xF7A  }
0x26: {  	[smem:$0x3F8C] =	sst s1;
	(tag) =	ssettag s2;
	_ =	strace s9  }
0x27: {  	s1 =	sld [smem:$0x3F9C]  }
0x28: {  	s2 =	sld [smem:$0x3F9D]  }
0x29: {  	s4 =	sld [smem:$0x3F9F]  }
0x2a: {  	p0 =	seq.s32 s5, $0x0;
	s5 =	sld [smem:$0x3FA0]  }
0x2b: {  	s6 =	sld [smem:$0x3FA1]  }
0x2c: {  	s7 =	sld [smem:$0x3FA2]  }
0x2d: {  	s3 =	simm.s32 $0x108;
	s8 =	sld [smem:$0x3FA3]  }
0x2e: {  	s3 =	simm.s32 @!p0 $0x1082;
	s9 =	sld [smem:$0x3FA4]  }
0x2f: {  	lr =	sadd.s32 s0, s3;
	s0 =	sld [smem:$0x3F9B]  }
0x30: {  	s3 =	sld [smem:$0x3F9E]  }
0x31: {  	[smem:$0x3FA7] =	sst s10  }
0x32: {  	s10 =	sld [smem:$0x3FA5];
	_ =	sdelay $0x3  }
0x33: {  	p0 =	seq.s32 s10, $0x1;
	s10 =	sld [smem:$0x3FA7];
	_ =	sdelay $0x3  }
0x34: {  	[smem:$0x3FA7] =	sst s10  }
0x35: {  	s10 =	sld [smem:$0x3FA6];
	_ =	sdelay $0x3  }
0x36: {  	p1 =	seq.s32 s10, $0x1;
	s10 =	sld [smem:$0x3FA7];
	_ =	sdelay $0x3  }
0x37: {  	[smem:$0x3FA7] =	sst s10  }
0x38: {  	s10 =	sld [smem:$0x3FA8]  }
0x39: {  	_ = 	snop;
	(pc) =	sbr.ind lr, $3  }
0x3a: {  	_ = 	snop  }
0x3b: {  	_ = 	snop  }
0x3c: {  	p2 =	seq.s32 s10, $0x1;
	s10 =	sld [smem:$0x3FA7]  }
0x3d: {  	_ =	shalt  }
0x3e: {  	_ =	shalt  }
0x3f: {  	_ =	shalt  }
0x40: {  	_ =	shalt  }
0x41: {  	_ =	shalt  }
0x42: {  	_ =	shalt  }
0x43: {  	_ =	shalt  }
0x44: {  	_ =	shalt  }
0x45: {  	_ =	shalt  }
0x46: {  	_ =	shalt  }
0x47: {  	_ =	shalt  }
0x48: {  	_ =	shalt  }
0x49: {  	_ =	shalt  }
0x4a: {  	_ =	shalt  }
0x4b: {  	_ =	shalt  }
0x4c: {  	_ =	shalt  }
0x4d: {  	_ =	shalt  }
0x4e: {  	_ =	shalt  }
0x4f: {  	_ =	shalt  }
0x50: {  	_ =	shalt  }
0x51: {  	_ =	shalt  }
0x52: {  	_ =	shalt  }
0x53: {  	_ =	shalt  }
0x54: {  	_ =	shalt  }
0x55: {  	_ =	shalt  }
0x56: {  	_ =	shalt  }
0x57: {  	_ =	shalt  }
0x58: {  	_ =	shalt  }
0x59: {  	_ =	shalt  }
0x5a: {  	_ =	shalt  }
0x5b: {  	_ =	shalt  }
0x5c: {  	_ =	shalt  }
0x5d: {  	_ =	shalt  }
0x5e: {  	_ =	shalt  }
0x5f: {  	_ =	shalt  }
0x60: {  	_ =	shalt  }
0x61: {  	_ =	shalt  }
0x62: {  	_ =	shalt  }
0x63: {  	_ =	shalt  }
0x64: {  	_ =	shalt  }
0x65: {  	_ =	shalt  }
0x66: {  	_ =	shalt  }
0x67: {  	_ =	shalt  }
0x68: {  	_ =	shalt  }
0x69: {  	_ =	shalt  }
0x6a: {  	_ =	shalt  }
0x6b: {  	_ =	shalt  }
0x6c: {  	_ =	shalt  }
0x6d: {  	_ =	shalt  }
0x6e: {  	_ =	shalt  }
0x6f: {  	_ =	shalt  }
0x70: {  	_ =	shalt  }
0x71: {  	_ =	shalt  }
0x72: {  	_ =	shalt  }
0x73: {  	_ =	shalt  }
0x74: {  	_ =	shalt  }
0x75: {  	_ =	shalt  }
0x76: {  	_ =	shalt  }
0x77: {  	_ =	shalt  }
0x78: {  	_ =	shalt  }
0x79: {  	_ =	shalt  }
0x7a: {  	_ =	shalt  }
0x7b: {  	_ =	shalt  }
0x7c: {  	_ =	shalt  }
0x7d: {  	_ =	shalt  }
0x7e: {  	_ =	shalt  }
0x7f: {  	_ =	shalt  }
0x80: {  	_ =	shalt  }
0x81: {  	_ =	shalt  }
0x82: {  	_ =	shalt  }
0x83: {  	_ =	shalt  }
0x84: {  	_ =	shalt  }
0x85: {  	_ =	shalt  }
0x86: {  	_ =	shalt  }
0x87: {  	_ =	shalt  }
.Lfunc_end0:
.L_simem_size_0:
called_computation.1_lowered:
.L_overlay_start_0:
0x88: {  	s2 =	sld [smem:$0x3FD9]  }
0x89: {  	s3 =	sld [smem:$0x3FFE];
	_ =	sdelay $0x1  }
0x8a: {  	s1 =	srdreg.scid  }
0x8b: {  	s0 =	sand.u32 $0x1, s1  }
0x8c: {  	s16 =	sshll.u32 s0, $0xA;
	s2 =	sadd.s32 s3, s2  }
0x8d: {  	s2 =	sadd.s32 s2, s16  }
0x8e: {  	[smem:$0x3FB3] =	sst s2  }
0x8f: {  	_ = 	snop  }
0x90: {  	(tm) =	ssettm $0x1  }
0x91: {  	s17 =	sld [smem:$0x3FFB];
	_ =	sdelay $0x3  }
0x92: {  	_ =	strace s17  }
0x93: {  	s2 =	sld [smem:$0x3FFC];
	_ =	sdelay $0x3  }
0x94: {  	_ =	strace s2  }
0x95: {  	s2 =	sld [smem:$0x3FFD];
	_ =	sdelay $0x3  }
0x96: {  	_ =	strace s2  }
0x97: {  	_ =	strace $0x8FFFFFFF  }
0x98: {  	s18 =	sld [smem:$0x3FDB];
	_ =	sdelay $0x1  }
0x99: {  	s19 =	simm.s32 $_scs_section_size  }
0x9a: {  	s4 =	simm.s32 $_size__tile_overlayer_lowered;
	s5 =	simm.s32 $_tile_overlayer_lowered  }
0x9b: {  	s22 =	simm.s32 $0x1BFF;
	s21 =	sshll.u32 s5, $0x1;
	s2 =	sadd.s32 s19, s18  }
0x9c: {  	s6 =	simm.s32 $0x0;
	s20 =	sshll.u32 s4, $0x1;
	s4 =	sadd.s32 s21, s2  }
0x9d: {  	[timem:s6], [sflag:s22] =	dma.local [hbm:s4], s20  }
0x9e: {  	_ =	swait.ge [sflag:s22], s20  }
0x9f: {  	s3 =	ssub.s32 $0x0, s20;
	[sflag:s22] =	ssyncset.done $0x0  }
0xa0: {  	[sflag:s22] =	ssyncadd.s32 s3;
	_ =	sdelay $0x1  }
0xa1: {  	s23 =	simm.s32 $0x1B8B  }
0xa2: {  	_ =	swait.ge [sflag:s23], $0x1  }
0xa3: {  	[sflag:s23] =	ssyncset.done $0x0  }
0xa4: {  	s25 =	simm.s32 $0x1B8E;
	s24 =	sld [smem:$0x3FFE];
	[sflag:s23] =	ssyncadd.s32 $0xFFFFFFFF  }
0xa5: {  	s26 =	simm.s32 $execute0_lowered;
	[smem:$0x3FD2] =	sst s25  }
0xa6: {  	s4 =	sshll.u32 s26, $0x1;
	_ =	strace $0x80000049;
	[dreg:$0x1] =	wrdreg $0xFFFFFFFF  }
0xa7: {  	s28 =	simm.s32 $_size_execute0_lowered;
	s2 =	sadd.s32 s2, s4;
	[dreg:$0x0] =	wrdreg $0x0  }
0xa8: {  	s4 =	sshll.u32 s28, $0x1;
	[dreg:$0x2] =	wrdreg s2  }
0xa9: {  	[dreg:$0x3] =	wrdreg s4  }
0xaa: {  	[dreg:$0x4] =	wrdreg $0xC0  }
0xab: {  	_ =	task [dreg:s6], $0x5FFFF  }
0xac: {  	[dreg:$0x1] =	wrdreg $0xFFFFFFFF  }
0xad: {  	[dreg:$0x0] =	wrdreg $0x60  }
0xae: {  	[dreg:$0x2] =	wrdreg s24  }
0xaf: {  	[dreg:$0x3] =	wrdreg $0x90000  }
0xb0: {  	[dreg:$0x4] =	wrdreg $0x9  }
0xb1: {  	_ =	task.clear_ibuf [dreg:s6], $0x5FFFF;
	_ =	strace $0x90000049  }
0xb2: {  	s29 =	simm.s32 $0x9;
	_ =	strace $0x8000004B  }
0xb3: {  	_ =	swait.ge [sflag:s29], $0x1  }
0xb4: {  	[sflag:s29] =	ssyncadd.s32 $0xFFFFFFFF  }
0xb5: {  	_ =	strace $0x9000004B  }
0xb6: {  	_ =	sfence  }
0xb7: {  	s30 =	sld [smem:$0x0];
	_ =	sdelay $0x2  }
0xb8: {  	s31 =	sshll.u32 s1, $0xD;
	s1 =	sshrl.u32 s1, $0x2  }
0xb9: {  	s3 =	sand.u32 $0x4000, s31;
	s1 =	sadd.s32 s1, s30  }
0xba: {  	s0 =	sor.u32 s3, s0;
	s1 =	sshll.u32 s1, $0x11  }
0xbb: {  	s0 =	sor.u32 s1, s0  }
0xbc: {  	s0 =	sadd.s32 $0x8F2B, s0  }
0xbd: {  	[sflag:s0] =	ssyncadd.remote.s32 $0x1  }
0xbe: {  	_ =	sfence.sel $0xFFFF  }
0xbf: {  	[dreg:$0x0] =	wrdreg $0xFFFFFFFF;
	(pc) =	sbr.abs _section_cstart, $3  }
0xc0: {  	[dreg:$0x1] =	wrdreg $0xFFFFFFFF  }
0xc1: {  	_ =	task.clear_ibuf [dreg:s6], $0x2FFFF;
	_ =	strace $0x9FFFFFFF  }
0xc2: {  	(tm) =	ssettm $0x7FFFFFFF  }
0xc3: {  	_ =	shalt  }
tec
execute0_lowered:
.L_overlay_start_1:
0x0: {  	(tag) =	ssettag $0x1  }
0x1: {  	s4 =	rddreg [dreg:$0x0]  }
0x2: {  	s2 =	rddreg [dreg:$0x1]  }
0x3: {  	s0 =	rddreg [dreg:$0x2]  }
0x4: {  	s5 =	srdreg.scid;
	s3 =	simm.s32 $0x0;
	s1 =	stileid.u32  }
0x5: {  	s19 =	simm.s32 $0x6800;
	s20 =	simm.s32 $0x1;
	s21 =	simm.s32 $0x50  }
0x6: {  	s22 =	simm.s32 $0x2;
	s23 =	simm.s32 $0x3E00;
	s7 =	smul.u32 $0x14000, s1  }
0x7: {  	s24 =	simm.s32 $0x0;
	s14 =	sand.u32 $0x1, s5;
	s9 =	smul.u32 $0x50000, s1  }
0x8: {  	[smem:$0x7FF] =	sst s3;
	s16 =	sadd.s32 $0xA13A00, s4;
	s17 =	smul.u32 $0x4E200, s1  }
0x9: {  	s28 =	sshll.u32 s1, $0x1;
	s6 =	smul.u32 $0x140000, s14;
	_ =	strace $0x8000004A  }
0xa: {  	s5 =	sor.u32 s14, s28;
	s29 =	ssub.s32 $0x2, s14;
	s18 =	smul.u32 $0x27100, s14  }
0xb: {  	s8 =	sshll.u32 s5, $0xB;
	s5 =	smul.u32 $0x138800, s5;
	s30 =	sshrl.u32 s29, $0x1  }
0xc: {  	s31 =	sshrl.u32 s9, $0x2;
	s8 =	sadd.s32 s8, s4;
	s6 =	sadd.s32 s7, s6  }
0xd: {  	s11 =	ssub.s32 s29, s30;
	s6 =	sshrl.u32 s6, $0x3;
	s5 =	sshrl.u32 s5, $0x3  }
0xe: {  	s10 =	sadd.s32 s6, s4;
	s5 =	sadd.s32 s16, s5;
	s4 =	sadd.s32 $0x18800, s8  }
0xf: {  	s6 =	sadd.s32 s31, s2;
	s8 =	smax.u32 s11, $0x1;
	s16 =	sadd.s32 s17, s16  }
0x10: {  	s17 =	simm.s32 $0x4000;
	s5 =	sadd.s32 $0x26C00, s5;
	s7 =	sadd.s32 $0x28800, s10  }
0x11: {  	s9 =	sadd.s32 $0x2800, s6;
	s10 =	sadd.s32 $0x5000, s6;
	s11 =	sadd.s32 $0x7800, s6  }
0x12: {  	s12 =	sadd.s32 $0xA000, s6;
	s13 =	sadd.s32 $0xC800, s6;
	s14 =	sadd.s32 $0xF000, s6  }
0x13: {  	v0 =	vimm.f32 $0.0e+00;
	s15 =	sadd.s32 $0x11800, s6;
	s16 =	sadd.s32 s18, s16;
	s18 =	simm.s32 $0x3  }
.LBB2_1:
0x14: {  	s25 =	simm.s32 $0x0;
	s26 =	simm.s32 $0x200  }
.LBB2_2:
0x15: {  	p0 =	sne.s32 s26, $0x9E00;
	[tilespmem:s25+$0x4070] =	vst v0  }
0x16: {  	[tilespmem:s25+$0x4000] =	vst v0  }
0x17: {  	[tilespmem:s25+$0x4010] =	vst v0  }
.Ltmp0:
0x18: {  	[tilespmem:s25+$0x4020] =	vst v0;
	(pc) =	sbr.rel @p0 .LBB2_2-.Ltmp0, $4  }
0x19: {  	[tilespmem:s25+$0x4030] =	vst v0  }
0x1a: {  	[tilespmem:s25+$0x4040] =	vst v0  }
0x1b: {  	[tilespmem:s25+$0x4050] =	vst v0  }
0x1c: {  	[tilespmem:s25+$0x4060] =	vst v0;
	s25 =	sshra.s32 s26, $0x2;
	s26 =	sadd.s32 $0x200, s26  }
0x1d: {  	[tilespmem:s25+$0x4070] =	vst v0  }
0x1e: {  	[tilespmem:s25+$0x4000] =	vst v0  }
0x1f: {  	[tilespmem:s25+$0x4010] =	vst v0  }
0x20: {  	[tilespmem:s25+$0x4020] =	vst v0  }
0x21: {  	[tilespmem:s25+$0x4030] =	vst v0  }
0x22: {  	[tilespmem:s25+$0x4040] =	vst v0  }
0x23: {  	[tilespmem:s25+$0x4050] =	vst v0  }
0x24: {  	[tilespmem:s25+$0x4060] =	vst v0  }
0x25: {  	[spmem:s6] =	stream.linear.scatter [tilespmem:s17], [sflag:$0x3], $0x2800, $0x38;
	[tilespmem:$0x1D000] =	vst v63  }
0x26: {  	_ =	swait.ge [sflag:s18], $0x2800  }
0x27: {  	[sflag:s18] =	ssyncset.done $0x0  }
0x28: {  	[sflag:s18] =	ssyncadd.s32 $0xFFFFD800  }
0x29: {  	[spmem:s9] =	stream.linear.scatter [tilespmem:s17], [sflag:$0x3], $0x2800, $0x38;
	[tilespmem:$0x1D000] =	vst v63  }
0x2a: {  	_ =	swait.ge [sflag:s18], $0x2800  }
0x2b: {  	[sflag:s18] =	ssyncset.done $0x0  }
0x2c: {  	[sflag:s18] =	ssyncadd.s32 $0xFFFFD800  }
0x2d: {  	[spmem:s10] =	stream.linear.scatter [tilespmem:s17], [sflag:$0x3], $0x2800, $0x38;
	[tilespmem:$0x1D000] =	vst v63  }
0x2e: {  	_ =	swait.ge [sflag:s18], $0x2800  }
0x2f: {  	[sflag:s18] =	ssyncset.done $0x0  }
0x30: {  	[sflag:s18] =	ssyncadd.s32 $0xFFFFD800  }
0x31: {  	[spmem:s11] =	stream.linear.scatter [tilespmem:s17], [sflag:$0x3], $0x2800, $0x38;
	[tilespmem:$0x1D000] =	vst v63  }
0x32: {  	_ =	swait.ge [sflag:s18], $0x2800  }
0x33: {  	[sflag:s18] =	ssyncset.done $0x0  }
0x34: {  	[sflag:s18] =	ssyncadd.s32 $0xFFFFD800  }
0x35: {  	[spmem:s12] =	stream.linear.scatter [tilespmem:s17], [sflag:$0x3], $0x2800, $0x38;
	[tilespmem:$0x1D000] =	vst v63  }
0x36: {  	_ =	swait.ge [sflag:s18], $0x2800  }
0x37: {  	[sflag:s18] =	ssyncset.done $0x0  }
0x38: {  	[sflag:s18] =	ssyncadd.s32 $0xFFFFD800  }
0x39: {  	[spmem:s13] =	stream.linear.scatter [tilespmem:s17], [sflag:$0x3], $0x2800, $0x38;
	[tilespmem:$0x1D000] =	vst v63  }
0x3a: {  	_ =	swait.ge [sflag:s18], $0x2800  }
0x3b: {  	[sflag:s18] =	ssyncset.done $0x0  }
0x3c: {  	[sflag:s18] =	ssyncadd.s32 $0xFFFFD800  }
0x3d: {  	[spmem:s14] =	stream.linear.scatter [tilespmem:s17], [sflag:$0x3], $0x2800, $0x38;
	[tilespmem:$0x1D000] =	vst v63  }
0x3e: {  	_ =	swait.ge [sflag:s18], $0x2800  }
0x3f: {  	[sflag:s18] =	ssyncset.done $0x0  }
0x40: {  	[sflag:s18] =	ssyncadd.s32 $0xFFFFD800  }
0x41: {  	[spmem:s15] =	stream.linear.scatter [tilespmem:s17], [sflag:$0x3], $0x2800, $0x38;
	[tilespmem:$0x1D000] =	vst v63  }
0x42: {  	_ =	swait.ge [sflag:s18], $0x2800  }
0x43: {  	[sflag:s18] =	ssyncset.done $0x0  }
0x44: {  	[sflag:s18] =	ssyncadd.s32 $0xFFFFD800  }
0x45: {  	s28 =	simm.s32 $0x0;
	[bflag:$0x0] =	sbarrier.arrive $0xFFFF  }
0x46: {  	[tilespmem:s28], [sflag:$0x3] =	stream.linear.gather [hbm4b:s4+s28], $0x3E80, $0x38;
	[tilespmem:$0x1D000] =	vst v63  }
0x47: {  	_ =	swait.ge [sflag:s18], $0x3E80  }
0x48: {  	[sflag:s18] =	ssyncset.done $0x0  }
0x49: {  	[sflag:s18] =	ssyncadd.s32 $0xFFFFC180  }
0x4a: {  	[tilespmem:s17], [sflag:$0x1] =	stream.linear.gather [hbm4b:s16+s3], $0x2800, $0x38;
	[tilespmem:$0x1D000] =	vst v63  }
0x4b: {  	s29 =	sadd.s32 $0x500, s16  }
0x4c: {  	[tilespmem:s19], [sflag:$0x2] =	stream.linear.gather [hbm4b:s29+s3], $0x2800, $0x38;
	[tilespmem:$0x1D000] =	vst v63  }
0x4d: {  	_ =	swait.ge [sflag:s20], $0x2800  }
0x4e: {  	[sflag:s20] =	ssyncset.done $0x0  }
0x4f: {  	s30 =	simm.s32 $0x0;
	[sflag:s20] =	ssyncadd.s32 $0xFFFFD800  }
0x50: {  	[spmem:s2] =	stream.indirect.scatter.add.f32 [tilespmem:s17], [sflag:$0x3], $0x80, s30, s21, $0xb8;
	[tilespmem:$0x1D000] =	vst v63  }
0x51: {  	_ =	swait.ge [sflag:s18], $0x2800  }
0x52: {  	[sflag:s18] =	ssyncset.done $0x0  }
0x53: {  	[sflag:s18] =	ssyncadd.s32 $0xFFFFD800  }
0x54: {  	_ =	swait.ge [sflag:s22], $0x2800  }
0x55: {  	[sflag:s22] =	ssyncset.done $0x0  }
0x56: {  	s31 =	simm.s32 $0x80;
	[sflag:s22] =	ssyncadd.s32 $0xFFFFD800  }
0x57: {  	[spmem:s2] =	stream.indirect.scatter.add.f32 [tilespmem:s19], [sflag:$0x3], $0x80, s31, s21, $0xb8;
	[tilespmem:$0x1D000] =	vst v63  }
0x58: {  	_ =	swait.ge [sflag:s18], $0x2800  }
0x59: {  	s25 =	simm.s32 $0x400;
	s26 =	smov.u32 s16;
	[sflag:s18] =	ssyncset.done $0x0  }
.LBB2_4:
0x5a: {  	p0 =	sne.s32 s25, $0xF400;
	[sflag:s18] =	ssyncadd.s32 $0xFFFFD800;
	s26 =	sadd.s32 $0xA00, s26  }
0x5b: {  	[tilespmem:s17], [sflag:$0x1] =	stream.linear.gather [hbm4b:s26+s3], $0x2800, $0x38;
	[tilespmem:$0x1D000] =	vst v63  }
0x5c: {  	s29 =	smov.u32 s25;
	s25 =	sadd.s32 $0x400, s25;
	s28 =	sadd.s32 $0x500, s26  }
0x5d: {  	[tilespmem:s19], [sflag:$0x2] =	stream.linear.gather [hbm4b:s28+s3], $0x2800, $0x38;
	[tilespmem:$0x1D000] =	vst v63  }
0x5e: {  	_ =	swait.ge [sflag:s20], $0x2800  }
0x5f: {  	[sflag:s20] =	ssyncset.done $0x0  }
0x60: {  	s28 =	sshra.s32 s29, $0x2;
	[sflag:s20] =	ssyncadd.s32 $0xFFFFD800  }
0x61: {  	[spmem:s2] =	stream.indirect.scatter.add.f32 [tilespmem:s17], [sflag:$0x3], $0x80, s28, s21, $0xb8;
	[tilespmem:$0x1D000] =	vst v63  }
0x62: {  	_ =	swait.ge [sflag:s18], $0x2800  }
0x63: {  	[sflag:s18] =	ssyncset.done $0x0  }
0x64: {  	[sflag:s18] =	ssyncadd.s32 $0xFFFFD800  }
0x65: {  	_ =	swait.ge [sflag:s22], $0x2800  }
.Ltmp1:
0x66: {  	[sflag:s22] =	ssyncset.done $0x0;
	(pc) =	sbr.rel @p0 .LBB2_4-.Ltmp1, $4  }
0x67: {  	s28 =	sadd.s32 $0x80, s28;
	[sflag:s22] =	ssyncadd.s32 $0xFFFFD800  }
0x68: {  	[spmem:s2] =	stream.indirect.scatter.add.f32 [tilespmem:s19], [sflag:$0x3], $0x80, s28, s21, $0xb8;
	[tilespmem:$0x1D000] =	vst v63  }
0x69: {  	_ =	swait.ge [sflag:s18], $0x2800  }
0x6a: {  	[sflag:s18] =	ssyncset.done $0x0  }
0x6b: {  	[sflag:s18] =	ssyncadd.s32 $0xFFFFD800  }
0x6c: {  	[tilespmem:s17], [sflag:$0x1] =	stream.linear.gather [hbm4b:s5+s3], $0x2800, $0x38;
	[tilespmem:$0x1D000] =	vst v63  }
0x6d: {  	_ =	swait.ge [sflag:s20], $0x2800  }
0x6e: {  	[sflag:s20] =	ssyncset.done $0x0  }
0x6f: {  	[sflag:s20] =	ssyncadd.s32 $0xFFFFD800  }
0x70: {  	[spmem:s2] =	stream.indirect.scatter.add.f32 [tilespmem:s17], [sflag:$0x3], $0x80, s23, s21, $0xb8;
	[tilespmem:$0x1D000] =	vst v63  }
0x71: {  	_ =	swait.ge [sflag:s18], $0x2800  }
0x72: {  	s25 =	sshll.u32 s1, $0x6;
	s24 =	sadd.s32 $0x1, s24;
	[sflag:s18] =	ssyncset.done $0x0  }
0x73: {  	s26 =	sshrl.u32 s6, $0x3;
	p0 =	sne.s32 s24, s8;
	[sflag:s18] =	ssyncadd.s32 $0xFFFFD800  }
.Ltmp2:
0x74: {  	s25 =	sor.u32 $0x1C03, s25;
	[bflag:$0x0] =	sbarrier.arrive $0xFFFF;
	(pc) =	sbr.rel @p0 .LBB2_1-.Ltmp2, $4  }
0x75: {  	[hbm:s7], [sflag:s25] =	dma.local [spmem:s26], $0x2800  }
0x76: {  	_ =	swait.ge [sflag:s18], $0x2800  }
0x77: {  	[sflag:s18] =	ssyncset.done $0x0  }
0x78: {  	[sflag:s18] =	ssyncadd.s32 $0xFFFFD800  }
0x79: {  	_ =	sfence.sel $0x180000  }
0x7a: {  	[bflag:$0x0] =	sbarrier.arrive $0xFFFF  }
0x7b: {  	p0 =	sne.s32 s1, $0x0;
	_ =	strace $0x9000004A  }
0x7c: {  	s0 =	sadd.s32 @!p0 $0x100000, s0;
	[bflag:$0x2] =	sbarrier.arrive $0xFFFF  }
0x7d: {  	[sflag:s0] =	ssyncadd.tile.s32 @!p0 $0x1;
	_ =	shalt  }
.Lfunc_end2:
_tile_overlayer_lowered:
.L_overlay_start_2:
0x7e: {  	(tag) =	ssettag $0x2  }
0x7f: {  	s0 =	rddreg [dreg:$0x0];
	s2 =	stileid.u32  }
0x80: {  	s1 =	rddreg [dreg:$0x1];
	p0 =	sne.s32 s2, $0x0  }
0x81: {  	s3 =	rddreg [dreg:$0x2];
	[bflag:$0x3] =	sbarrier.arrive $0xFFFF;
	s2 =	simm.s32 @!p0 $0x1C03  }
0x82: {  	[timem:s3], [sflag:s2] =	dma.local @!p0 [hbm:s0], s1  }
0x83: {  	s0 =	simm.s32 @!p0 $0x3  }
0x84: {  	_ =	swait.ge @!p0 [sflag:s0], s1  }
0x85: {  	s1 =	ssub.s32 @!p0 $0x0, s1;
	[sflag:s0] =	ssyncset.done @!p0 $0x0  }
0x86: {  	[sflag:s0] =	ssyncadd.s32 @!p0 s1  }
0x87: {  	[bflag:$0x3] =	sbarrier.arrive $0xFFFF  }
0x88: {  	_ =	shalt  }

// kernel: kernel.16.cloned.1.call-start
scs
__scs_entry_jumppad:
0x0: {  	(pc) =	sbr.rel $0x88, $3  }
0x1: {  	(tag) =	ssettag $0x0;
	lr =	simm.s32 $0x1  }
0x2: {  	[smem:$0x3F8C] =	sst lr;
	_ =	strace $0xD0000000  }
0x3: {  	_ = 	snop  }
0x4: {  	_ = 	snop  }
0x5: {  	_ = 	snop  }
0x6: {  	_ = 	snop  }
0x7: {  	_ = 	snop  }
__scs_overlays_trampoline_lowered:
0x8: {  	[smem:$0x3F9B] =	sst s0  }
0x9: {  	[smem:$0x3F9C] =	sst s1  }
0xa: {  	[smem:$0x3F9D] =	sst s2  }
0xb: {  	[smem:$0x3F9E] =	sst s3  }
0xc: {  	[smem:$0x3F9F] =	sst s4  }
0xd: {  	[smem:$0x3FA0] =	sst s5  }
0xe: {  	[smem:$0x3FA1] =	sst s6  }
0xf: {  	[smem:$0x3FA2] =	sst s7  }
0x10: {  	[smem:$0x3FA3] =	sst s8  }
0x11: {  	[smem:$0x3FA4] =	sst s9;
	s0 =	simm.s32 @!p0 $0x0  }
0x12: {  	s1 =	sld [smem:$0x3F8A];
	s0 =	simm.s32 @p0 $0x1  }
0x13: {  	[smem:$0x3FA5] =	sst s0;
	s0 =	simm.s32 @!p1 $0x0  }
0x14: {  	s2 =	sld [smem:$0x3F89];
	s0 =	simm.s32 @p1 $0x1  }
0x15: {  	[smem:$0x3FA6] =	sst s0;
	s0 =	simm.s32 @!p2 $0x0  }
0x16: {  	s3 =	sld [smem:$0x3FDB];
	s0 =	simm.s32 @p2 $0x1  }
0x17: {  	s4 =	simm.s32 $0x1BF5;
	[smem:$0x3FA8] =	sst s0  }
0x18: {  	s0 =	sld [smem:$0x3F8B];
	_ =	swait.ge [sflag:s4], $0x0  }
0x19: {  	s7 =	sld [smem:$0x3F8C]  }
0x1a: {  	s8 =	sadd.s32 $0xFFFFE003, lr  }
0x1b: {  	s9 =	sadd.s32 $0xFFFFFEF7, lr;
	s5 =	simm.s32 $0xFFFFFFFF;
	p2 =	slt.u32 s8, $0xFFFFF086  }
0x1c: {  	p1 =	slt.u32 s9, $0xF7A;
	s5 =	simm.s32 @!p2 $0x0  }
0x1d: {  	s5 =	simm.s32 @p1 $0x1;
	p0 =	seq.s32 s7, s2  }
0x1e: {  	s7 =	smul.u32 @!p0 $0xF7A, s2;
	p2 =	seq.s32 @!p0 s5, $0x0  }
0x1f: {  	s9 =	smul.u32 $0xF7A, s1;
	s8 =	simm.s32 @!p0 $0x1BF5;
	p2 =	por !p2, p0  }
0x20: {  	[sflag:s8] =	ssyncset.s32 @!p0 $0xFFFFF086;
	s6 =	sadd.s32 @!p0 s3, s7;
	s7 =	simm.s32 @!p0 $0x108  }
0x21: {  	s3 =	sadd.s32 s3, s9;
	s6 =	sadd.s32 @!p0 $0x88, s6;
	s7 =	simm.s32 @p2 $0x1082  }
0x22: {  	[simem:s7], [sflag:s8] =	dma.local @!p0 [hbm:s6], $0xF7A  }
0x23: {  	s9 =	sor.u32 $0xD0000000, s2;
	s6 =	simm.s32 $0x108;
	_ =	swait.ge @!p0 [sflag:s8], $0x0  }
0x24: {  	s3 =	sadd.s32 $0x88, s3;
	s6 =	simm.s32 @!p1 $0x1082;
	[sflag:s4] =	ssyncset.s32 $0xFFFFF086  }
0x25: {  	[simem:s6], [sflag:s4] =	dma.local [hbm:s3], $0xF7A  }
0x26: {  	[smem:$0x3F8C] =	sst s1;
	(tag) =	ssettag s2;
	_ =	strace s9  }
0x27: {  	s1 =	sld [smem:$0x3F9C]  }
0x28: {  	s2 =	sld [smem:$0x3F9D]  }
0x29: {  	s4 =	sld [smem:$0x3F9F]  }
0x2a: {  	p0 =	seq.s32 s5, $0x0;
	s5 =	sld [smem:$0x3FA0]  }
0x2b: {  	s6 =	sld [smem:$0x3FA1]  }
0x2c: {  	s7 =	sld [smem:$0x3FA2]  }
0x2d: {  	s3 =	simm.s32 $0x108;
	s8 =	sld [smem:$0x3FA3]  }
0x2e: {  	s3 =	simm.s32 @!p0 $0x1082;
	s9 =	sld [smem:$0x3FA4]  }
0x2f: {  	lr =	sadd.s32 s0, s3;
	s0 =	sld [smem:$0x3F9B]  }
0x30: {  	s3 =	sld [smem:$0x3F9E]  }
0x31: {  	[smem:$0x3FA7] =	sst s10  }
0x32: {  	s10 =	sld [smem:$0x3FA5];
	_ =	sdelay $0x3  }
0x33: {  	p0 =	seq.s32 s10, $0x1;
	s10 =	sld [smem:$0x3FA7];
	_ =	sdelay $0x3  }
0x34: {  	[smem:$0x3FA7] =	sst s10  }
0x35: {  	s10 =	sld [smem:$0x3FA6];
	_ =	sdelay $0x3  }
0x36: {  	p1 =	seq.s32 s10, $0x1;
	s10 =	sld [smem:$0x3FA7];
	_ =	sdelay $0x3  }
0x37: {  	[smem:$0x3FA7] =	sst s10  }
0x38: {  	s10 =	sld [smem:$0x3FA8]  }
0x39: {  	_ = 	snop;
	(pc) =	sbr.ind lr, $3  }
0x3a: {  	_ = 	snop  }
0x3b: {  	_ = 	snop  }
0x3c: {  	p2 =	seq.s32 s10, $0x1;
	s10 =	sld [smem:$0x3FA7]  }
0x3d: {  	_ =	shalt  }
0x3e: {  	_ =	shalt  }
0x3f: {  	_ =	shalt  }
0x40: {  	_ =	shalt  }
0x41: {  	_ =	shalt  }
0x42: {  	_ =	shalt  }
0x43: {  	_ =	shalt  }
0x44: {  	_ =	shalt  }
0x45: {  	_ =	shalt  }
0x46: {  	_ =	shalt  }
0x47: {  	_ =	shalt  }
0x48: {  	_ =	shalt  }
0x49: {  	_ =	shalt  }
0x4a: {  	_ =	shalt  }
0x4b: {  	_ =	shalt  }
0x4c: {  	_ =	shalt  }
0x4d: {  	_ =	shalt  }
0x4e: {  	_ =	shalt  }
0x4f: {  	_ =	shalt  }
0x50: {  	_ =	shalt  }
0x51: {  	_ =	shalt  }
0x52: {  	_ =	shalt  }
0x53: {  	_ =	shalt  }
0x54: {  	_ =	shalt  }
0x55: {  	_ =	shalt  }
0x56: {  	_ =	shalt  }
0x57: {  	_ =	shalt  }
0x58: {  	_ =	shalt  }
0x59: {  	_ =	shalt  }
0x5a: {  	_ =	shalt  }
0x5b: {  	_ =	shalt  }
0x5c: {  	_ =	shalt  }
0x5d: {  	_ =	shalt  }
0x5e: {  	_ =	shalt  }
0x5f: {  	_ =	shalt  }
0x60: {  	_ =	shalt  }
0x61: {  	_ =	shalt  }
0x62: {  	_ =	shalt  }
0x63: {  	_ =	shalt  }
0x64: {  	_ =	shalt  }
0x65: {  	_ =	shalt  }
0x66: {  	_ =	shalt  }
0x67: {  	_ =	shalt  }
0x68: {  	_ =	shalt  }
0x69: {  	_ =	shalt  }
0x6a: {  	_ =	shalt  }
0x6b: {  	_ =	shalt  }
0x6c: {  	_ =	shalt  }
0x6d: {  	_ =	shalt  }
0x6e: {  	_ =	shalt  }
0x6f: {  	_ =	shalt  }
0x70: {  	_ =	shalt  }
0x71: {  	_ =	shalt  }
0x72: {  	_ =	shalt  }
0x73: {  	_ =	shalt  }
0x74: {  	_ =	shalt  }
0x75: {  	_ =	shalt  }
0x76: {  	_ =	shalt  }
0x77: {  	_ =	shalt  }
0x78: {  	_ =	shalt  }
0x79: {  	_ =	shalt  }
0x7a: {  	_ =	shalt  }
0x7b: {  	_ =	shalt  }
0x7c: {  	_ =	shalt  }
0x7d: {  	_ =	shalt  }
0x7e: {  	_ =	shalt  }
0x7f: {  	_ =	shalt  }
0x80: {  	_ =	shalt  }
0x81: {  	_ =	shalt  }
0x82: {  	_ =	shalt  }
0x83: {  	_ =	shalt  }
0x84: {  	_ =	shalt  }
0x85: {  	_ =	shalt  }
0x86: {  	_ =	shalt  }
0x87: {  	_ =	shalt  }
.Lfunc_end0:
.L_simem_size_0:
called_computation.2_lowered:
.L_overlay_start_0:
0x88: {  	s2 =	sld [smem:$0x3FD9]  }
0x89: {  	s3 =	sld [smem:$0x3FFE];
	_ =	sdelay $0x1  }
0x8a: {  	s1 =	srdreg.scid  }
0x8b: {  	s0 =	sand.u32 $0x1, s1  }
0x8c: {  	s16 =	sshll.u32 s0, $0xA;
	s2 =	sadd.s32 s3, s2  }
0x8d: {  	s2 =	sadd.s32 s2, s16  }
0x8e: {  	[smem:$0x3FB3] =	sst s2  }
0x8f: {  	_ = 	snop  }
0x90: {  	(tm) =	ssettm $0x1  }
0x91: {  	s17 =	sld [smem:$0x3FFB];
	_ =	sdelay $0x3  }
0x92: {  	_ =	strace s17  }
0x93: {  	s2 =	sld [smem:$0x3FFC];
	_ =	sdelay $0x3  }
0x94: {  	_ =	strace s2  }
0x95: {  	s2 =	sld [smem:$0x3FFD];
	_ =	sdelay $0x3  }
0x96: {  	_ =	strace s2  }
0x97: {  	_ =	strace $0x8FFFFFFF  }
0x98: {  	s18 =	sld [smem:$0x3FDB];
	_ =	sdelay $0x1  }
0x99: {  	s19 =	simm.s32 $_scs_section_size  }
0x9a: {  	s4 =	simm.s32 $_size__tile_overlayer_lowered;
	s5 =	simm.s32 $_tile_overlayer_lowered  }
0x9b: {  	s22 =	simm.s32 $0x1BFF;
	s21 =	sshll.u32 s5, $0x1;
	s2 =	sadd.s32 s19, s18  }
0x9c: {  	s6 =	simm.s32 $0x0;
	s20 =	sshll.u32 s4, $0x1;
	s4 =	sadd.s32 s21, s2  }
0x9d: {  	[timem:s6], [sflag:s22] =	dma.local [hbm:s4], s20  }
0x9e: {  	_ =	swait.ge [sflag:s22], s20  }
0x9f: {  	s3 =	ssub.s32 $0x0, s20;
	[sflag:s22] =	ssyncset.done $0x0  }
0xa0: {  	[sflag:s22] =	ssyncadd.s32 s3;
	_ =	sdelay $0x1  }
0xa1: {  	s23 =	simm.s32 $0x1B8B  }
0xa2: {  	_ =	swait.ge [sflag:s23], $0x1  }
0xa3: {  	[sflag:s23] =	ssyncset.done $0x0  }
0xa4: {  	s25 =	simm.s32 $0x1B8E;
	s24 =	sld [smem:$0x3FFE];
	[sflag:s23] =	ssyncadd.s32 $0xFFFFFFFF  }
0xa5: {  	s26 =	simm.s32 $execute0_lowered;
	[smem:$0x3FD2] =	sst s25  }
0xa6: {  	s4 =	sshll.u32 s26, $0x1;
	_ =	strace $0x8000004C;
	[dreg:$0x1] =	wrdreg $0xFFFFFFFF  }
0xa7: {  	s28 =	simm.s32 $_size_execute0_lowered;
	s2 =	sadd.s32 s2, s4;
	[dreg:$0x0] =	wrdreg $0x0  }
0xa8: {  	s4 =	sshll.u32 s28, $0x1;
	[dreg:$0x2] =	wrdreg s2  }
0xa9: {  	[dreg:$0x3] =	wrdreg s4  }
0xaa: {  	[dreg:$0x4] =	wrdreg $0xC0  }
0xab: {  	_ =	task [dreg:s6], $0x5FFFF  }
0xac: {  	[dreg:$0x1] =	wrdreg $0xFFFFFFFF  }
0xad: {  	[dreg:$0x0] =	wrdreg $0x60  }
0xae: {  	[dreg:$0x2] =	wrdreg s24  }
0xaf: {  	[dreg:$0x3] =	wrdreg $0x88000  }
0xb0: {  	[dreg:$0x4] =	wrdreg $0x9  }
0xb1: {  	_ =	task.clear_ibuf [dreg:s6], $0x5FFFF;
	_ =	strace $0x9000004C  }
0xb2: {  	s29 =	simm.s32 $0x9;
	_ =	strace $0x8000004E  }
0xb3: {  	_ =	swait.ge [sflag:s29], $0x1  }
0xb4: {  	[sflag:s29] =	ssyncadd.s32 $0xFFFFFFFF  }
0xb5: {  	_ =	strace $0x9000004E  }
0xb6: {  	_ =	sfence  }
0xb7: {  	s30 =	sld [smem:$0x0];
	_ =	sdelay $0x2  }
0xb8: {  	s31 =	sshll.u32 s1, $0xD;
	s1 =	sshrl.u32 s1, $0x2  }
0xb9: {  	s3 =	sand.u32 $0x4000, s31;
	s1 =	sadd.s32 s1, s30  }
0xba: {  	s0 =	sor.u32 s3, s0;
	s1 =	sshll.u32 s1, $0x11  }
0xbb: {  	s0 =	sor.u32 s1, s0  }
0xbc: {  	s0 =	sadd.s32 $0x8F2B, s0  }
0xbd: {  	[sflag:s0] =	ssyncadd.remote.s32 $0x1  }
0xbe: {  	_ =	sfence.sel $0xFFFF  }
0xbf: {  	[dreg:$0x0] =	wrdreg $0xFFFFFFFF;
	(pc) =	sbr.abs _section_cstart, $3  }
0xc0: {  	[dreg:$0x1] =	wrdreg $0xFFFFFFFF  }
0xc1: {  	_ =	task.clear_ibuf [dreg:s6], $0x2FFFF;
	_ =	strace $0x9FFFFFFF  }
0xc2: {  	(tm) =	ssettm $0x7FFFFFFF  }
0xc3: {  	_ =	shalt  }
tec
execute0_lowered:
.L_overlay_start_1:
0x0: {  	(tag) =	ssettag $0x1  }
0x1: {  	s0 =	rddreg [dreg:$0x0]  }
0x2: {  	s1 =	rddreg [dreg:$0x1];
	s3 =	simm.s32 $0x0;
	s2 =	srdreg.scid  }
0x3: {  	s11 =	stileid.u32;
	s30 =	simm.s32 $0x3800;
	s2 =	sand.u32 $0x1, s2  }
0x4: {  	s31 =	simm.s32 $0x7;
	s26 =	smul.u32 $0x50000, s11;
	s10 =	ssub.s32 $0x2, s2  }
0x5: {  	[smem:$0x7FF] =	sst s3;
	s9 =	smul.u32 $0x14000, s11;
	s12 =	sshrl.u32 s10, $0x1  }
0x6: {  	s4 =	sadd.s32 $0x4C00, s0;
	s29 =	sshrl.u32 s26, $0x2;
	s12 =	ssub.s32 s10, s12  }
0x7: {  	s25 =	sshll.u32 s11, $0x1;
	s11 =	sadd.s32 s29, s1;
	s13 =	smax.u32 s12, $0x1  }
0x8: {  	_ =	strace $0x8000004D;
	s14 =	sadd.s32 $0x1400, s11;
	[dreg:$0x4] =	wrdreg s13  }
0x9: {  	s5 =	sadd.s32 $0xEF5A00, s0;
	s15 =	sadd.s32 $0x2800, s11;
	[dreg:$0x5] =	wrdreg s14  }
0xa: {  	s6 =	sadd.s32 $0x78800, s0;
	s16 =	sadd.s32 $0x3C00, s11;
	[dreg:$0x6] =	wrdreg s15  }
0xb: {  	s7 =	sadd.s32 $0x9B800, s0;
	s17 =	sadd.s32 $0x5000, s11;
	[dreg:$0x7] =	wrdreg s16  }
0xc: {  	s8 =	smul.u32 $0x140000, s2;
	s18 =	sadd.s32 $0x6400, s11;
	[dreg:$0x8] =	wrdreg s17  }
0xd: {  	s2 =	sor.u32 s2, s25;
	s19 =	sadd.s32 $0x7800, s11;
	[dreg:$0x9] =	wrdreg s18  }
0xe: {  	s8 =	sadd.s32 s9, s8;
	s20 =	sadd.s32 $0x8C00, s11;
	[dreg:$0xa] =	wrdreg s19  }
0xf: {  	s9 =	smul.u32 $0x8C00, s2;
	s21 =	sadd.s32 $0xA000, s11;
	[dreg:$0xb] =	wrdreg s20  }
0x10: {  	s28 =	sshrl.u32 s8, $0x3;
	s22 =	sadd.s32 $0xB400, s11;
	[dreg:$0xc] =	wrdreg s21  }
0x11: {  	s8 =	smul.u32 $0x2710, s2;
	s23 =	sadd.s32 $0xC800, s11;
	[dreg:$0xd] =	wrdreg s22  }
0x12: {  	s24 =	sadd.s32 $0xDC00, s11;
	s25 =	sadd.s32 $0xF000, s11;
	[dreg:$0xe] =	wrdreg s23  }
0x13: {  	s26 =	sadd.s32 $0x10400, s11;
	s29 =	sadd.s32 $0x12C00, s11;
	[dreg:$0xf] =	wrdreg s24  }
0x14: {  	s2 =	simm.s32 $0x6000;
	s12 =	simm.s32 $0x28;
	[dreg:$0x10] =	wrdreg s25  }
0x15: {  	s0 =	sadd.s32 s28, s0;
	[dreg:$0x11] =	wrdreg s26;
	s28 =	sadd.s32 $0x11800, s11  }
0x16: {  	[dreg:$0x13] =	wrdreg s29;
	s13 =	simm.s32 $0x7400;
	s14 =	simm.s32 $0x4C00  }
0x17: {  	s15 =	simm.s32 $0x1;
	s16 =	simm.s32 $0x3;
	s17 =	simm.s32 $0x2  }
0x18: {  	s18 =	simm.s32 $0x4;
	s0 =	sadd.s32 $0xBE800, s0;
	[dreg:$0x12] =	wrdreg s28  }
0x19: {  	v0 =	vimm.f32 $0.0e+00;
	s10 =	sadd.s32 $0x28, s8;
	[dreg:$0x3] =	wrdreg s0;
	s0 =	simm.s32 $0x1C00  }
.LBB2_1:
0x1a: {  	s19 =	simm.s32 $0x0;
	s21 =	simm.s32 $0x200  }
.LBB2_2:
0x1b: {  	p0 =	sne.s32 s21, $0x4E00;
	[tilespmem:s19+$0x3870] =	vst v0  }
0x1c: {  	[tilespmem:s19+$0x3800] =	vst v0  }
0x1d: {  	[tilespmem:s19+$0x3810] =	vst v0  }
.Ltmp0:
0x1e: {  	[tilespmem:s19+$0x3820] =	vst v0;
	(pc) =	sbr.rel @p0 .LBB2_2-.Ltmp0, $4  }
0x1f: {  	[tilespmem:s19+$0x3830] =	vst v0  }
0x20: {  	[tilespmem:s19+$0x3840] =	vst v0  }
0x21: {  	[tilespmem:s19+$0x3850] =	vst v0  }
0x22: {  	[tilespmem:s19+$0x3860] =	vst v0;
	s19 =	sshra.s32 s21, $0x2;
	s21 =	sadd.s32 $0x200, s21  }
0x23: {  	[tilespmem:s19+$0x3870] =	vst v0  }
0x24: {  	[tilespmem:s19+$0x3800] =	vst v0  }
0x25: {  	[tilespmem:s19+$0x3810] =	vst v0  }
0x26: {  	[tilespmem:s19+$0x3820] =	vst v0  }
0x27: {  	[tilespmem:s19+$0x3830] =	vst v0  }
0x28: {  	[tilespmem:s19+$0x3840] =	vst v0  }
0x29: {  	[tilespmem:s19+$0x3850] =	vst v0  }
0x2a: {  	[tilespmem:s19+$0x3860] =	vst v0  }
0x2b: {  	[spmem:s11] =	stream.linear.scatter [tilespmem:s30], [sflag:$0x7], $0x1400, $0x38;
	[tilespmem:$0x1C800] =	vst v63  }
0x2c: {  	_ =	swait.ge [sflag:s31], $0x1400  }
0x2d: {  	[sflag:s31] =	ssyncset.done $0x0  }
0x2e: {  	s23 =	rddreg [dreg:$0x5];
	[sflag:s31] =	ssyncadd.s32 $0xFFFFEC00  }
0x2f: {  	[spmem:s23] =	stream.linear.scatter [tilespmem:s30], [sflag:$0x7], $0x1400, $0x38;
	[tilespmem:$0x1C800] =	vst v63  }
0x30: {  	_ =	swait.ge [sflag:s31], $0x1400  }
0x31: {  	[sflag:s31] =	ssyncset.done $0x0  }
0x32: {  	s24 =	rddreg [dreg:$0x6];
	[sflag:s31] =	ssyncadd.s32 $0xFFFFEC00  }
0x33: {  	[spmem:s24] =	stream.linear.scatter [tilespmem:s30], [sflag:$0x7], $0x1400, $0x38;
	[tilespmem:$0x1C800] =	vst v63  }
0x34: {  	_ =	swait.ge [sflag:s31], $0x1400  }
0x35: {  	[sflag:s31] =	ssyncset.done $0x0  }
0x36: {  	s25 =	rddreg [dreg:$0x7];
	[sflag:s31] =	ssyncadd.s32 $0xFFFFEC00  }
0x37: {  	[spmem:s25] =	stream.linear.scatter [tilespmem:s30], [sflag:$0x7], $0x1400, $0x38;
	[tilespmem:$0x1C800] =	vst v63  }
0x38: {  	_ =	swait.ge [sflag:s31], $0x1400  }
0x39: {  	[sflag:s31] =	ssyncset.done $0x0  }
0x3a: {  	s26 =	rddreg [dreg:$0x8];
	[sflag:s31] =	ssyncadd.s32 $0xFFFFEC00  }
0x3b: {  	[spmem:s26] =	stream.linear.scatter [tilespmem:s30], [sflag:$0x7], $0x1400, $0x38;
	[tilespmem:$0x1C800] =	vst v63  }
0x3c: {  	_ =	swait.ge [sflag:s31], $0x1400  }
0x3d: {  	[sflag:s31] =	ssyncset.done $0x0  }
0x3e: {  	s28 =	rddreg [dreg:$0x9];
	[sflag:s31] =	ssyncadd.s32 $0xFFFFEC00  }
0x3f: {  	[spmem:s28] =	stream.linear.scatter [tilespmem:s30], [sflag:$0x7], $0x1400, $0x38;
	[tilespmem:$0x1C800] =	vst v63  }
0x40: {  	_ =	swait.ge [sflag:s31], $0x1400  }
0x41: {  	[sflag:s31] =	ssyncset.done $0x0  }
0x42: {  	s29 =	rddreg [dreg:$0xa];
	[sflag:s31] =	ssyncadd.s32 $0xFFFFEC00  }
0x43: {  	[spmem:s29] =	stream.linear.scatter [tilespmem:s30], [sflag:$0x7], $0x1400, $0x38;
	[tilespmem:$0x1C800] =	vst v63  }
0x44: {  	_ =	swait.ge [sflag:s31], $0x1400  }
0x45: {  	[sflag:s31] =	ssyncset.done $0x0  }
0x46: {  	s20 =	rddreg [dreg:$0xb];
	[sflag:s31] =	ssyncadd.s32 $0xFFFFEC00  }
0x47: {  	[spmem:s20] =	stream.linear.scatter [tilespmem:s30], [sflag:$0x7], $0x1400, $0x38;
	[tilespmem:$0x1C800] =	vst v63  }
0x48: {  	_ =	swait.ge [sflag:s31], $0x1400  }
0x49: {  	[sflag:s31] =	ssyncset.done $0x0  }
0x4a: {  	s21 =	rddreg [dreg:$0xc];
	[sflag:s31] =	ssyncadd.s32 $0xFFFFEC00  }
0x4b: {  	[spmem:s21] =	stream.linear.scatter [tilespmem:s30], [sflag:$0x7], $0x1400, $0x38;
	[tilespmem:$0x1C800] =	vst v63  }
0x4c: {  	_ =	swait.ge [sflag:s31], $0x1400  }
0x4d: {  	[sflag:s31] =	ssyncset.done $0x0  }
0x4e: {  	s22 =	rddreg [dreg:$0xd];
	[sflag:s31] =	ssyncadd.s32 $0xFFFFEC00  }
0x4f: {  	[spmem:s22] =	stream.linear.scatter [tilespmem:s30], [sflag:$0x7], $0x1400, $0x38;
	[tilespmem:$0x1C800] =	vst v63  }
0x50: {  	_ =	swait.ge [sflag:s31], $0x1400  }
0x51: {  	[sflag:s31] =	ssyncset.done $0x0  }
0x52: {  	s23 =	rddreg [dreg:$0xe];
	[sflag:s31] =	ssyncadd.s32 $0xFFFFEC00  }
0x53: {  	[spmem:s23] =	stream.linear.scatter [tilespmem:s30], [sflag:$0x7], $0x1400, $0x38;
	[tilespmem:$0x1C800] =	vst v63  }
0x54: {  	_ =	swait.ge [sflag:s31], $0x1400  }
0x55: {  	[sflag:s31] =	ssyncset.done $0x0  }
0x56: {  	s24 =	rddreg [dreg:$0xf];
	[sflag:s31] =	ssyncadd.s32 $0xFFFFEC00  }
0x57: {  	[spmem:s24] =	stream.linear.scatter [tilespmem:s30], [sflag:$0x7], $0x1400, $0x38;
	[tilespmem:$0x1C800] =	vst v63  }
0x58: {  	_ =	swait.ge [sflag:s31], $0x1400  }
0x59: {  	[sflag:s31] =	ssyncset.done $0x0  }
0x5a: {  	s25 =	rddreg [dreg:$0x10];
	[sflag:s31] =	ssyncadd.s32 $0xFFFFEC00  }
0x5b: {  	[spmem:s25] =	stream.linear.scatter [tilespmem:s30], [sflag:$0x7], $0x1400, $0x38;
	[tilespmem:$0x1C800] =	vst v63  }
0x5c: {  	_ =	swait.ge [sflag:s31], $0x1400  }
0x5d: {  	[sflag:s31] =	ssyncset.done $0x0  }
0x5e: {  	s26 =	rddreg [dreg:$0x11];
	[sflag:s31] =	ssyncadd.s32 $0xFFFFEC00  }
0x5f: {  	[spmem:s26] =	stream.linear.scatter [tilespmem:s30], [sflag:$0x7], $0x1400, $0x38;
	[tilespmem:$0x1C800] =	vst v63  }
0x60: {  	_ =	swait.ge [sflag:s31], $0x1400  }
0x61: {  	[sflag:s31] =	ssyncset.done $0x0  }
0x62: {  	s28 =	rddreg [dreg:$0x12];
	[sflag:s31] =	ssyncadd.s32 $0xFFFFEC00  }
0x63: {  	[spmem:s28] =	stream.linear.scatter [tilespmem:s30], [sflag:$0x7], $0x1400, $0x38;
	[tilespmem:$0x1C800] =	vst v63  }
0x64: {  	_ =	swait.ge [sflag:s31], $0x1400  }
0x65: {  	[sflag:s31] =	ssyncset.done $0x0  }
0x66: {  	s29 =	rddreg [dreg:$0x13];
	[sflag:s31] =	ssyncadd.s32 $0xFFFFEC00  }
0x67: {  	[spmem:s29] =	stream.linear.scatter [tilespmem:s30], [sflag:$0x7], $0x1400, $0x38;
	[tilespmem:$0x1C800] =	vst v63  }
0x68: {  	_ =	swait.ge [sflag:s31], $0x1400  }
0x69: {  	[sflag:s31] =	ssyncset.done $0x0  }
0x6a: {  	[sflag:s31] =	ssyncadd.s32 $0xFFFFEC00  }
0x6b: {  	s21 =	simm.s32 $0x0;
	s22 =	simm.s32 $0x0;
	[bflag:$0x0] =	sbarrier.arrive $0xFFFF  }
.LBB2_4:
0x6c: {  	s19 =	smul.u32 $0x1C00, s22;
	_ =	sdelay $0x1  }
0x6d: {  	s19 =	sadd.s32 s9, s19  }
0x6e: {  	s19 =	sshrl.u32 s19, $0x3  }
0x6f: {  	s23 =	sadd.s32 s6, s19  }
0x70: {  	[tilespmem:s21], [sflag:$0x7] =	stream.linear.gather [hbm4b:s23+s21], $0x1900, $0x38;
	[tilespmem:$0x1C800] =	vst v63  }
0x71: {  	_ =	swait.ge [sflag:s31], $0x1900  }
0x72: {  	[sflag:s31] =	ssyncset.done $0x0  }
0x73: {  	s19 =	sadd.s32 s7, s19;
	[sflag:s31] =	ssyncadd.s32 $0xFFFFE700  }
0x74: {  	[tilespmem:s0], [sflag:$0x7] =	stream.linear.gather [hbm4b:s19+s21], $0x1900, $0x38;
	[tilespmem:$0x1C800] =	vst v63  }
0x75: {  	_ =	swait.ge [sflag:s31], $0x1900  }
0x76: {  	s24 =	smul.u32 $0x19, s22;
	[sflag:s31] =	ssyncset.done $0x0  }
0x77: {  	s25 =	simm.s32 $0x0;
	s23 =	smul.u32 $0x32, s22;
	[sflag:s31] =	ssyncadd.s32 $0xFFFFE700  }
.LBB2_5:
0x78: {  	s19 =	sor.u32 s24, s25  }
0x79: {  	p0 =	seq.s32 s19, $0x0  }
0x7a: {  	s20 =	sshll.u32 s25, $0x1;
	s26 =	simm.s32 @!p0 $0x5  }
0x7b: {  	s19 =	sadd.s32 s23, s20;
	_ =	swait.ge @!p0 [sflag:s26], $0x1400  }
0x7c: {  	s19 =	smul.u32 $0x28, s19;
	[sflag:s26] =	ssyncset.done @!p0 $0x0  }
0x7d: {  	[sflag:s26] =	ssyncadd.s32 @!p0 $0xFFFFEC00;
	s26 =	simm.s32 @!p0 $0x6  }
0x7e: {  	s28 =	sadd.s32 s8, s19;
	_ =	swait.ge @!p0 [sflag:s26], $0x1400  }
0x7f: {  	s29 =	simm.s32 $0x0;
	s28 =	sshll.u32 s28, $0x4;
	[sflag:s26] =	ssyncset.done @!p0 $0x0  }
0x80: {  	s19 =	sadd.s32 s19, s10;
	s20 =	sadd.s32 s5, s28;
	[sflag:s26] =	ssyncadd.s32 @!p0 $0xFFFFEC00  }
0x81: {  	[tilespmem:s2], [sflag:$0x3] =	stream.linear.gather [hbm4b:s20+s29], $0x1400, $0x38;
	[tilespmem:$0x1C800] =	vst v63  }
0x82: {  	s19 =	sshll.u32 s19, $0x4;
	s28 =	sshll.u32 s25, $0x8  }
0x83: {  	[tilespmem:s30], [sflag:$0x1] =	stream.indirect.gather [hbm4b:s4+s12], $0x80, s28, s12, $0xb8;
	[tilespmem:$0x1C800] =	vst v63  }
0x84: {  	s19 =	sadd.s32 s5, s19  }
0x85: {  	[tilespmem:s13], [sflag:$0x4] =	stream.linear.gather [hbm4b:s19+s29], $0x1400, $0x38;
	[tilespmem:$0x1C800] =	vst v63  }
0x86: {  	s26 =	sor.u32 $0x80, s28  }
0x87: {  	[tilespmem:s14], [sflag:$0x2] =	stream.indirect.gather [hbm4b:s4+s12], $0x80, s26, s12, $0xb8;
	[tilespmem:$0x1C800] =	vst v63  }
0x88: {  	_ =	swait.ge [sflag:s15], $0x1400  }
0x89: {  	[sflag:s15] =	ssyncset.done $0x0  }
0x8a: {  	[sflag:s15] =	ssyncadd.s32 $0xFFFFEC00  }
0x8b: {  	_ =	swait.ge [sflag:s16], $0x1400  }
0x8c: {  	[sflag:s16] =	ssyncset.done $0x0  }
0x8d: {  	s29 =	simm.s32 $0x0;
	[sflag:s16] =	ssyncadd.s32 $0xFFFFEC00  }
0x8e: {  	v7 =	vld [tilespmem:s29+$0x6000]  }
0x8f: {  	v12 =	vld [tilespmem:s29+$0x6010]  }
0x90: {  	v6 =	vld [tilespmem:s29+$0x6020]  }
0x91: {  	v5 =	vld [tilespmem:s29+$0x6030]  }
0x92: {  	v4 =	vld [tilespmem:s29+$0x6040]  }
0x93: {  	v3 =	vld [tilespmem:s29+$0x6050]  }
0x94: {  	v2 =	vld [tilespmem:s29+$0x6060]  }
0x95: {  	v1 =	vld [tilespmem:s29+$0x6070]  }
0x96: {  	v13 =	vld [tilespmem:s29+$0x3800]  }
0x97: {  	v14 =	vld [tilespmem:s29+$0x3810]  }
0x98: {  	v11 =	vld [tilespmem:s29+$0x3820]  }
0x99: {  	v10 =	vld [tilespmem:s29+$0x3830]  }
0x9a: {  	v9 =	vld [tilespmem:s29+$0x3840]  }
0x9b: {  	v8 =	vld [tilespmem:s29+$0x3850];
	v13 =	vadd.f32 v7, v13  }
0x9c: {  	s19 =	simm.s32 $0x200;
	v12 =	vadd.f32 v12, v14;
	v7 =	vld [tilespmem:s29+$0x3860]  }
.LBB2_6:
0x9d: {  	s20 =	sshra.s32 s19, $0x2;
	p0 =	sne.s32 s19, $0x4E00;
	v13 =	vmax.f32 v13, $0.0e+00;
	v6 =	vadd.f32 v6, v11;
	v11 =	vld [tilespmem:s29+$0x3870]  }
0x9e: {  	v14 =	vld [tilespmem:s20+$0x6000];
	[tilespmem:s29+$0x3800] =	vst v13;
	v12 =	vmax.f32 v12, $0.0e+00;
	v5 =	vadd.f32 v5, v10  }
0x9f: {  	v15 =	vld [tilespmem:s20+$0x6010];
	[tilespmem:s29+$0x3810] =	vst v12;
	v10 =	vmax.f32 v6, $0.0e+00;
	v4 =	vadd.f32 v4, v9  }
0xa0: {  	v6 =	vld [tilespmem:s20+$0x6020];
	[tilespmem:s29+$0x3820] =	vst v10;
	v9 =	vmax.f32 v5, $0.0e+00;
	v3 =	vadd.f32 v3, v8  }
0xa1: {  	v5 =	vld [tilespmem:s20+$0x6030];
	[tilespmem:s29+$0x3830] =	vst v9;
	v8 =	vmax.f32 v4, $0.0e+00;
	v2 =	vadd.f32 v2, v7  }
0xa2: {  	v4 =	vld [tilespmem:s20+$0x6040];
	[tilespmem:s29+$0x3840] =	vst v8;
	v7 =	vmax.f32 v3, $0.0e+00;
	v1 =	vadd.f32 v1, v11  }
0xa3: {  	v3 =	vld [tilespmem:s20+$0x6050];
	[tilespmem:s29+$0x3850] =	vst v7;
	v7 =	vmax.f32 v2, $0.0e+00  }
0xa4: {  	v2 =	vld [tilespmem:s20+$0x6060];
	[tilespmem:s29+$0x3860] =	vst v7;
	v7 =	vmax.f32 v1, $0.0e+00  }
0xa5: {  	v1 =	vld [tilespmem:s20+$0x6070];
	[tilespmem:s29+$0x3870] =	vst v7;
	s29 =	smov.u32 s20  }
0xa6: {  	v7 =	vld [tilespmem:s29+$0x3800]  }
0xa7: {  	v12 =	vld [tilespmem:s29+$0x3810]  }
.Ltmp1:
0xa8: {  	v11 =	vld [tilespmem:s29+$0x3820];
	(pc) =	sbr.rel @p0 .LBB2_6-.Ltmp1, $4  }
0xa9: {  	v10 =	vld [tilespmem:s29+$0x3830]  }
0xaa: {  	v9 =	vld [tilespmem:s29+$0x3840]  }
0xab: {  	v13 =	vadd.f32 v14, v7;
	v8 =	vld [tilespmem:s29+$0x3850]  }
0xac: {  	s19 =	sadd.s32 $0x200, s19;
	v12 =	vadd.f32 v15, v12;
	v7 =	vld [tilespmem:s29+$0x3860]  }
0xad: {  	v13 =	vmax.f32 v13, $0.0e+00;
	v6 =	vadd.f32 v6, v11;
	v11 =	vld [tilespmem:s29+$0x3870]  }
0xae: {  	[tilespmem:s29+$0x3800] =	vst v13;
	v12 =	vmax.f32 v12, $0.0e+00;
	v5 =	vadd.f32 v5, v10  }
0xaf: {  	[tilespmem:s29+$0x3810] =	vst v12;
	v6 =	vmax.f32 v6, $0.0e+00;
	v4 =	vadd.f32 v4, v9  }
0xb0: {  	[tilespmem:s29+$0x3820] =	vst v6;
	v5 =	vmax.f32 v5, $0.0e+00;
	v3 =	vadd.f32 v3, v8  }
0xb1: {  	[tilespmem:s29+$0x3830] =	vst v5;
	v4 =	vmax.f32 v4, $0.0e+00;
	v2 =	vadd.f32 v2, v7  }
0xb2: {  	[tilespmem:s29+$0x3840] =	vst v4;
	v3 =	vmax.f32 v3, $0.0e+00;
	v1 =	vadd.f32 v1, v11  }
0xb3: {  	[tilespmem:s29+$0x3850] =	vst v3;
	v2 =	vmax.f32 v2, $0.0e+00  }
0xb4: {  	[tilespmem:s29+$0x3860] =	vst v2;
	v1 =	vmax.f32 v1, $0.0e+00  }
0xb5: {  	s19 =	sadd.s32 $0x1C00, s28;
	[tilespmem:s29+$0x3870] =	vst v1  }
0xb6: {  	[spmem:s1] =	stream.indirect.scatter.add.f32 [tilespmem:s30], [sflag:$0x5], $0x80, s19, s12, $0xb8;
	[tilespmem:$0x1C800] =	vst v63  }
0xb7: {  	_ =	swait.ge [sflag:s17], $0x1400  }
0xb8: {  	[sflag:s17] =	ssyncset.done $0x0  }
0xb9: {  	[sflag:s17] =	ssyncadd.s32 $0xFFFFEC00  }
0xba: {  	_ =	swait.ge [sflag:s18], $0x1400  }
0xbb: {  	[sflag:s18] =	ssyncset.done $0x0  }
0xbc: {  	s28 =	simm.s32 $0x0;
	[sflag:s18] =	ssyncadd.s32 $0xFFFFEC00  }
0xbd: {  	v7 =	vld [tilespmem:s28+$0x7400]  }
0xbe: {  	v12 =	vld [tilespmem:s28+$0x7410]  }
0xbf: {  	v6 =	vld [tilespmem:s28+$0x7420]  }
0xc0: {  	v5 =	vld [tilespmem:s28+$0x7430]  }
0xc1: {  	v4 =	vld [tilespmem:s28+$0x7440]  }
0xc2: {  	v3 =	vld [tilespmem:s28+$0x7450]  }
0xc3: {  	v2 =	vld [tilespmem:s28+$0x7460]  }
0xc4: {  	v1 =	vld [tilespmem:s28+$0x7470]  }
0xc5: {  	v13 =	vld [tilespmem:s28+$0x4C00]  }
0xc6: {  	v14 =	vld [tilespmem:s28+$0x4C10]  }
0xc7: {  	v11 =	vld [tilespmem:s28+$0x4C20]  }
0xc8: {  	v10 =	vld [tilespmem:s28+$0x4C30]  }
0xc9: {  	v9 =	vld [tilespmem:s28+$0x4C40]  }
0xca: {  	v8 =	vld [tilespmem:s28+$0x4C50];
	v13 =	vadd.f32 v7, v13  }
0xcb: {  	s19 =	simm.s32 $0x200;
	v12 =	vadd.f32 v12, v14;
	v7 =	vld [tilespmem:s28+$0x4C60]  }
.LBB2_8:
0xcc: {  	s20 =	sshra.s32 s19, $0x2;
	p0 =	sne.s32 s19, $0x4E00;
	v13 =	vmax.f32 v13, $0.0e+00;
	v6 =	vadd.f32 v6, v11;
	v11 =	vld [tilespmem:s28+$0x4C70]  }
0xcd: {  	v14 =	vld [tilespmem:s20+$0x7400];
	[tilespmem:s28+$0x4C00] =	vst v13;
	v12 =	vmax.f32 v12, $0.0e+00;
	v5 =	vadd.f32 v5, v10  }
0xce: {  	v15 =	vld [tilespmem:s20+$0x7410];
	[tilespmem:s28+$0x4C10] =	vst v12;
	v10 =	vmax.f32 v6, $0.0e+00;
	v4 =	vadd.f32 v4, v9  }
0xcf: {  	v6 =	vld [tilespmem:s20+$0x7420];
	[tilespmem:s28+$0x4C20] =	vst v10;
	v9 =	vmax.f32 v5, $0.0e+00;
	v3 =	vadd.f32 v3, v8  }
0xd0: {  	v5 =	vld [tilespmem:s20+$0x7430];
	[tilespmem:s28+$0x4C30] =	vst v9;
	v8 =	vmax.f32 v4, $0.0e+00;
	v2 =	vadd.f32 v2, v7  }
0xd1: {  	v4 =	vld [tilespmem:s20+$0x7440];
	[tilespmem:s28+$0x4C40] =	vst v8;
	v7 =	vmax.f32 v3, $0.0e+00;
	v1 =	vadd.f32 v1, v11  }
0xd2: {  	v3 =	vld [tilespmem:s20+$0x7450];
	[tilespmem:s28+$0x4C50] =	vst v7;
	v7 =	vmax.f32 v2, $0.0e+00  }
0xd3: {  	v2 =	vld [tilespmem:s20+$0x7460];
	[tilespmem:s28+$0x4C60] =	vst v7;
	v7 =	vmax.f32 v1, $0.0e+00  }
0xd4: {  	v1 =	vld [tilespmem:s20+$0x7470];
	[tilespmem:s28+$0x4C70] =	vst v7;
	s28 =	smov.u32 s20  }
0xd5: {  	v7 =	vld [tilespmem:s28+$0x4C00]  }
0xd6: {  	v12 =	vld [tilespmem:s28+$0x4C10]  }
.Ltmp2:
0xd7: {  	v11 =	vld [tilespmem:s28+$0x4C20];
	(pc) =	sbr.rel @p0 .LBB2_8-.Ltmp2, $4  }
0xd8: {  	v10 =	vld [tilespmem:s28+$0x4C30]  }
0xd9: {  	v9 =	vld [tilespmem:s28+$0x4C40]  }
0xda: {  	v13 =	vadd.f32 v14, v7;
	v8 =	vld [tilespmem:s28+$0x4C50]  }
0xdb: {  	s19 =	sadd.s32 $0x200, s19;
	v12 =	vadd.f32 v15, v12;
	v7 =	vld [tilespmem:s28+$0x4C60]  }
0xdc: {  	v13 =	vmax.f32 v13, $0.0e+00;
	v6 =	vadd.f32 v6, v11;
	v63 =	vld [tilespmem:s28+$0x4C70]  }
0xdd: {  	[tilespmem:s28+$0x4C00] =	vst v13;
	v12 =	vmax.f32 v12, $0.0e+00;
	v5 =	vadd.f32 v5, v10  }
0xde: {  	[tilespmem:s28+$0x4C10] =	vst v12;
	v6 =	vmax.f32 v6, $0.0e+00;
	v4 =	vadd.f32 v4, v9  }
0xdf: {  	s25 =	sadd.s32 $0x1, s25;
	[tilespmem:s28+$0x4C20] =	vst v6;
	v5 =	vmax.f32 v5, $0.0e+00;
	v3 =	vadd.f32 v3, v8  }
0xe0: {  	p0 =	sne.s32 s25, $0x19;
	[tilespmem:s28+$0x4C30] =	vst v5;
	v4 =	vmax.f32 v4, $0.0e+00;
	v2 =	vadd.f32 v2, v7  }
.Ltmp3:
0xe1: {  	[tilespmem:s28+$0x4C40] =	vst v4;
	v3 =	vmax.f32 v3, $0.0e+00;
	v1 =	vadd.f32 v1, v63;
	(pc) =	sbr.rel @p0 .LBB2_5-.Ltmp3, $4  }
0xe2: {  	[tilespmem:s28+$0x4C50] =	vst v3;
	v2 =	vmax.f32 v2, $0.0e+00  }
0xe3: {  	[tilespmem:s28+$0x4C60] =	vst v2;
	v1 =	vmax.f32 v1, $0.0e+00  }
0xe4: {  	s19 =	sadd.s32 $0x1C00, s26;
	[tilespmem:s28+$0x4C70] =	vst v1  }
0xe5: {  	[spmem:s1] =	stream.indirect.scatter.add.f32 [tilespmem:s14], [sflag:$0x6], $0x80, s19, s12, $0xb8;
	[tilespmem:$0x1C800] =	vst v63  }
0xe6: {  	s22 =	sadd.s32 $0x1, s22  }
0xe7: {  	p0 =	sne.s32 s22, $0x5  }
.Ltmp4:
0xe8: {  	_ = 	snop;
	(pc) =	sbr.rel @p0 .LBB2_4-.Ltmp4, $1  }
0xe9: {  	_ =	sdelay $0x3  }
0xea: {  	s19 =	simm.s32 $0x5  }
0xeb: {  	_ =	swait.ge [sflag:s19], $0x1400  }
0xec: {  	[sflag:s19] =	ssyncset.done $0x0  }
0xed: {  	s26 =	simm.s32 $0x6;
	[sflag:s19] =	ssyncadd.s32 $0xFFFFEC00  }
0xee: {  	_ =	swait.ge [sflag:s26], $0x1400  }
0xef: {  	[sflag:s26] =	ssyncset.done $0x0  }
0xf0: {  	s28 =	stileid.u32;
	[sflag:s26] =	ssyncadd.s32 $0xFFFFEC00  }
0xf1: {  	s19 =	sshll.u32 s28, $0x6;
	[bflag:$0x0] =	sbarrier.arrive $0xFFFF  }
0xf2: {  	s20 =	sshrl.u32 s11, $0x3;
	s19 =	sor.u32 $0x1C07, s19;
	s21 =	rddreg [dreg:$0x3]  }
0xf3: {  	[hbm:s21], [sflag:s19] =	dma.local [spmem:s20], $0x2800  }
0xf4: {  	_ =	swait.ge [sflag:s31], $0x2800  }
0xf5: {  	s3 =	sadd.s32 $0x1, s3;
	s29 =	rddreg [dreg:$0x4]  }
0xf6: {  	p0 =	sne.s32 s3, s29  }
.Ltmp5:
0xf7: {  	_ = 	snop;
	(pc) =	sbr.rel @p0 .LBB2_1-.Ltmp5, $3  }
0xf8: {  	_ =	sdelay $0x1  }
0xf9: {  	[sflag:s31] =	ssyncset.done $0x0  }
0xfa: {  	[sflag:s31] =	ssyncadd.s32 $0xFFFFD800  }
0xfb: {  	_ =	sfence.sel $0x180000  }
0xfc: {  	[bflag:$0x0] =	sbarrier.arrive $0xFFFF  }
0xfd: {  	_ =	strace $0x9000004D  }
0xfe: {  	s0 =	stileid.u32;
	[bflag:$0x2] =	sbarrier.arrive $0xFFFF  }
0xff: {  	p0 =	sne.s32 s0, $0x0;
	s0 =	rddreg [dreg:$0x2]  }
0x100: {  	s0 =	sadd.s32 @!p0 $0x100000, s0  }
0x101: {  	[sflag:s0] =	ssyncadd.tile.s32 @!p0 $0x1;
	_ =	shalt  }
.Lfunc_end2:
_tile_overlayer_lowered:
.L_overlay_start_2:
0x102: {  	(tag) =	ssettag $0x2  }
0x103: {  	s0 =	rddreg [dreg:$0x0];
	s2 =	stileid.u32  }
0x104: {  	s1 =	rddreg [dreg:$0x1];
	p0 =	sne.s32 s2, $0x0  }
0x105: {  	s3 =	rddreg [dreg:$0x2];
	[bflag:$0x3] =	sbarrier.arrive $0xFFFF;
	s2 =	simm.s32 @!p0 $0x1C07  }
0x106: {  	[timem:s3], [sflag:s2] =	dma.local @!p0 [hbm:s0], s1  }
0x107: {  	s0 =	simm.s32 @!p0 $0x7  }
0x108: {  	_ =	swait.ge @!p0 [sflag:s0], s1  }
0x109: {  	s1 =	ssub.s32 @!p0 $0x0, s1;
	[sflag:s0] =	ssyncset.done @!p0 $0x0  }
0x10a: {  	[sflag:s0] =	ssyncadd.s32 @!p0 s1  }
0x10b: {  	[bflag:$0x3] =	sbarrier.arrive $0xFFFF  }
0x10c: {  	_ =	shalt  }

</sc_bundles>
